<compile_context>
chip_gen: v7x
topology: tpu7x:2x2x1
jax: 0.10.2.dev20260603
libtpu: 0.0.44.dev20260713+nightly
codegen_flags: <defaults>
</compile_context>

<pallas_src>
import functools

import jax
import jax.numpy as jnp
from jax import lax
from jax.experimental import pallas as pl
from jax.experimental.pallas import tpu as pltpu
from jax.experimental.pallas import tpu_sc as plsc

NC = 2
NS = 16
NW = NC * NS
CHUNK = 128


def _sc_mesh():
    return plsc.VectorSubcoreMesh(core_axis_name="c", subcore_axis_name="s")


def _make_deg_kernel(NPAD, NCH, E):
    PER_W = NCH * CHUNK
    NRH = NPAD // CHUNK
    TAIL0 = (NW - 1) * PER_W
    NTW = (E - TAIL0) // CHUNK
    TW0 = 6

    @functools.partial(
        pl.kernel,
        out_type=jax.ShapeDtypeStruct((NW, NRH, CHUNK), jnp.float32),
        mesh=_sc_mesh(),
        scratch_types=[
            pltpu.VMEM((PER_W + CHUNK,), jnp.int32),
            pltpu.VMEM((NRH, CHUNK), jnp.float32),
        ],
        compiler_params=pltpu.CompilerParams(needs_layout_passes=False),
    )
    def deg_kernel(ei_hbm, zeros_hbm, out_hbm, dst_v, hist_v):
        cid = lax.axis_index("c")
        sid = lax.axis_index("s")
        w = cid * NS + sid
        pltpu.sync_copy(zeros_hbm, hist_v)
        ones = jnp.ones((16,), jnp.float32)

        def body(i, carry):
            idx = dst_v[pl.ds(i * 16, 16)]
            plsc.addupdate_scatter(
                hist_v, [lax.shift_right_logical(idx, 7), idx & 127], ones)
            return carry

        @pl.when(w < NW - 1)
        def _():
            pltpu.sync_copy(ei_hbm.at[1, pl.ds(w * PER_W, PER_W)],
                            dst_v.at[pl.ds(0, PER_W)])
            lax.fori_loop(0, PER_W // 16, body, 0)

        @pl.when((w >= TW0) & (w < TW0 + NTW))
        def _():
            pltpu.sync_copy(
                ei_hbm.at[1, pl.ds(TAIL0 + (w - TW0) * CHUNK, CHUNK)],
                dst_v.at[pl.ds(PER_W, CHUNK)])
            lax.fori_loop(PER_W // 16, (PER_W + CHUNK) // 16, body, 0)

        pltpu.sync_copy(hist_v, out_hbm.at[w])

    return deg_kernel


def _make_edge_kernel(N, NPAD, NCH, C, E):
    RPT = NPAD // NS
    NBUF = 2
    NHALF = 2
    HCH = NCH // NHALF
    HW = HCH * CHUNK
    PER_W = NCH * CHUNK
    TAIL0 = (NW - 1) * PER_W
    NTW = (E - TAIL0) // CHUNK
    TW0 = 6
    assert NCH % (NHALF * NBUF) == 0

    @functools.partial(
        pl.kernel,
        out_type=jax.ShapeDtypeStruct((NC, NPAD, C), jnp.float32),
        mesh=_sc_mesh(),
        scratch_types=[
            pltpu.VMEM((HW,), jnp.int32),
            pltpu.VMEM((HW,), jnp.int32),
            pltpu.VMEM((NBUF, CHUNK, C), jnp.float32),
            pltpu.VMEM_SHARED((NPAD, C), jnp.float32),
            [pltpu.SemaphoreType.DMA] * NBUF,
            [pltpu.SemaphoreType.DMA] * NBUF,
        ],
    )
    def edge_kernel(xs_hbm, ei_hbm, zeros_hbm, out_hbm,
                    src_v, dst_v, rows_v, acc, gsem, ssem):
        cid = lax.axis_index("c")
        sid = lax.axis_index("s")
        w = cid * NS + sid
        base = sid * RPT
        pltpu.sync_copy(zeros_hbm.at[pl.ds(base, RPT)], acc.at[pl.ds(base, RPT)])
        plsc.subcore_barrier()

        def gidx(j):
            return src_v.at[pl.ds(j * CHUNK, CHUNK)]

        def sidx(j):
            return dst_v.at[pl.ds(j * CHUNK, CHUNK)]

        @pl.when(w < NW - 1)
        def _():
            for h in range(NHALF):
                off = w * PER_W + h * HW
                pltpu.sync_copy(ei_hbm.at[0, pl.ds(off, HW)], src_v)
                pltpu.sync_copy(ei_hbm.at[1, pl.ds(off, HW)], dst_v)
                for b in range(NBUF):
                    pltpu.async_copy(xs_hbm.at[gidx(b)], rows_v.at[b],
                                     gsem[b])

                def body(g, carry):
                    for b in range(NBUF):
                        j = g * NBUF + b
                        pltpu.make_async_copy(
                            xs_hbm.at[gidx(j)], rows_v.at[b], gsem[b]).wait()
                        pltpu.sync_copy(rows_v.at[b], acc.at[sidx(j)],
                                        add=True)
                        pltpu.async_copy(
                            xs_hbm.at[gidx(j + NBUF)], rows_v.at[b], gsem[b])
                    return carry

                lax.fori_loop(0, HCH // NBUF - 1, body, 0)
                for b in range(NBUF):
                    j = HCH - NBUF + b
                    pltpu.make_async_copy(
                        xs_hbm.at[gidx(j)], rows_v.at[b], gsem[b]).wait()
                    pltpu.sync_copy(rows_v.at[b], acc.at[sidx(j)], add=True)

        @pl.when((w >= TW0) & (w < TW0 + NTW))
        def _():
            toff = TAIL0 + (w - TW0) * CHUNK
            pltpu.sync_copy(ei_hbm.at[0, pl.ds(toff, CHUNK)],
                            src_v.at[pl.ds(0, CHUNK)])
            pltpu.sync_copy(ei_hbm.at[1, pl.ds(toff, CHUNK)],
                            dst_v.at[pl.ds(0, CHUNK)])
            pltpu.async_copy(xs_hbm.at[gidx(0)], rows_v.at[0], gsem[0]).wait()
            pltpu.sync_copy(rows_v.at[0], acc.at[sidx(0)], add=True)

        plsc.subcore_barrier()
        pltpu.sync_copy(acc.at[pl.ds(base, RPT)], out_hbm.at[cid, pl.ds(base, RPT)])

    return edge_kernel


def _rows_to_col(rows, BR):
    eye = (lax.broadcasted_iota(jnp.int32, (CHUNK, CHUNK), 0) ==
           lax.broadcasted_iota(jnp.int32, (CHUNK, CHUNK), 1))
    cols = []
    for g in range(BR):
        bc = jnp.broadcast_to(rows[g:g + 1, :], (CHUNK, CHUNK))
        cols.append(jnp.sum(jnp.where(eye, bc, 0.0), axis=1, keepdims=True))
    return jnp.concatenate(cols, axis=0)


def _k1(x, W1, degp, N, BN, C):
    BR = BN // CHUNK

    def body(x_ref, w_ref, degp_ref, xs_ref, dis_ref):
        deg = _rows_to_col(jnp.sum(degp_ref[...], axis=0), BR) + 1.0
        dis = lax.rsqrt(deg)
        xw = jnp.dot(x_ref[...], w_ref[...], preferred_element_type=jnp.float32)
        xs_ref[...] = xw * dis
        dis_ref[...] = dis

    return pl.pallas_call(
        body,
        grid=(-(-N // BN),),
        in_specs=[
            pl.BlockSpec((BN, C), lambda i: (i, 0)),
            pl.BlockSpec((C, C), lambda i: (0, 0)),
            pl.BlockSpec((NW, BR, CHUNK), lambda i: (0, i, 0)),
        ],
        out_specs=[
            pl.BlockSpec((BN, C), lambda i: (i, 0)),
            pl.BlockSpec((BN, 1), lambda i: (i, 0)),
        ],
        out_shape=[
            jax.ShapeDtypeStruct((N, C), jnp.float32),
            jax.ShapeDtypeStruct((N, 1), jnp.float32),
        ],
    )(x, W1, degp)


def _k2(accp, xs1, dis, b1, W2, N, BN, C):
    def body(accp_ref, xs1_ref, dis_ref, b_ref, w_ref, xs2_ref):
        acc = accp_ref[0] + accp_ref[1] + xs1_ref[...]
        h = jnp.maximum(acc * dis_ref[...] + b_ref[...], 0.0)
        xs2_ref[...] = jnp.dot(
            h, w_ref[...], preferred_element_type=jnp.float32) * dis_ref[...]

    return pl.pallas_call(
        body,
        grid=(-(-N // BN),),
        in_specs=[
            pl.BlockSpec((NC, BN, C), lambda i: (0, i, 0)),
            pl.BlockSpec((BN, C), lambda i: (i, 0)),
            pl.BlockSpec((BN, 1), lambda i: (i, 0)),
            pl.BlockSpec((1, C), lambda i: (0, 0)),
            pl.BlockSpec((C, C), lambda i: (0, 0)),
        ],
        out_specs=pl.BlockSpec((BN, C), lambda i: (i, 0)),
        out_shape=jax.ShapeDtypeStruct((N, C), jnp.float32),
    )(accp, xs1, dis, b1, W2)


def _k3(accp, xs2, dis, b2, N, BN, C):
    inv_n = 1.0 / N

    def body(accp_ref, xs2_ref, dis_ref, b_ref, h_ref, gs_ref):
        i = pl.program_id(0)
        acc = accp_ref[0] + accp_ref[1] + xs2_ref[...]
        h = jnp.maximum(acc * dis_ref[...] + b_ref[...], 0.0)
        h_ref[...] = h

        @pl.when(i == 0)
        def _():
            gs_ref[...] = jnp.zeros_like(gs_ref)

        row = i * BN + lax.broadcasted_iota(jnp.int32, (BN, 1), 0)
        hm = jnp.where(row < N, h, 0.0)
        gs_ref[...] += jnp.sum(hm, axis=0, keepdims=True) * inv_n

    return pl.pallas_call(
        body,
        grid=(-(-N // BN),),
        in_specs=[
            pl.BlockSpec((NC, BN, C), lambda i: (0, i, 0)),
            pl.BlockSpec((BN, C), lambda i: (i, 0)),
            pl.BlockSpec((BN, 1), lambda i: (i, 0)),
            pl.BlockSpec((1, C), lambda i: (0, 0)),
        ],
        out_specs=[
            pl.BlockSpec((BN, C), lambda i: (i, 0)),
            pl.BlockSpec((1, C), lambda i: (0, 0)),
        ],
        out_shape=[
            jax.ShapeDtypeStruct((N, C), jnp.float32),
            jax.ShapeDtypeStruct((1, C), jnp.float32),
        ],
    )(accp, xs2, dis, b2)


def kernel(x, edge_index, W1, b1, W2, b2):
    N, C = x.shape
    E = edge_index.shape[1]
    NCH = -(-(-(-E // (NW * CHUNK))) // 4) * 4
    assert (NW - 1) * NCH * CHUNK <= E and E % CHUNK == 0
    RPT = -(-(-(-(N + 1) // NS)) // 8) * 8
    NPAD = RPT * NS
    BN = 1024

    zeros_deg = jnp.zeros((NPAD // CHUNK, CHUNK), jnp.float32)
    zeros_acc = jnp.zeros((NPAD, C), jnp.float32)

    deg_k = _make_deg_kernel(NPAD, NCH, E)
    edge_k = _make_edge_kernel(N, NPAD, NCH, C, E)

    degp = deg_k(edge_index, zeros_deg)
    xs1, dis = _k1(x, W1, degp, N, BN, C)
    accp1 = edge_k(xs1, edge_index, zeros_acc)
    xs2 = _k2(accp1, xs1, dis, b1.reshape(1, C), W2, N, BN, C)
    accp2 = edge_k(xs2, edge_index, zeros_acc)
    h, gmean = _k3(accp2, xs2, dis, b2.reshape(1, C), N, BN, C)
    return (h, gmean)

# --- scband reference (transcript-rebuilt; emitter-appended) ---
"""Pipeline reference for scband-spatial-gcn-11579231830106 (READ-ONLY COPY).

The authoritative reference and input builder live on the scoring server;
editing this copy changes nothing except your own understanding.
"""

import jax, jax.numpy as jnp
import numpy as np

N = 10000
E = 320000
IN_C = 128
HID_C = 128
OUT_C = 128


def setup_inputs(seed: int = 0) -> dict:
    key = jax.random.key(seed)
    k1, k2, k3, k4 = jax.random.split(key, 4)
    x = jax.random.normal(k1, (N, IN_C), dtype=jnp.float32)
    edge_index = jax.random.randint(k2, (2, E), 0, N, dtype=jnp.int32)
    W1 = jax.random.normal(k3, (IN_C, HID_C), dtype=jnp.float32) * (1.0 / np.sqrt(IN_C))
    b1 = jnp.zeros((HID_C,), dtype=jnp.float32)
    W2 = jax.random.normal(k4, (HID_C, OUT_C), dtype=jnp.float32) * (1.0 / np.sqrt(HID_C))
    b2 = jnp.zeros((OUT_C,), dtype=jnp.float32)
    return {"x": x, "edge_index": edge_index, "W1": W1, "b1": b1, "W2": W2, "b2": b2}


def _gcn_conv(x, edge_index, W, b):
    # Faithful PyG GCNConv: add self loops, symmetric normalization, linear, scatter-add, bias.
    num_nodes = x.shape[0]
    loop = jnp.arange(num_nodes, dtype=edge_index.dtype)
    src = jnp.concatenate([edge_index[0], loop])
    dst = jnp.concatenate([edge_index[1], loop])
    deg = jnp.zeros((num_nodes,), dtype=x.dtype).at[dst].add(1.0)
    deg_inv_sqrt = jnp.where(deg > 0, deg ** -0.5, 0.0)
    norm = deg_inv_sqrt[src] * deg_inv_sqrt[dst]
    xw = x @ W
    msg = xw[src] * norm[:, None]
    out = jnp.zeros((num_nodes, W.shape[1]), dtype=x.dtype).at[dst].add(msg)
    return out + b


def reference(x, edge_index, W1, b1, W2, b2):
    h = jax.nn.relu(_gcn_conv(x, edge_index, W1, b1))
    h = jax.nn.relu(_gcn_conv(h, edge_index, W2, b2))
    # batch is None -> single graph: global mean pool over all nodes -> [1, OUT_C]
    graph_embed = jnp.mean(h, axis=0, keepdims=True)
    return (h, graph_embed)

if __name__ == "__main__":
    import jax
    _d = setup_inputs()
    print(jax.jit(kernel)(*tuple(_d.values())))

</pallas_src>

<mosaic_0001>
#map = affine_map<(d0, d1) -> (0, 0)>
#map1 = affine_map<(d0, d1) -> (0, 0, 0)>
module attributes {stable_mosaic.version = 14 : i64} {
  func.func @deg_kernel(%arg0: i32, %arg1: i32, %arg2: memref<2x320000xi32, #tpu.memory_space<hbm>>, %arg3: memref<79x128xf32, #tpu.memory_space<hbm>>, %arg4: memref<32x79x128xf32, #tpu.memory_space<hbm>>, %arg5: memref<10368xi32, #tpu.memory_space<vmem>>, %arg6: memref<79x128xf32, #tpu.memory_space<vmem>>) attributes {dimension_semantics = [#tpu.dimension_semantics<core_parallel>, #tpu.dimension_semantics<subcore_parallel>], iteration_bounds = array<i64: 2, 16>, scalar_prefetch = 0 : i64, scratch_operands = 2 : i64, tpu.core_type = #tpu.core_type<sc_vector_subcore>, window_params = [{transform_indices = #map}, {transform_indices = #map}, {transform_indices = #map1}]} {
    %mul3A = arith.constant 16 : i32
    %mul3A_0 = arith.muli %arg0, %mul3A : i32
    %add3A = arith.addi %mul3A_0, %arg1 : i32
    "tpu.region"() ({
      %run_scoped3A = tpu.sem_alloc : memref<!tpu.dma_semaphore, #tpu.memory_space<semaphore_mem>>
      tpu.enqueue_dma source(%arg3 : memref<79x128xf32, #tpu.memory_space<hbm>>) target(%arg6 : memref<79x128xf32, #tpu.memory_space<vmem>>) target_semaphore(%run_scoped3A : memref<!tpu.dma_semaphore, #tpu.memory_space<semaphore_mem>>)
      tpu.wait_dma2 semaphore(%run_scoped3A : memref<!tpu.dma_semaphore, #tpu.memory_space<semaphore_mem>>) src(%arg3 : memref<79x128xf32, #tpu.memory_space<hbm>>) dst(%arg6 : memref<79x128xf32, #tpu.memory_space<vmem>>)
      tpu.yield
    }) : () -> ()
    %broadcast_in_dim3A = arith.constant 1.000000e+00 : f32
    %broadcast_in_dim3A_1 = vector.broadcast %broadcast_in_dim3A : f32 to vector<16xf32>
    %lt3A = arith.constant 31 : i32
    %lt3A_2 = arith.cmpi slt, %add3A, %lt3A : i32
    %convert_element_type3A = arith.extui %lt3A_2 : i1 to i32
    %cond3A = arith.constant 0 : i32
    %cond3A_3 = arith.cmpi ne, %convert_element_type3A, %cond3A : i32
    scf.if %cond3A_3 {
      %mul3A_10 = arith.constant 10240 : i32
      %mul3A_11 = arith.muli %add3A, %mul3A_10 : i32
      %run_scoped3A = arith.constant 1 : i32
      "tpu.region"() ({
        %run_scoped3A_17 = tpu.sem_alloc : memref<!tpu.dma_semaphore, #tpu.memory_space<semaphore_mem>>
        %dma_start3A = arith.constant 0 : i32
        %dma_start3A_18 = tpu.memref_slice %arg5[%dma_start3A] : memref<10368xi32, #tpu.memory_space<vmem>> -> memref<10240xi32, #tpu.memory_space<vmem>>
        %dma_start3A_19 = tpu.memref_slice %arg2[%run_scoped3A, %mul3A_11] : memref<2x320000xi32, #tpu.memory_space<hbm>> -> memref<1x10240xi32, #tpu.memory_space<hbm>>
        %dma_start3A_20 = tpu.memref_squeeze %dma_start3A_19 : memref<1x10240xi32, #tpu.memory_space<hbm>> -> memref<10240xi32, #tpu.memory_space<hbm>>
        %dma_start3A_21 = arith.constant 0 : i32
        %dma_start3A_22 = tpu.memref_slice %arg5[%dma_start3A_21] : memref<10368xi32, #tpu.memory_space<vmem>> -> memref<10240xi32, #tpu.memory_space<vmem>>
        %dma_start3A_23 = tpu.memref_slice %arg2[%run_scoped3A, %mul3A_11] : memref<2x320000xi32, #tpu.memory_space<hbm>> -> memref<1x10240xi32, #tpu.memory_space<hbm>>
        %dma_start3A_24 = tpu.memref_squeeze %dma_start3A_23 : memref<1x10240xi32, #tpu.memory_space<hbm>> -> memref<10240xi32, #tpu.memory_space<hbm>>
        tpu.enqueue_dma source(%dma_start3A_24 : memref<10240xi32, #tpu.memory_space<hbm>>) target(%dma_start3A_22 : memref<10240xi32, #tpu.memory_space<vmem>>) target_semaphore(%run_scoped3A_17 : memref<!tpu.dma_semaphore, #tpu.memory_space<semaphore_mem>>)
        %dma_wait3A = arith.constant 0 : i32
        %dma_wait3A_25 = tpu.memref_slice %arg5[%dma_wait3A] : memref<10368xi32, #tpu.memory_space<vmem>> -> memref<10240xi32, #tpu.memory_space<vmem>>
        %dma_wait3A_26 = tpu.memref_slice %arg2[%run_scoped3A, %mul3A_11] : memref<2x320000xi32, #tpu.memory_space<hbm>> -> memref<1x10240xi32, #tpu.memory_space<hbm>>
        %dma_wait3A_27 = tpu.memref_squeeze %dma_wait3A_26 : memref<1x10240xi32, #tpu.memory_space<hbm>> -> memref<10240xi32, #tpu.memory_space<hbm>>
        %dma_wait3A_28 = arith.constant 0 : i32
        %dma_wait3A_29 = tpu.memref_slice %arg5[%dma_wait3A_28] : memref<10368xi32, #tpu.memory_space<vmem>> -> memref<10240xi32, #tpu.memory_space<vmem>>
        %dma_wait3A_30 = tpu.memref_slice %arg2[%run_scoped3A, %mul3A_11] : memref<2x320000xi32, #tpu.memory_space<hbm>> -> memref<1x10240xi32, #tpu.memory_space<hbm>>
        %dma_wait3A_31 = tpu.memref_squeeze %dma_wait3A_30 : memref<1x10240xi32, #tpu.memory_space<hbm>> -> memref<10240xi32, #tpu.memory_space<hbm>>
        tpu.wait_dma2 semaphore(%run_scoped3A_17 : memref<!tpu.dma_semaphore, #tpu.memory_space<semaphore_mem>>) src(%dma_wait3A_31 : memref<10240xi32, #tpu.memory_space<hbm>>) dst(%dma_wait3A_29 : memref<10240xi32, #tpu.memory_space<vmem>>)
        tpu.yield
      }) : () -> ()
      %scan3A = arith.constant 0 : i32
      %scan3A_12 = arith.constant 0 : i32
      %scan3A_13 = arith.constant 640 : i32
      %scan3A_14 = arith.addi %scan3A_12, %scan3A_13 : i32
      %scan3A_15 = arith.constant 1 : i32
      scf.for %scan3A_17 = %scan3A_12 to %scan3A_14 step %scan3A_15  : i32 {
        %mul3A_18 = arith.constant 16 : i32
        %mul3A_19 = arith.muli %scan3A_17, %mul3A_18 : i32
        %get3A = arith.index_cast %mul3A_19 : i32 to index
        %get3A_20 = tpu.vector_load %arg5[%get3A] {strides = array<i32>} : memref<10368xi32, #tpu.memory_space<vmem>>, vector<16xi32>,
        %shift_right_logical3A = arith.constant 7 : i32
        %shift_right_logical3A_21 = vector.broadcast %shift_right_logical3A : i32 to vector<16xi32>
        %shift_right_logical3A_22 = arith.shrui %get3A_20, %shift_right_logical3A_21 : vector<16xi32>
        %and3A_23 = arith.constant 127 : i32
        %and3A_24 = vector.broadcast %and3A_23 : i32 to vector<16xi32>
        %and3A_25 = arith.andi %get3A_20, %and3A_24 : vector<16xi32>
        tpu.vector_store_idx %arg6[%shift_right_logical3A_22, %and3A_25], %broadcast_in_dim3A_1 {add = true} : memref<79x128xf32, #tpu.memory_space<vmem>>[vector<16xi32>, vector<16xi32>], vector<16xf32>,
      }
      %scan3A_16 = arith.constant 640 : i32
    } else {
    }
    %ge3A = arith.constant 6 : i32
    %ge3A_4 = arith.cmpi sge, %add3A, %ge3A : i32
    %lt3A_5 = arith.constant 26 : i32
    %lt3A_6 = arith.cmpi slt, %add3A, %lt3A_5 : i32
    %and3A = arith.andi %ge3A_4, %lt3A_6 : i1
    %convert_element_type3A_7 = arith.extui %and3A : i1 to i32
    %cond3A_8 = arith.constant 0 : i32
    %cond3A_9 = arith.cmpi ne, %convert_element_type3A_7, %cond3A_8 : i32
    scf.if %cond3A_9 {
      %sub3A = arith.constant 6 : i32
      %sub3A_10 = arith.subi %add3A, %sub3A : i32
      %mul3A_11 = arith.constant 128 : i32
      %mul3A_12 = arith.muli %sub3A_10, %mul3A_11 : i32
      %add3A_13 = arith.constant 317440 : i32
      %add3A_14 = arith.addi %add3A_13, %mul3A_12 : i32
      %run_scoped3A = arith.constant 1 : i32
      "tpu.region"() ({
        %run_scoped3A_20 = tpu.sem_alloc : memref<!tpu.dma_semaphore, #tpu.memory_space<semaphore_mem>>
        %dma_start3A = arith.constant 10240 : i32
        %dma_start3A_21 = tpu.memref_slice %arg5[%dma_start3A] : memref<10368xi32, #tpu.memory_space<vmem>> -> memref<128xi32, #tpu.memory_space<vmem>>
        %dma_start3A_22 = tpu.memref_slice %arg2[%run_scoped3A, %add3A_14] : memref<2x320000xi32, #tpu.memory_space<hbm>> -> memref<1x128xi32, #tpu.memory_space<hbm>>
        %dma_start3A_23 = tpu.memref_squeeze %dma_start3A_22 : memref<1x128xi32, #tpu.memory_space<hbm>> -> memref<128xi32, #tpu.memory_space<hbm>>
        %dma_start3A_24 = arith.constant 10240 : i32
        %dma_start3A_25 = tpu.memref_slice %arg5[%dma_start3A_24] : memref<10368xi32, #tpu.memory_space<vmem>> -> memref<128xi32, #tpu.memory_space<vmem>>
        %dma_start3A_26 = tpu.memref_slice %arg2[%run_scoped3A, %add3A_14] : memref<2x320000xi32, #tpu.memory_space<hbm>> -> memref<1x128xi32, #tpu.memory_space<hbm>>
        %dma_start3A_27 = tpu.memref_squeeze %dma_start3A_26 : memref<1x128xi32, #tpu.memory_space<hbm>> -> memref<128xi32, #tpu.memory_space<hbm>>
        tpu.enqueue_dma source(%dma_start3A_27 : memref<128xi32, #tpu.memory_space<hbm>>) target(%dma_start3A_25 : memref<128xi32, #tpu.memory_space<vmem>>) target_semaphore(%run_scoped3A_20 : memref<!tpu.dma_semaphore, #tpu.memory_space<semaphore_mem>>)
        %dma_wait3A = arith.constant 10240 : i32
        %dma_wait3A_28 = tpu.memref_slice %arg5[%dma_wait3A] : memref<10368xi32, #tpu.memory_space<vmem>> -> memref<128xi32, #tpu.memory_space<vmem>>
        %dma_wait3A_29 = tpu.memref_slice %arg2[%run_scoped3A, %add3A_14] : memref<2x320000xi32, #tpu.memory_space<hbm>> -> memref<1x128xi32, #tpu.memory_space<hbm>>
        %dma_wait3A_30 = tpu.memref_squeeze %dma_wait3A_29 : memref<1x128xi32, #tpu.memory_space<hbm>> -> memref<128xi32, #tpu.memory_space<hbm>>
        %dma_wait3A_31 = arith.constant 10240 : i32
        %dma_wait3A_32 = tpu.memref_slice %arg5[%dma_wait3A_31] : memref<10368xi32, #tpu.memory_space<vmem>> -> memref<128xi32, #tpu.memory_space<vmem>>
        %dma_wait3A_33 = tpu.memref_slice %arg2[%run_scoped3A, %add3A_14] : memref<2x320000xi32, #tpu.memory_space<hbm>> -> memref<1x128xi32, #tpu.memory_space<hbm>>
        %dma_wait3A_34 = tpu.memref_squeeze %dma_wait3A_33 : memref<1x128xi32, #tpu.memory_space<hbm>> -> memref<128xi32, #tpu.memory_space<hbm>>
        tpu.wait_dma2 semaphore(%run_scoped3A_20 : memref<!tpu.dma_semaphore, #tpu.memory_space<semaphore_mem>>) src(%dma_wait3A_34 : memref<128xi32, #tpu.memory_space<hbm>>) dst(%dma_wait3A_32 : memref<128xi32, #tpu.memory_space<vmem>>)
        tpu.yield
      }) : () -> ()
      %scan3A = arith.constant 0 : i32
      %scan3A_15 = arith.constant 640 : i32
      %scan3A_16 = arith.constant 8 : i32
      %scan3A_17 = arith.addi %scan3A_15, %scan3A_16 : i32
      %scan3A_18 = arith.constant 1 : i32
      scf.for %scan3A_20 = %scan3A_15 to %scan3A_17 step %scan3A_18  : i32 {
        %mul3A_21 = arith.constant 16 : i32
        %mul3A_22 = arith.muli %scan3A_20, %mul3A_21 : i32
        %get3A = arith.index_cast %mul3A_22 : i32 to index
        %get3A_23 = tpu.vector_load %arg5[%get3A] {strides = array<i32>} : memref<10368xi32, #tpu.memory_space<vmem>>, vector<16xi32>,
        %shift_right_logical3A = arith.constant 7 : i32
        %shift_right_logical3A_24 = vector.broadcast %shift_right_logical3A : i32 to vector<16xi32>
        %shift_right_logical3A_25 = arith.shrui %get3A_23, %shift_right_logical3A_24 : vector<16xi32>
        %and3A_26 = arith.constant 127 : i32
        %and3A_27 = vector.broadcast %and3A_26 : i32 to vector<16xi32>
        %and3A_28 = arith.andi %get3A_23, %and3A_27 : vector<16xi32>
        tpu.vector_store_idx %arg6[%shift_right_logical3A_25, %and3A_28], %broadcast_in_dim3A_1 {add = true} : memref<79x128xf32, #tpu.memory_space<vmem>>[vector<16xi32>, vector<16xi32>], vector<16xf32>,
      }
      %scan3A_19 = arith.constant 8 : i32
    } else {
    }
    "tpu.region"() ({
      %run_scoped3A = tpu.sem_alloc : memref<!tpu.dma_semaphore, #tpu.memory_space<semaphore_mem>>
      %dma_start3A = arith.constant 0 : i32
      %dma_start3A_10 = arith.constant 0 : i32
      %dma_start3A_11 = tpu.memref_slice %arg4[%add3A, %dma_start3A, %dma_start3A_10] : memref<32x79x128xf32, #tpu.memory_space<hbm>> -> memref<1x79x128xf32, #tpu.memory_space<hbm>>
      %dma_start3A_12 = tpu.memref_squeeze %dma_start3A_11 : memref<1x79x128xf32, #tpu.memory_space<hbm>> -> memref<79x128xf32, #tpu.memory_space<hbm>>
      %dma_start3A_13 = arith.constant 0 : i32
      %dma_start3A_14 = arith.constant 0 : i32
      %dma_start3A_15 = tpu.memref_slice %arg4[%add3A, %dma_start3A_13, %dma_start3A_14] : memref<32x79x128xf32, #tpu.memory_space<hbm>> -> memref<1x79x128xf32, #tpu.memory_space<hbm>>
      %dma_start3A_16 = tpu.memref_squeeze %dma_start3A_15 : memref<1x79x128xf32, #tpu.memory_space<hbm>> -> memref<79x128xf32, #tpu.memory_space<hbm>>
      tpu.enqueue_dma source(%arg6 : memref<79x128xf32, #tpu.memory_space<vmem>>) target(%dma_start3A_16 : memref<79x128xf32, #tpu.memory_space<hbm>>) target_semaphore(%run_scoped3A : memref<!tpu.dma_semaphore, #tpu.memory_space<semaphore_mem>>)
      %dma_wait3A = arith.constant 0 : i32
      %dma_wait3A_17 = arith.constant 0 : i32
      %dma_wait3A_18 = tpu.memref_slice %arg4[%add3A, %dma_wait3A, %dma_wait3A_17] : memref<32x79x128xf32, #tpu.memory_space<hbm>> -> memref<1x79x128xf32, #tpu.memory_space<hbm>>
      %dma_wait3A_19 = tpu.memref_squeeze %dma_wait3A_18 : memref<1x79x128xf32, #tpu.memory_space<hbm>> -> memref<79x128xf32, #tpu.memory_space<hbm>>
      %dma_wait3A_20 = arith.constant 0 : i32
      %dma_wait3A_21 = arith.constant 0 : i32
      %dma_wait3A_22 = tpu.memref_slice %arg4[%add3A, %dma_wait3A_20, %dma_wait3A_21] : memref<32x79x128xf32, #tpu.memory_space<hbm>> -> memref<1x79x128xf32, #tpu.memory_space<hbm>>
      %dma_wait3A_23 = tpu.memref_squeeze %dma_wait3A_22 : memref<1x79x128xf32, #tpu.memory_space<hbm>> -> memref<79x128xf32, #tpu.memory_space<hbm>>
      tpu.wait_dma2 semaphore(%run_scoped3A : memref<!tpu.dma_semaphore, #tpu.memory_space<semaphore_mem>>) src(%arg6 : memref<79x128xf32, #tpu.memory_space<vmem>>) dst(%dma_wait3A_23 : memref<79x128xf32, #tpu.memory_space<hbm>>)
      tpu.yield
    }) : () -> ()
    return
  }
}

#map = affine_map<(d0, d1) -> (0, 0)>
#map1 = affine_map<(d0, d1) -> (0, 0, 0)>
module attributes {stable_mosaic.version = 14 : i64} {
  func.func @edge_kernel(%arg0: i32, %arg1: i32, %arg2: memref<10000x128xf32, #tpu.memory_space<hbm>>, %arg3: memref<2x320000xi32, #tpu.memory_space<hbm>>, %arg4: memref<10112x128xf32, #tpu.memory_space<hbm>>, %arg5: memref<2x10112x128xf32, #tpu.memory_space<hbm>>, %arg6: memref<5120xi32, #tpu.memory_space<vmem>>, %arg7: memref<5120xi32, #tpu.memory_space<vmem>>, %arg8: memref<2x128x128xf32, #tpu.memory_space<vmem>>, %arg9: memref<10112x128xf32, #tpu.memory_space<vmem_shared>>, %arg10: memref<!tpu.dma_semaphore, #tpu.memory_space<semaphore_mem>>, %arg11: memref<!tpu.dma_semaphore, #tpu.memory_space<semaphore_mem>>, %arg12: memref<!tpu.dma_semaphore, #tpu.memory_space<semaphore_mem>>, %arg13: memref<!tpu.dma_semaphore, #tpu.memory_space<semaphore_mem>>) attributes {dimension_semantics = [#tpu.dimension_semantics<core_parallel>, #tpu.dimension_semantics<subcore_parallel>], iteration_bounds = array<i64: 2, 16>, scalar_prefetch = 0 : i64, scratch_operands = 8 : i64, tpu.core_type = #tpu.core_type<sc_vector_subcore>, window_params = [{transform_indices = #map}, {transform_indices = #map}, {transform_indices = #map}, {transform_indices = #map1}]} {
    %mul3A = arith.constant 16 : i32
    %mul3A_0 = arith.muli %arg0, %mul3A : i32
    %add3A = arith.addi %mul3A_0, %arg1 : i32
    %mul3A_1 = arith.constant 632 : i32
    %mul3A_2 = arith.muli %arg1, %mul3A_1 : i32
    "tpu.region"() ({
      %run_scoped3A = tpu.sem_alloc : memref<!tpu.dma_semaphore, #tpu.memory_space<semaphore_mem>>
      %dma_start3A = arith.constant 0 : i32
      %dma_start3A_12 = tpu.memref_slice %arg9[%mul3A_2, %dma_start3A] : memref<10112x128xf32, #tpu.memory_space<vmem_shared>> -> memref<632x128xf32, #tpu.memory_space<vmem_shared>>
      %dma_start3A_13 = arith.constant 0 : i32
      %dma_start3A_14 = tpu.memref_slice %arg4[%mul3A_2, %dma_start3A_13] : memref<10112x128xf32, #tpu.memory_space<hbm>> -> memref<632x128xf32, #tpu.memory_space<hbm>>
      tpu.enqueue_dma source(%dma_start3A_14 : memref<632x128xf32, #tpu.memory_space<hbm>>) target(%dma_start3A_12 : memref<632x128xf32, #tpu.memory_space<vmem_shared>>) target_semaphore(%run_scoped3A : memref<!tpu.dma_semaphore, #tpu.memory_space<semaphore_mem>>)
      %dma_wait3A = arith.constant 0 : i32
      %dma_wait3A_15 = tpu.memref_slice %arg9[%mul3A_2, %dma_wait3A] : memref<10112x128xf32, #tpu.memory_space<vmem_shared>> -> memref<632x128xf32, #tpu.memory_space<vmem_shared>>
      %dma_wait3A_16 = arith.constant 0 : i32
      %dma_wait3A_17 = tpu.memref_slice %arg4[%mul3A_2, %dma_wait3A_16] : memref<10112x128xf32, #tpu.memory_space<hbm>> -> memref<632x128xf32, #tpu.memory_space<hbm>>
      tpu.wait_dma2 semaphore(%run_scoped3A : memref<!tpu.dma_semaphore, #tpu.memory_space<semaphore_mem>>) src(%dma_wait3A_17 : memref<632x128xf32, #tpu.memory_space<hbm>>) dst(%dma_wait3A_15 : memref<632x128xf32, #tpu.memory_space<vmem_shared>>)
      tpu.yield
    }) : () -> ()
    %barrier3A = arith.constant 0 : index
    tpu.barrier barrier_id(%barrier3A)
    %lt3A = arith.constant 31 : i32
    %lt3A_3 = arith.cmpi slt, %add3A, %lt3A : i32
    %convert_element_type3A = arith.extui %lt3A_3 : i1 to i32
    %cond3A = arith.constant 0 : i32
    %cond3A_4 = arith.cmpi ne, %convert_element_type3A, %cond3A : i32
    scf.if %cond3A_4 {
      %mul3A_12 = arith.constant 10240 : i32
      %mul3A_13 = arith.muli %add3A, %mul3A_12 : i32
      %add3A_14 = arith.constant 0 : i32
      %add3A_15 = arith.addi %mul3A_13, %add3A_14 : i32
      %run_scoped3A = arith.constant 0 : i32
      "tpu.region"() ({
        %run_scoped3A_116 = tpu.sem_alloc : memref<!tpu.dma_semaphore, #tpu.memory_space<semaphore_mem>>
        %dma_start3A_117 = tpu.memref_slice %arg3[%run_scoped3A, %add3A_15] : memref<2x320000xi32, #tpu.memory_space<hbm>> -> memref<1x5120xi32, #tpu.memory_space<hbm>>
        %dma_start3A_118 = tpu.memref_squeeze %dma_start3A_117 : memref<1x5120xi32, #tpu.memory_space<hbm>> -> memref<5120xi32, #tpu.memory_space<hbm>>
        %dma_start3A_119 = tpu.memref_slice %arg3[%run_scoped3A, %add3A_15] : memref<2x320000xi32, #tpu.memory_space<hbm>> -> memref<1x5120xi32, #tpu.memory_space<hbm>>
        %dma_start3A_120 = tpu.memref_squeeze %dma_start3A_119 : memref<1x5120xi32, #tpu.memory_space<hbm>> -> memref<5120xi32, #tpu.memory_space<hbm>>
        tpu.enqueue_dma source(%dma_start3A_120 : memref<5120xi32, #tpu.memory_space<hbm>>) target(%arg6 : memref<5120xi32, #tpu.memory_space<vmem>>) target_semaphore(%run_scoped3A_116 : memref<!tpu.dma_semaphore, #tpu.memory_space<semaphore_mem>>)
        %dma_wait3A_121 = tpu.memref_slice %arg3[%run_scoped3A, %add3A_15] : memref<2x320000xi32, #tpu.memory_space<hbm>> -> memref<1x5120xi32, #tpu.memory_space<hbm>>
        %dma_wait3A_122 = tpu.memref_squeeze %dma_wait3A_121 : memref<1x5120xi32, #tpu.memory_space<hbm>> -> memref<5120xi32, #tpu.memory_space<hbm>>
        %dma_wait3A_123 = tpu.memref_slice %arg3[%run_scoped3A, %add3A_15] : memref<2x320000xi32, #tpu.memory_space<hbm>> -> memref<1x5120xi32, #tpu.memory_space<hbm>>
        %dma_wait3A_124 = tpu.memref_squeeze %dma_wait3A_123 : memref<1x5120xi32, #tpu.memory_space<hbm>> -> memref<5120xi32, #tpu.memory_space<hbm>>
        tpu.wait_dma2 semaphore(%run_scoped3A_116 : memref<!tpu.dma_semaphore, #tpu.memory_space<semaphore_mem>>) src(%dma_wait3A_124 : memref<5120xi32, #tpu.memory_space<hbm>>) dst(%arg6 : memref<5120xi32, #tpu.memory_space<vmem>>)
        tpu.yield
      }) : () -> ()
      %run_scoped3A_16 = arith.constant 1 : i32
      "tpu.region"() ({
        %run_scoped3A_116 = tpu.sem_alloc : memref<!tpu.dma_semaphore, #tpu.memory_space<semaphore_mem>>
        %dma_start3A_117 = tpu.memref_slice %arg3[%run_scoped3A_16, %add3A_15] : memref<2x320000xi32, #tpu.memory_space<hbm>> -> memref<1x5120xi32, #tpu.memory_space<hbm>>
        %dma_start3A_118 = tpu.memref_squeeze %dma_start3A_117 : memref<1x5120xi32, #tpu.memory_space<hbm>> -> memref<5120xi32, #tpu.memory_space<hbm>>
        %dma_start3A_119 = tpu.memref_slice %arg3[%run_scoped3A_16, %add3A_15] : memref<2x320000xi32, #tpu.memory_space<hbm>> -> memref<1x5120xi32, #tpu.memory_space<hbm>>
        %dma_start3A_120 = tpu.memref_squeeze %dma_start3A_119 : memref<1x5120xi32, #tpu.memory_space<hbm>> -> memref<5120xi32, #tpu.memory_space<hbm>>
        tpu.enqueue_dma source(%dma_start3A_120 : memref<5120xi32, #tpu.memory_space<hbm>>) target(%arg7 : memref<5120xi32, #tpu.memory_space<vmem>>) target_semaphore(%run_scoped3A_116 : memref<!tpu.dma_semaphore, #tpu.memory_space<semaphore_mem>>)
        %dma_wait3A_121 = tpu.memref_slice %arg3[%run_scoped3A_16, %add3A_15] : memref<2x320000xi32, #tpu.memory_space<hbm>> -> memref<1x5120xi32, #tpu.memory_space<hbm>>
        %dma_wait3A_122 = tpu.memref_squeeze %dma_wait3A_121 : memref<1x5120xi32, #tpu.memory_space<hbm>> -> memref<5120xi32, #tpu.memory_space<hbm>>
        %dma_wait3A_123 = tpu.memref_slice %arg3[%run_scoped3A_16, %add3A_15] : memref<2x320000xi32, #tpu.memory_space<hbm>> -> memref<1x5120xi32, #tpu.memory_space<hbm>>
        %dma_wait3A_124 = tpu.memref_squeeze %dma_wait3A_123 : memref<1x5120xi32, #tpu.memory_space<hbm>> -> memref<5120xi32, #tpu.memory_space<hbm>>
        tpu.wait_dma2 semaphore(%run_scoped3A_116 : memref<!tpu.dma_semaphore, #tpu.memory_space<semaphore_mem>>) src(%dma_wait3A_124 : memref<5120xi32, #tpu.memory_space<hbm>>) dst(%arg7 : memref<5120xi32, #tpu.memory_space<vmem>>)
        tpu.yield
      }) : () -> ()
      %dma_start3A = arith.constant 0 : i32
      %dma_start3A_17 = arith.constant 0 : i32
      %dma_start3A_18 = arith.constant 0 : i32
      %dma_start3A_19 = tpu.memref_slice %arg8[%dma_start3A, %dma_start3A_17, %dma_start3A_18] : memref<2x128x128xf32, #tpu.memory_space<vmem>> -> memref<1x128x128xf32, #tpu.memory_space<vmem>>
      %dma_start3A_20 = tpu.memref_squeeze %dma_start3A_19 : memref<1x128x128xf32, #tpu.memory_space<vmem>> -> memref<128x128xf32, #tpu.memory_space<vmem>>
      %dma_start3A_21 = arith.constant 0 : i32
      %dma_start3A_22 = tpu.memref_slice %arg6[%dma_start3A_21] : memref<5120xi32, #tpu.memory_space<vmem>> -> memref<128xi32, #tpu.memory_space<vmem>>
      %dma_start3A_23 = arith.constant 0 : i32
      %dma_start3A_24 = arith.constant 0 : i32
      %dma_start3A_25 = tpu.memref_slice %arg2[%dma_start3A_23, %dma_start3A_24] : memref<10000x128xf32, #tpu.memory_space<hbm>> -> memref<10000x128xf32, #tpu.memory_space<hbm>>
      tpu.enqueue_indirect_dma source(%dma_start3A_25 : memref<10000x128xf32, #tpu.memory_space<hbm>>) target(%dma_start3A_20 : memref<128x128xf32, #tpu.memory_space<vmem>>) offsets(%dma_start3A_22 : memref<128xi32, #tpu.memory_space<vmem>>) semaphore(%arg10 : memref<!tpu.dma_semaphore, #tpu.memory_space<semaphore_mem>>)
      %dma_start3A_26 = arith.constant 1 : i32
      %dma_start3A_27 = arith.constant 0 : i32
      %dma_start3A_28 = arith.constant 0 : i32
      %dma_start3A_29 = tpu.memref_slice %arg8[%dma_start3A_26, %dma_start3A_27, %dma_start3A_28] : memref<2x128x128xf32, #tpu.memory_space<vmem>> -> memref<1x128x128xf32, #tpu.memory_space<vmem>>
      %dma_start3A_30 = tpu.memref_squeeze %dma_start3A_29 : memref<1x128x128xf32, #tpu.memory_space<vmem>> -> memref<128x128xf32, #tpu.memory_space<vmem>>
      %dma_start3A_31 = arith.constant 128 : i32
      %dma_start3A_32 = tpu.memref_slice %arg6[%dma_start3A_31] : memref<5120xi32, #tpu.memory_space<vmem>> -> memref<128xi32, #tpu.memory_space<vmem>>
      %dma_start3A_33 = arith.constant 0 : i32
      %dma_start3A_34 = arith.constant 0 : i32
      %dma_start3A_35 = tpu.memref_slice %arg2[%dma_start3A_33, %dma_start3A_34] : memref<10000x128xf32, #tpu.memory_space<hbm>> -> memref<10000x128xf32, #tpu.memory_space<hbm>>
      tpu.enqueue_indirect_dma source(%dma_start3A_35 : memref<10000x128xf32, #tpu.memory_space<hbm>>) target(%dma_start3A_30 : memref<128x128xf32, #tpu.memory_space<vmem>>) offsets(%dma_start3A_32 : memref<128xi32, #tpu.memory_space<vmem>>) semaphore(%arg11 : memref<!tpu.dma_semaphore, #tpu.memory_space<semaphore_mem>>)
      %scan3A = arith.constant 0 : i32
      %scan3A_36 = arith.constant 0 : i32
      %scan3A_37 = arith.constant 19 : i32
      %scan3A_38 = arith.addi %scan3A_36, %scan3A_37 : i32
      %scan3A_39 = arith.constant 1 : i32
      scf.for %scan3A_116 = %scan3A_36 to %scan3A_38 step %scan3A_39  : i32 {
        %mul3A_117 = arith.constant 2 : i32
        %mul3A_118 = arith.muli %scan3A_116, %mul3A_117 : i32
        %add3A_119 = arith.constant 0 : i32
        %add3A_120 = arith.addi %mul3A_118, %add3A_119 : i32
        %mul3A_121 = arith.constant 128 : i32
        %mul3A_122 = arith.muli %add3A_120, %mul3A_121 : i32
        %dma_wait3A_123 = arith.constant 0 : i32
        %dma_wait3A_124 = arith.constant 0 : i32
        %dma_wait3A_125 = arith.constant 0 : i32
        %dma_wait3A_126 = tpu.memref_slice %arg8[%dma_wait3A_123, %dma_wait3A_124, %dma_wait3A_125] : memref<2x128x128xf32, #tpu.memory_space<vmem>> -> memref<1x128x128xf32, #tpu.memory_space<vmem>>
        %dma_wait3A_127 = tpu.memref_squeeze %dma_wait3A_126 : memref<1x128x128xf32, #tpu.memory_space<vmem>> -> memref<128x128xf32, #tpu.memory_space<vmem>>
        %dma_wait3A_128 = tpu.memref_slice %arg6[%mul3A_122] : memref<5120xi32, #tpu.memory_space<vmem>> -> memref<128xi32, #tpu.memory_space<vmem>>
        %dma_wait3A_129 = arith.constant 0 : i32
        %dma_wait3A_130 = arith.constant 0 : i32
        %dma_wait3A_131 = tpu.memref_slice %arg2[%dma_wait3A_129, %dma_wait3A_130] : memref<10000x128xf32, #tpu.memory_space<hbm>> -> memref<10000x128xf32, #tpu.memory_space<hbm>>
        tpu.wait_indirect_dma semaphore(%arg10 : memref<!tpu.dma_semaphore, #tpu.memory_space<semaphore_mem>>) src(%dma_wait3A_131 : memref<10000x128xf32, #tpu.memory_space<hbm>>) dst(%dma_wait3A_127 : memref<128x128xf32, #tpu.memory_space<vmem>>)
        %mul3A_132 = arith.constant 128 : i32
        %mul3A_133 = arith.muli %add3A_120, %mul3A_132 : i32
        %run_scoped3A_134 = arith.constant 0 : i32
        "tpu.region"() ({
          %run_scoped3A_179 = tpu.sem_alloc : memref<!tpu.dma_semaphore, #tpu.memory_space<semaphore_mem>>
          %dma_start3A_180 = arith.constant 0 : i32
          %dma_start3A_181 = arith.constant 0 : i32
          %dma_start3A_182 = tpu.memref_slice %arg8[%run_scoped3A_134, %dma_start3A_180, %dma_start3A_181] : memref<2x128x128xf32, #tpu.memory_space<vmem>> -> memref<1x128x128xf32, #tpu.memory_space<vmem>>
          %dma_start3A_183 = tpu.memref_squeeze %dma_start3A_182 : memref<1x128x128xf32, #tpu.memory_space<vmem>> -> memref<128x128xf32, #tpu.memory_space<vmem>>
          %dma_start3A_184 = tpu.memref_slice %arg7[%mul3A_133] : memref<5120xi32, #tpu.memory_space<vmem>> -> memref<128xi32, #tpu.memory_space<vmem>>
          %dma_start3A_185 = arith.constant 0 : i32
          %dma_start3A_186 = arith.constant 0 : i32
          %dma_start3A_187 = tpu.memref_slice %arg9[%dma_start3A_185, %dma_start3A_186] : memref<10112x128xf32, #tpu.memory_space<vmem_shared>> -> memref<10112x128xf32, #tpu.memory_space<vmem_shared>>
          tpu.enqueue_indirect_dma source(%dma_start3A_183 : memref<128x128xf32, #tpu.memory_space<vmem>>) target(%dma_start3A_187 : memref<10112x128xf32, #tpu.memory_space<vmem_shared>>) offsets(%dma_start3A_184 : memref<128xi32, #tpu.memory_space<vmem>>) semaphore(%run_scoped3A_179 : memref<!tpu.dma_semaphore, #tpu.memory_space<semaphore_mem>>) {add = true}
          %dma_wait3A_188 = arith.constant 0 : i32
          %dma_wait3A_189 = arith.constant 0 : i32
          %dma_wait3A_190 = tpu.memref_slice %arg8[%run_scoped3A_134, %dma_wait3A_188, %dma_wait3A_189] : memref<2x128x128xf32, #tpu.memory_space<vmem>> -> memref<1x128x128xf32, #tpu.memory_space<vmem>>
          %dma_wait3A_191 = tpu.memref_squeeze %dma_wait3A_190 : memref<1x128x128xf32, #tpu.memory_space<vmem>> -> memref<128x128xf32, #tpu.memory_space<vmem>>
          %dma_wait3A_192 = tpu.memref_slice %arg7[%mul3A_133] : memref<5120xi32, #tpu.memory_space<vmem>> -> memref<128xi32, #tpu.memory_space<vmem>>
          %dma_wait3A_193 = arith.constant 0 : i32
          %dma_wait3A_194 = arith.constant 0 : i32
          %dma_wait3A_195 = tpu.memref_slice %arg9[%dma_wait3A_193, %dma_wait3A_194] : memref<10112x128xf32, #tpu.memory_space<vmem_shared>> -> memref<10112x128xf32, #tpu.memory_space<vmem_shared>>
          tpu.wait_indirect_dma semaphore(%run_scoped3A_179 : memref<!tpu.dma_semaphore, #tpu.memory_space<semaphore_mem>>) src(%dma_wait3A_191 : memref<128x128xf32, #tpu.memory_space<vmem>>) dst(%dma_wait3A_195 : memref<10112x128xf32, #tpu.memory_space<vmem_shared>>)
          tpu.yield
        }) : () -> ()
        %add3A_135 = arith.constant 2 : i32
        %add3A_136 = arith.addi %add3A_120, %add3A_135 : i32
        %mul3A_137 = arith.constant 128 : i32
        %mul3A_138 = arith.muli %add3A_136, %mul3A_137 : i32
        %dma_start3A_139 = arith.constant 0 : i32
        %dma_start3A_140 = arith.constant 0 : i32
        %dma_start3A_141 = arith.constant 0 : i32
        %dma_start3A_142 = tpu.memref_slice %arg8[%dma_start3A_139, %dma_start3A_140, %dma_start3A_141] : memref<2x128x128xf32, #tpu.memory_space<vmem>> -> memref<1x128x128xf32, #tpu.memory_space<vmem>>
        %dma_start3A_143 = tpu.memref_squeeze %dma_start3A_142 : memref<1x128x128xf32, #tpu.memory_space<vmem>> -> memref<128x128xf32, #tpu.memory_space<vmem>>
        %dma_start3A_144 = tpu.memref_slice %arg6[%mul3A_138] : memref<5120xi32, #tpu.memory_space<vmem>> -> memref<128xi32, #tpu.memory_space<vmem>>
        %dma_start3A_145 = arith.constant 0 : i32
        %dma_start3A_146 = arith.constant 0 : i32
        %dma_start3A_147 = tpu.memref_slice %arg2[%dma_start3A_145, %dma_start3A_146] : memref<10000x128xf32, #tpu.memory_space<hbm>> -> memref<10000x128xf32, #tpu.memory_space<hbm>>
        tpu.enqueue_indirect_dma source(%dma_start3A_147 : memref<10000x128xf32, #tpu.memory_space<hbm>>) target(%dma_start3A_143 : memref<128x128xf32, #tpu.memory_space<vmem>>) offsets(%dma_start3A_144 : memref<128xi32, #tpu.memory_space<vmem>>) semaphore(%arg10 : memref<!tpu.dma_semaphore, #tpu.memory_space<semaphore_mem>>)
        %mul3A_148 = arith.constant 2 : i32
        %mul3A_149 = arith.muli %scan3A_116, %mul3A_148 : i32
        %add3A_150 = arith.constant 1 : i32
        %add3A_151 = arith.addi %mul3A_149, %add3A_150 : i32
        %mul3A_152 = arith.constant 128 : i32
        %mul3A_153 = arith.muli %add3A_151, %mul3A_152 : i32
        %dma_wait3A_154 = arith.constant 1 : i32
        %dma_wait3A_155 = arith.constant 0 : i32
        %dma_wait3A_156 = arith.constant 0 : i32
        %dma_wait3A_157 = tpu.memref_slice %arg8[%dma_wait3A_154, %dma_wait3A_155, %dma_wait3A_156] : memref<2x128x128xf32, #tpu.memory_space<vmem>> -> memref<1x128x128xf32, #tpu.memory_space<vmem>>
        %dma_wait3A_158 = tpu.memref_squeeze %dma_wait3A_157 : memref<1x128x128xf32, #tpu.memory_space<vmem>> -> memref<128x128xf32, #tpu.memory_space<vmem>>
        %dma_wait3A_159 = tpu.memref_slice %arg6[%mul3A_153] : memref<5120xi32, #tpu.memory_space<vmem>> -> memref<128xi32, #tpu.memory_space<vmem>>
        %dma_wait3A_160 = arith.constant 0 : i32
        %dma_wait3A_161 = arith.constant 0 : i32
        %dma_wait3A_162 = tpu.memref_slice %arg2[%dma_wait3A_160, %dma_wait3A_161] : memref<10000x128xf32, #tpu.memory_space<hbm>> -> memref<10000x128xf32, #tpu.memory_space<hbm>>
        tpu.wait_indirect_dma semaphore(%arg11 : memref<!tpu.dma_semaphore, #tpu.memory_space<semaphore_mem>>) src(%dma_wait3A_162 : memref<10000x128xf32, #tpu.memory_space<hbm>>) dst(%dma_wait3A_158 : memref<128x128xf32, #tpu.memory_space<vmem>>)
        %mul3A_163 = arith.constant 128 : i32
        %mul3A_164 = arith.muli %add3A_151, %mul3A_163 : i32
        %run_scoped3A_165 = arith.constant 1 : i32
        "tpu.region"() ({
          %run_scoped3A_179 = tpu.sem_alloc : memref<!tpu.dma_semaphore, #tpu.memory_space<semaphore_mem>>
          %dma_start3A_180 = arith.constant 0 : i32
          %dma_start3A_181 = arith.constant 0 : i32
          %dma_start3A_182 = tpu.memref_slice %arg8[%run_scoped3A_165, %dma_start3A_180, %dma_start3A_181] : memref<2x128x128xf32, #tpu.memory_space<vmem>> -> memref<1x128x128xf32, #tpu.memory_space<vmem>>
          %dma_start3A_183 = tpu.memref_squeeze %dma_start3A_182 : memref<1x128x128xf32, #tpu.memory_space<vmem>> -> memref<128x128xf32, #tpu.memory_space<vmem>>
          %dma_start3A_184 = tpu.memref_slice %arg7[%mul3A_164] : memref<5120xi32, #tpu.memory_space<vmem>> -> memref<128xi32, #tpu.memory_space<vmem>>
          %dma_start3A_185 = arith.constant 0 : i32
          %dma_start3A_186 = arith.constant 0 : i32
          %dma_start3A_187 = tpu.memref_slice %arg9[%dma_start3A_185, %dma_start3A_186] : memref<10112x128xf32, #tpu.memory_space<vmem_shared>> -> memref<10112x128xf32, #tpu.memory_space<vmem_shared>>
          tpu.enqueue_indirect_dma source(%dma_start3A_183 : memref<128x128xf32, #tpu.memory_space<vmem>>) target(%dma_start3A_187 : memref<10112x128xf32, #tpu.memory_space<vmem_shared>>) offsets(%dma_start3A_184 : memref<128xi32, #tpu.memory_space<vmem>>) semaphore(%run_scoped3A_179 : memref<!tpu.dma_semaphore, #tpu.memory_space<semaphore_mem>>) {add = true}
          %dma_wait3A_188 = arith.constant 0 : i32
          %dma_wait3A_189 = arith.constant 0 : i32
          %dma_wait3A_190 = tpu.memref_slice %arg8[%run_scoped3A_165, %dma_wait3A_188, %dma_wait3A_189] : memref<2x128x128xf32, #tpu.memory_space<vmem>> -> memref<1x128x128xf32, #tpu.memory_space<vmem>>
          %dma_wait3A_191 = tpu.memref_squeeze %dma_wait3A_190 : memref<1x128x128xf32, #tpu.memory_space<vmem>> -> memref<128x128xf32, #tpu.memory_space<vmem>>
          %dma_wait3A_192 = tpu.memref_slice %arg7[%mul3A_164] : memref<5120xi32, #tpu.memory_space<vmem>> -> memref<128xi32, #tpu.memory_space<vmem>>
          %dma_wait3A_193 = arith.constant 0 : i32
          %dma_wait3A_194 = arith.constant 0 : i32
          %dma_wait3A_195 = tpu.memref_slice %arg9[%dma_wait3A_193, %dma_wait3A_194] : memref<10112x128xf32, #tpu.memory_space<vmem_shared>> -> memref<10112x128xf32, #tpu.memory_space<vmem_shared>>
          tpu.wait_indirect_dma semaphore(%run_scoped3A_179 : memref<!tpu.dma_semaphore, #tpu.memory_space<semaphore_mem>>) src(%dma_wait3A_191 : memref<128x128xf32, #tpu.memory_space<vmem>>) dst(%dma_wait3A_195 : memref<10112x128xf32, #tpu.memory_space<vmem_shared>>)
          tpu.yield
        }) : () -> ()
        %add3A_166 = arith.constant 2 : i32
        %add3A_167 = arith.addi %add3A_151, %add3A_166 : i32
        %mul3A_168 = arith.constant 128 : i32
        %mul3A_169 = arith.muli %add3A_167, %mul3A_168 : i32
        %dma_start3A_170 = arith.constant 1 : i32
        %dma_start3A_171 = arith.constant 0 : i32
        %dma_start3A_172 = arith.constant 0 : i32
        %dma_start3A_173 = tpu.memref_slice %arg8[%dma_start3A_170, %dma_start3A_171, %dma_start3A_172] : memref<2x128x128xf32, #tpu.memory_space<vmem>> -> memref<1x128x128xf32, #tpu.memory_space<vmem>>
        %dma_start3A_174 = tpu.memref_squeeze %dma_start3A_173 : memref<1x128x128xf32, #tpu.memory_space<vmem>> -> memref<128x128xf32, #tpu.memory_space<vmem>>
        %dma_start3A_175 = tpu.memref_slice %arg6[%mul3A_169] : memref<5120xi32, #tpu.memory_space<vmem>> -> memref<128xi32, #tpu.memory_space<vmem>>
        %dma_start3A_176 = arith.constant 0 : i32
        %dma_start3A_177 = arith.constant 0 : i32
        %dma_start3A_178 = tpu.memref_slice %arg2[%dma_start3A_176, %dma_start3A_177] : memref<10000x128xf32, #tpu.memory_space<hbm>> -> memref<10000x128xf32, #tpu.memory_space<hbm>>
        tpu.enqueue_indirect_dma source(%dma_start3A_178 : memref<10000x128xf32, #tpu.memory_space<hbm>>) target(%dma_start3A_174 : memref<128x128xf32, #tpu.memory_space<vmem>>) offsets(%dma_start3A_175 : memref<128xi32, #tpu.memory_space<vmem>>) semaphore(%arg11 : memref<!tpu.dma_semaphore, #tpu.memory_space<semaphore_mem>>)
      }
      %scan3A_40 = arith.constant 19 : i32
      %dma_wait3A = arith.constant 0 : i32
      %dma_wait3A_41 = arith.constant 0 : i32
      %dma_wait3A_42 = arith.constant 0 : i32
      %dma_wait3A_43 = tpu.memref_slice %arg8[%dma_wait3A, %dma_wait3A_41, %dma_wait3A_42] : memref<2x128x128xf32, #tpu.memory_space<vmem>> -> memref<1x128x128xf32, #tpu.memory_space<vmem>>
      %dma_wait3A_44 = tpu.memref_squeeze %dma_wait3A_43 : memref<1x128x128xf32, #tpu.memory_space<vmem>> -> memref<128x128xf32, #tpu.memory_space<vmem>>
      %dma_wait3A_45 = arith.constant 4864 : i32
      %dma_wait3A_46 = tpu.memref_slice %arg6[%dma_wait3A_45] : memref<5120xi32, #tpu.memory_space<vmem>> -> memref<128xi32, #tpu.memory_space<vmem>>
      %dma_wait3A_47 = arith.constant 0 : i32
      %dma_wait3A_48 = arith.constant 0 : i32
      %dma_wait3A_49 = tpu.memref_slice %arg2[%dma_wait3A_47, %dma_wait3A_48] : memref<10000x128xf32, #tpu.memory_space<hbm>> -> memref<10000x128xf32, #tpu.memory_space<hbm>>
      tpu.wait_indirect_dma semaphore(%arg10 : memref<!tpu.dma_semaphore, #tpu.memory_space<semaphore_mem>>) src(%dma_wait3A_49 : memref<10000x128xf32, #tpu.memory_space<hbm>>) dst(%dma_wait3A_44 : memref<128x128xf32, #tpu.memory_space<vmem>>)
      %run_scoped3A_50 = arith.constant 0 : i32
      "tpu.region"() ({
        %run_scoped3A_116 = tpu.sem_alloc : memref<!tpu.dma_semaphore, #tpu.memory_space<semaphore_mem>>
        %dma_start3A_117 = arith.constant 0 : i32
        %dma_start3A_118 = arith.constant 0 : i32
        %dma_start3A_119 = tpu.memref_slice %arg8[%run_scoped3A_50, %dma_start3A_117, %dma_start3A_118] : memref<2x128x128xf32, #tpu.memory_space<vmem>> -> memref<1x128x128xf32, #tpu.memory_space<vmem>>
        %dma_start3A_120 = tpu.memref_squeeze %dma_start3A_119 : memref<1x128x128xf32, #tpu.memory_space<vmem>> -> memref<128x128xf32, #tpu.memory_space<vmem>>
        %dma_start3A_121 = arith.constant 4864 : i32
        %dma_start3A_122 = tpu.memref_slice %arg7[%dma_start3A_121] : memref<5120xi32, #tpu.memory_space<vmem>> -> memref<128xi32, #tpu.memory_space<vmem>>
        %dma_start3A_123 = arith.constant 0 : i32
        %dma_start3A_124 = arith.constant 0 : i32
        %dma_start3A_125 = tpu.memref_slice %arg9[%dma_start3A_123, %dma_start3A_124] : memref<10112x128xf32, #tpu.memory_space<vmem_shared>> -> memref<10112x128xf32, #tpu.memory_space<vmem_shared>>
        tpu.enqueue_indirect_dma source(%dma_start3A_120 : memref<128x128xf32, #tpu.memory_space<vmem>>) target(%dma_start3A_125 : memref<10112x128xf32, #tpu.memory_space<vmem_shared>>) offsets(%dma_start3A_122 : memref<128xi32, #tpu.memory_space<vmem>>) semaphore(%run_scoped3A_116 : memref<!tpu.dma_semaphore, #tpu.memory_space<semaphore_mem>>) {add = true}
        %dma_wait3A_126 = arith.constant 0 : i32
        %dma_wait3A_127 = arith.constant 0 : i32
        %dma_wait3A_128 = tpu.memref_slice %arg8[%run_scoped3A_50, %dma_wait3A_126, %dma_wait3A_127] : memref<2x128x128xf32, #tpu.memory_space<vmem>> -> memref<1x128x128xf32, #tpu.memory_space<vmem>>
        %dma_wait3A_129 = tpu.memref_squeeze %dma_wait3A_128 : memref<1x128x128xf32, #tpu.memory_space<vmem>> -> memref<128x128xf32, #tpu.memory_space<vmem>>
        %dma_wait3A_130 = arith.constant 4864 : i32
        %dma_wait3A_131 = tpu.memref_slice %arg7[%dma_wait3A_130] : memref<5120xi32, #tpu.memory_space<vmem>> -> memref<128xi32, #tpu.memory_space<vmem>>
        %dma_wait3A_132 = arith.constant 0 : i32
        %dma_wait3A_133 = arith.constant 0 : i32
        %dma_wait3A_134 = tpu.memref_slice %arg9[%dma_wait3A_132, %dma_wait3A_133] : memref<10112x128xf32, #tpu.memory_space<vmem_shared>> -> memref<10112x128xf32, #tpu.memory_space<vmem_shared>>
        tpu.wait_indirect_dma semaphore(%run_scoped3A_116 : memref<!tpu.dma_semaphore, #tpu.memory_space<semaphore_mem>>) src(%dma_wait3A_129 : memref<128x128xf32, #tpu.memory_space<vmem>>) dst(%dma_wait3A_134 : memref<10112x128xf32, #tpu.memory_space<vmem_shared>>)
        tpu.yield
      }) : () -> ()
      %dma_wait3A_51 = arith.constant 1 : i32
      %dma_wait3A_52 = arith.constant 0 : i32
      %dma_wait3A_53 = arith.constant 0 : i32
      %dma_wait3A_54 = tpu.memref_slice %arg8[%dma_wait3A_51, %dma_wait3A_52, %dma_wait3A_53] : memref<2x128x128xf32, #tpu.memory_space<vmem>> -> memref<1x128x128xf32, #tpu.memory_space<vmem>>
      %dma_wait3A_55 = tpu.memref_squeeze %dma_wait3A_54 : memref<1x128x128xf32, #tpu.memory_space<vmem>> -> memref<128x128xf32, #tpu.memory_space<vmem>>
      %dma_wait3A_56 = arith.constant 4992 : i32
      %dma_wait3A_57 = tpu.memref_slice %arg6[%dma_wait3A_56] : memref<5120xi32, #tpu.memory_space<vmem>> -> memref<128xi32, #tpu.memory_space<vmem>>
      %dma_wait3A_58 = arith.constant 0 : i32
      %dma_wait3A_59 = arith.constant 0 : i32
      %dma_wait3A_60 = tpu.memref_slice %arg2[%dma_wait3A_58, %dma_wait3A_59] : memref<10000x128xf32, #tpu.memory_space<hbm>> -> memref<10000x128xf32, #tpu.memory_space<hbm>>
      tpu.wait_indirect_dma semaphore(%arg11 : memref<!tpu.dma_semaphore, #tpu.memory_space<semaphore_mem>>) src(%dma_wait3A_60 : memref<10000x128xf32, #tpu.memory_space<hbm>>) dst(%dma_wait3A_55 : memref<128x128xf32, #tpu.memory_space<vmem>>)
      %run_scoped3A_61 = arith.constant 1 : i32
      "tpu.region"() ({
        %run_scoped3A_116 = tpu.sem_alloc : memref<!tpu.dma_semaphore, #tpu.memory_space<semaphore_mem>>
        %dma_start3A_117 = arith.constant 0 : i32
        %dma_start3A_118 = arith.constant 0 : i32
        %dma_start3A_119 = tpu.memref_slice %arg8[%run_scoped3A_61, %dma_start3A_117, %dma_start3A_118] : memref<2x128x128xf32, #tpu.memory_space<vmem>> -> memref<1x128x128xf32, #tpu.memory_space<vmem>>
        %dma_start3A_120 = tpu.memref_squeeze %dma_start3A_119 : memref<1x128x128xf32, #tpu.memory_space<vmem>> -> memref<128x128xf32, #tpu.memory_space<vmem>>
        %dma_start3A_121 = arith.constant 4992 : i32
        %dma_start3A_122 = tpu.memref_slice %arg7[%dma_start3A_121] : memref<5120xi32, #tpu.memory_space<vmem>> -> memref<128xi32, #tpu.memory_space<vmem>>
        %dma_start3A_123 = arith.constant 0 : i32
        %dma_start3A_124 = arith.constant 0 : i32
        %dma_start3A_125 = tpu.memref_slice %arg9[%dma_start3A_123, %dma_start3A_124] : memref<10112x128xf32, #tpu.memory_space<vmem_shared>> -> memref<10112x128xf32, #tpu.memory_space<vmem_shared>>
        tpu.enqueue_indirect_dma source(%dma_start3A_120 : memref<128x128xf32, #tpu.memory_space<vmem>>) target(%dma_start3A_125 : memref<10112x128xf32, #tpu.memory_space<vmem_shared>>) offsets(%dma_start3A_122 : memref<128xi32, #tpu.memory_space<vmem>>) semaphore(%run_scoped3A_116 : memref<!tpu.dma_semaphore, #tpu.memory_space<semaphore_mem>>) {add = true}
        %dma_wait3A_126 = arith.constant 0 : i32
        %dma_wait3A_127 = arith.constant 0 : i32
        %dma_wait3A_128 = tpu.memref_slice %arg8[%run_scoped3A_61, %dma_wait3A_126, %dma_wait3A_127] : memref<2x128x128xf32, #tpu.memory_space<vmem>> -> memref<1x128x128xf32, #tpu.memory_space<vmem>>
        %dma_wait3A_129 = tpu.memref_squeeze %dma_wait3A_128 : memref<1x128x128xf32, #tpu.memory_space<vmem>> -> memref<128x128xf32, #tpu.memory_space<vmem>>
        %dma_wait3A_130 = arith.constant 4992 : i32
        %dma_wait3A_131 = tpu.memref_slice %arg7[%dma_wait3A_130] : memref<5120xi32, #tpu.memory_space<vmem>> -> memref<128xi32, #tpu.memory_space<vmem>>
        %dma_wait3A_132 = arith.constant 0 : i32
        %dma_wait3A_133 = arith.constant 0 : i32
        %dma_wait3A_134 = tpu.memref_slice %arg9[%dma_wait3A_132, %dma_wait3A_133] : memref<10112x128xf32, #tpu.memory_space<vmem_shared>> -> memref<10112x128xf32, #tpu.memory_space<vmem_shared>>
        tpu.wait_indirect_dma semaphore(%run_scoped3A_116 : memref<!tpu.dma_semaphore, #tpu.memory_space<semaphore_mem>>) src(%dma_wait3A_129 : memref<128x128xf32, #tpu.memory_space<vmem>>) dst(%dma_wait3A_134 : memref<10112x128xf32, #tpu.memory_space<vmem_shared>>)
        tpu.yield
      }) : () -> ()
      %mul3A_62 = arith.constant 10240 : i32
      %mul3A_63 = arith.muli %add3A, %mul3A_62 : i32
      %add3A_64 = arith.constant 5120 : i32
      %add3A_65 = arith.addi %mul3A_63, %add3A_64 : i32
      %run_scoped3A_66 = arith.constant 0 : i32
      "tpu.region"() ({
        %run_scoped3A_116 = tpu.sem_alloc : memref<!tpu.dma_semaphore, #tpu.memory_space<semaphore_mem>>
        %dma_start3A_117 = tpu.memref_slice %arg3[%run_scoped3A_66, %add3A_65] : memref<2x320000xi32, #tpu.memory_space<hbm>> -> memref<1x5120xi32, #tpu.memory_space<hbm>>
        %dma_start3A_118 = tpu.memref_squeeze %dma_start3A_117 : memref<1x5120xi32, #tpu.memory_space<hbm>> -> memref<5120xi32, #tpu.memory_space<hbm>>
        %dma_start3A_119 = tpu.memref_slice %arg3[%run_scoped3A_66, %add3A_65] : memref<2x320000xi32, #tpu.memory_space<hbm>> -> memref<1x5120xi32, #tpu.memory_space<hbm>>
        %dma_start3A_120 = tpu.memref_squeeze %dma_start3A_119 : memref<1x5120xi32, #tpu.memory_space<hbm>> -> memref<5120xi32, #tpu.memory_space<hbm>>
        tpu.enqueue_dma source(%dma_start3A_120 : memref<5120xi32, #tpu.memory_space<hbm>>) target(%arg6 : memref<5120xi32, #tpu.memory_space<vmem>>) target_semaphore(%run_scoped3A_116 : memref<!tpu.dma_semaphore, #tpu.memory_space<semaphore_mem>>)
        %dma_wait3A_121 = tpu.memref_slice %arg3[%run_scoped3A_66, %add3A_65] : memref<2x320000xi32, #tpu.memory_space<hbm>> -> memref<1x5120xi32, #tpu.memory_space<hbm>>
        %dma_wait3A_122 = tpu.memref_squeeze %dma_wait3A_121 : memref<1x5120xi32, #tpu.memory_space<hbm>> -> memref<5120xi32, #tpu.memory_space<hbm>>
        %dma_wait3A_123 = tpu.memref_slice %arg3[%run_scoped3A_66, %add3A_65] : memref<2x320000xi32, #tpu.memory_space<hbm>> -> memref<1x5120xi32, #tpu.memory_space<hbm>>
        %dma_wait3A_124 = tpu.memref_squeeze %dma_wait3A_123 : memref<1x5120xi32, #tpu.memory_space<hbm>> -> memref<5120xi32, #tpu.memory_space<hbm>>
        tpu.wait_dma2 semaphore(%run_scoped3A_116 : memref<!tpu.dma_semaphore, #tpu.memory_space<semaphore_mem>>) src(%dma_wait3A_124 : memref<5120xi32, #tpu.memory_space<hbm>>) dst(%arg6 : memref<5120xi32, #tpu.memory_space<vmem>>)
        tpu.yield
      }) : () -> ()
      %run_scoped3A_67 = arith.constant 1 : i32
      "tpu.region"() ({
        %run_scoped3A_116 = tpu.sem_alloc : memref<!tpu.dma_semaphore, #tpu.memory_space<semaphore_mem>>
        %dma_start3A_117 = tpu.memref_slice %arg3[%run_scoped3A_67, %add3A_65] : memref<2x320000xi32, #tpu.memory_space<hbm>> -> memref<1x5120xi32, #tpu.memory_space<hbm>>
        %dma_start3A_118 = tpu.memref_squeeze %dma_start3A_117 : memref<1x5120xi32, #tpu.memory_space<hbm>> -> memref<5120xi32, #tpu.memory_space<hbm>>
        %dma_start3A_119 = tpu.memref_slice %arg3[%run_scoped3A_67, %add3A_65] : memref<2x320000xi32, #tpu.memory_space<hbm>> -> memref<1x5120xi32, #tpu.memory_space<hbm>>
        %dma_start3A_120 = tpu.memref_squeeze %dma_start3A_119 : memref<1x5120xi32, #tpu.memory_space<hbm>> -> memref<5120xi32, #tpu.memory_space<hbm>>
        tpu.enqueue_dma source(%dma_start3A_120 : memref<5120xi32, #tpu.memory_space<hbm>>) target(%arg7 : memref<5120xi32, #tpu.memory_space<vmem>>) target_semaphore(%run_scoped3A_116 : memref<!tpu.dma_semaphore, #tpu.memory_space<semaphore_mem>>)
        %dma_wait3A_121 = tpu.memref_slice %arg3[%run_scoped3A_67, %add3A_65] : memref<2x320000xi32, #tpu.memory_space<hbm>> -> memref<1x5120xi32, #tpu.memory_space<hbm>>
        %dma_wait3A_122 = tpu.memref_squeeze %dma_wait3A_121 : memref<1x5120xi32, #tpu.memory_space<hbm>> -> memref<5120xi32, #tpu.memory_space<hbm>>
        %dma_wait3A_123 = tpu.memref_slice %arg3[%run_scoped3A_67, %add3A_65] : memref<2x320000xi32, #tpu.memory_space<hbm>> -> memref<1x5120xi32, #tpu.memory_space<hbm>>
        %dma_wait3A_124 = tpu.memref_squeeze %dma_wait3A_123 : memref<1x5120xi32, #tpu.memory_space<hbm>> -> memref<5120xi32, #tpu.memory_space<hbm>>
        tpu.wait_dma2 semaphore(%run_scoped3A_116 : memref<!tpu.dma_semaphore, #tpu.memory_space<semaphore_mem>>) src(%dma_wait3A_124 : memref<5120xi32, #tpu.memory_space<hbm>>) dst(%arg7 : memref<5120xi32, #tpu.memory_space<vmem>>)
        tpu.yield
      }) : () -> ()
      %dma_start3A_68 = arith.constant 0 : i32
      %dma_start3A_69 = arith.constant 0 : i32
      %dma_start3A_70 = arith.constant 0 : i32
      %dma_start3A_71 = tpu.memref_slice %arg8[%dma_start3A_68, %dma_start3A_69, %dma_start3A_70] : memref<2x128x128xf32, #tpu.memory_space<vmem>> -> memref<1x128x128xf32, #tpu.memory_space<vmem>>
      %dma_start3A_72 = tpu.memref_squeeze %dma_start3A_71 : memref<1x128x128xf32, #tpu.memory_space<vmem>> -> memref<128x128xf32, #tpu.memory_space<vmem>>
      %dma_start3A_73 = arith.constant 0 : i32
      %dma_start3A_74 = tpu.memref_slice %arg6[%dma_start3A_73] : memref<5120xi32, #tpu.memory_space<vmem>> -> memref<128xi32, #tpu.memory_space<vmem>>
      %dma_start3A_75 = arith.constant 0 : i32
      %dma_start3A_76 = arith.constant 0 : i32
      %dma_start3A_77 = tpu.memref_slice %arg2[%dma_start3A_75, %dma_start3A_76] : memref<10000x128xf32, #tpu.memory_space<hbm>> -> memref<10000x128xf32, #tpu.memory_space<hbm>>
      tpu.enqueue_indirect_dma source(%dma_start3A_77 : memref<10000x128xf32, #tpu.memory_space<hbm>>) target(%dma_start3A_72 : memref<128x128xf32, #tpu.memory_space<vmem>>) offsets(%dma_start3A_74 : memref<128xi32, #tpu.memory_space<vmem>>) semaphore(%arg10 : memref<!tpu.dma_semaphore, #tpu.memory_space<semaphore_mem>>)
      %dma_start3A_78 = arith.constant 1 : i32
      %dma_start3A_79 = arith.constant 0 : i32
      %dma_start3A_80 = arith.constant 0 : i32
      %dma_start3A_81 = tpu.memref_slice %arg8[%dma_start3A_78, %dma_start3A_79, %dma_start3A_80] : memref<2x128x128xf32, #tpu.memory_space<vmem>> -> memref<1x128x128xf32, #tpu.memory_space<vmem>>
      %dma_start3A_82 = tpu.memref_squeeze %dma_start3A_81 : memref<1x128x128xf32, #tpu.memory_space<vmem>> -> memref<128x128xf32, #tpu.memory_space<vmem>>
      %dma_start3A_83 = arith.constant 128 : i32
      %dma_start3A_84 = tpu.memref_slice %arg6[%dma_start3A_83] : memref<5120xi32, #tpu.memory_space<vmem>> -> memref<128xi32, #tpu.memory_space<vmem>>
      %dma_start3A_85 = arith.constant 0 : i32
      %dma_start3A_86 = arith.constant 0 : i32
      %dma_start3A_87 = tpu.memref_slice %arg2[%dma_start3A_85, %dma_start3A_86] : memref<10000x128xf32, #tpu.memory_space<hbm>> -> memref<10000x128xf32, #tpu.memory_space<hbm>>
      tpu.enqueue_indirect_dma source(%dma_start3A_87 : memref<10000x128xf32, #tpu.memory_space<hbm>>) target(%dma_start3A_82 : memref<128x128xf32, #tpu.memory_space<vmem>>) offsets(%dma_start3A_84 : memref<128xi32, #tpu.memory_space<vmem>>) semaphore(%arg11 : memref<!tpu.dma_semaphore, #tpu.memory_space<semaphore_mem>>)
      %scan3A_88 = arith.constant 0 : i32
      %scan3A_89 = arith.constant 0 : i32
      %scan3A_90 = arith.constant 19 : i32
      %scan3A_91 = arith.addi %scan3A_89, %scan3A_90 : i32
      %scan3A_92 = arith.constant 1 : i32
      scf.for %scan3A_116 = %scan3A_89 to %scan3A_91 step %scan3A_92  : i32 {
        %mul3A_117 = arith.constant 2 : i32
        %mul3A_118 = arith.muli %scan3A_116, %mul3A_117 : i32
        %add3A_119 = arith.constant 0 : i32
        %add3A_120 = arith.addi %mul3A_118, %add3A_119 : i32
        %mul3A_121 = arith.constant 128 : i32
        %mul3A_122 = arith.muli %add3A_120, %mul3A_121 : i32
        %dma_wait3A_123 = arith.constant 0 : i32
        %dma_wait3A_124 = arith.constant 0 : i32
        %dma_wait3A_125 = arith.constant 0 : i32
        %dma_wait3A_126 = tpu.memref_slice %arg8[%dma_wait3A_123, %dma_wait3A_124, %dma_wait3A_125] : memref<2x128x128xf32, #tpu.memory_space<vmem>> -> memref<1x128x128xf32, #tpu.memory_space<vmem>>
        %dma_wait3A_127 = tpu.memref_squeeze %dma_wait3A_126 : memref<1x128x128xf32, #tpu.memory_space<vmem>> -> memref<128x128xf32, #tpu.memory_space<vmem>>
        %dma_wait3A_128 = tpu.memref_slice %arg6[%mul3A_122] : memref<5120xi32, #tpu.memory_space<vmem>> -> memref<128xi32, #tpu.memory_space<vmem>>
        %dma_wait3A_129 = arith.constant 0 : i32
        %dma_wait3A_130 = arith.constant 0 : i32
        %dma_wait3A_131 = tpu.memref_slice %arg2[%dma_wait3A_129, %dma_wait3A_130] : memref<10000x128xf32, #tpu.memory_space<hbm>> -> memref<10000x128xf32, #tpu.memory_space<hbm>>
        tpu.wait_indirect_dma semaphore(%arg10 : memref<!tpu.dma_semaphore, #tpu.memory_space<semaphore_mem>>) src(%dma_wait3A_131 : memref<10000x128xf32, #tpu.memory_space<hbm>>) dst(%dma_wait3A_127 : memref<128x128xf32, #tpu.memory_space<vmem>>)
        %mul3A_132 = arith.constant 128 : i32
        %mul3A_133 = arith.muli %add3A_120, %mul3A_132 : i32
        %run_scoped3A_134 = arith.constant 0 : i32
        "tpu.region"() ({
          %run_scoped3A_179 = tpu.sem_alloc : memref<!tpu.dma_semaphore, #tpu.memory_space<semaphore_mem>>
          %dma_start3A_180 = arith.constant 0 : i32
          %dma_start3A_181 = arith.constant 0 : i32
          %dma_start3A_182 = tpu.memref_slice %arg8[%run_scoped3A_134, %dma_start3A_180, %dma_start3A_181] : memref<2x128x128xf32, #tpu.memory_space<vmem>> -> memref<1x128x128xf32, #tpu.memory_space<vmem>>
          %dma_start3A_183 = tpu.memref_squeeze %dma_start3A_182 : memref<1x128x128xf32, #tpu.memory_space<vmem>> -> memref<128x128xf32, #tpu.memory_space<vmem>>
          %dma_start3A_184 = tpu.memref_slice %arg7[%mul3A_133] : memref<5120xi32, #tpu.memory_space<vmem>> -> memref<128xi32, #tpu.memory_space<vmem>>
          %dma_start3A_185 = arith.constant 0 : i32
          %dma_start3A_186 = arith.constant 0 : i32
          %dma_start3A_187 = tpu.memref_slice %arg9[%dma_start3A_185, %dma_start3A_186] : memref<10112x128xf32, #tpu.memory_space<vmem_shared>> -> memref<10112x128xf32, #tpu.memory_space<vmem_shared>>
          tpu.enqueue_indirect_dma source(%dma_start3A_183 : memref<128x128xf32, #tpu.memory_space<vmem>>) target(%dma_start3A_187 : memref<10112x128xf32, #tpu.memory_space<vmem_shared>>) offsets(%dma_start3A_184 : memref<128xi32, #tpu.memory_space<vmem>>) semaphore(%run_scoped3A_179 : memref<!tpu.dma_semaphore, #tpu.memory_space<semaphore_mem>>) {add = true}
          %dma_wait3A_188 = arith.constant 0 : i32
          %dma_wait3A_189 = arith.constant 0 : i32
          %dma_wait3A_190 = tpu.memref_slice %arg8[%run_scoped3A_134, %dma_wait3A_188, %dma_wait3A_189] : memref<2x128x128xf32, #tpu.memory_space<vmem>> -> memref<1x128x128xf32, #tpu.memory_space<vmem>>
          %dma_wait3A_191 = tpu.memref_squeeze %dma_wait3A_190 : memref<1x128x128xf32, #tpu.memory_space<vmem>> -> memref<128x128xf32, #tpu.memory_space<vmem>>
          %dma_wait3A_192 = tpu.memref_slice %arg7[%mul3A_133] : memref<5120xi32, #tpu.memory_space<vmem>> -> memref<128xi32, #tpu.memory_space<vmem>>
          %dma_wait3A_193 = arith.constant 0 : i32
          %dma_wait3A_194 = arith.constant 0 : i32
          %dma_wait3A_195 = tpu.memref_slice %arg9[%dma_wait3A_193, %dma_wait3A_194] : memref<10112x128xf32, #tpu.memory_space<vmem_shared>> -> memref<10112x128xf32, #tpu.memory_space<vmem_shared>>
          tpu.wait_indirect_dma semaphore(%run_scoped3A_179 : memref<!tpu.dma_semaphore, #tpu.memory_space<semaphore_mem>>) src(%dma_wait3A_191 : memref<128x128xf32, #tpu.memory_space<vmem>>) dst(%dma_wait3A_195 : memref<10112x128xf32, #tpu.memory_space<vmem_shared>>)
          tpu.yield
        }) : () -> ()
        %add3A_135 = arith.constant 2 : i32
        %add3A_136 = arith.addi %add3A_120, %add3A_135 : i32
        %mul3A_137 = arith.constant 128 : i32
        %mul3A_138 = arith.muli %add3A_136, %mul3A_137 : i32
        %dma_start3A_139 = arith.constant 0 : i32
        %dma_start3A_140 = arith.constant 0 : i32
        %dma_start3A_141 = arith.constant 0 : i32
        %dma_start3A_142 = tpu.memref_slice %arg8[%dma_start3A_139, %dma_start3A_140, %dma_start3A_141] : memref<2x128x128xf32, #tpu.memory_space<vmem>> -> memref<1x128x128xf32, #tpu.memory_space<vmem>>
        %dma_start3A_143 = tpu.memref_squeeze %dma_start3A_142 : memref<1x128x128xf32, #tpu.memory_space<vmem>> -> memref<128x128xf32, #tpu.memory_space<vmem>>
        %dma_start3A_144 = tpu.memref_slice %arg6[%mul3A_138] : memref<5120xi32, #tpu.memory_space<vmem>> -> memref<128xi32, #tpu.memory_space<vmem>>
        %dma_start3A_145 = arith.constant 0 : i32
        %dma_start3A_146 = arith.constant 0 : i32
        %dma_start3A_147 = tpu.memref_slice %arg2[%dma_start3A_145, %dma_start3A_146] : memref<10000x128xf32, #tpu.memory_space<hbm>> -> memref<10000x128xf32, #tpu.memory_space<hbm>>
        tpu.enqueue_indirect_dma source(%dma_start3A_147 : memref<10000x128xf32, #tpu.memory_space<hbm>>) target(%dma_start3A_143 : memref<128x128xf32, #tpu.memory_space<vmem>>) offsets(%dma_start3A_144 : memref<128xi32, #tpu.memory_space<vmem>>) semaphore(%arg10 : memref<!tpu.dma_semaphore, #tpu.memory_space<semaphore_mem>>)
        %mul3A_148 = arith.constant 2 : i32
        %mul3A_149 = arith.muli %scan3A_116, %mul3A_148 : i32
        %add3A_150 = arith.constant 1 : i32
        %add3A_151 = arith.addi %mul3A_149, %add3A_150 : i32
        %mul3A_152 = arith.constant 128 : i32
        %mul3A_153 = arith.muli %add3A_151, %mul3A_152 : i32
        %dma_wait3A_154 = arith.constant 1 : i32
        %dma_wait3A_155 = arith.constant 0 : i32
        %dma_wait3A_156 = arith.constant 0 : i32
        %dma_wait3A_157 = tpu.memref_slice %arg8[%dma_wait3A_154, %dma_wait3A_155, %dma_wait3A_156] : memref<2x128x128xf32, #tpu.memory_space<vmem>> -> memref<1x128x128xf32, #tpu.memory_space<vmem>>
        %dma_wait3A_158 = tpu.memref_squeeze %dma_wait3A_157 : memref<1x128x128xf32, #tpu.memory_space<vmem>> -> memref<128x128xf32, #tpu.memory_space<vmem>>
        %dma_wait3A_159 = tpu.memref_slice %arg6[%mul3A_153] : memref<5120xi32, #tpu.memory_space<vmem>> -> memref<128xi32, #tpu.memory_space<vmem>>
        %dma_wait3A_160 = arith.constant 0 : i32
        %dma_wait3A_161 = arith.constant 0 : i32
        %dma_wait3A_162 = tpu.memref_slice %arg2[%dma_wait3A_160, %dma_wait3A_161] : memref<10000x128xf32, #tpu.memory_space<hbm>> -> memref<10000x128xf32, #tpu.memory_space<hbm>>
        tpu.wait_indirect_dma semaphore(%arg11 : memref<!tpu.dma_semaphore, #tpu.memory_space<semaphore_mem>>) src(%dma_wait3A_162 : memref<10000x128xf32, #tpu.memory_space<hbm>>) dst(%dma_wait3A_158 : memref<128x128xf32, #tpu.memory_space<vmem>>)
        %mul3A_163 = arith.constant 128 : i32
        %mul3A_164 = arith.muli %add3A_151, %mul3A_163 : i32
        %run_scoped3A_165 = arith.constant 1 : i32
        "tpu.region"() ({
          %run_scoped3A_179 = tpu.sem_alloc : memref<!tpu.dma_semaphore, #tpu.memory_space<semaphore_mem>>
          %dma_start3A_180 = arith.constant 0 : i32
          %dma_start3A_181 = arith.constant 0 : i32
          %dma_start3A_182 = tpu.memref_slice %arg8[%run_scoped3A_165, %dma_start3A_180, %dma_start3A_181] : memref<2x128x128xf32, #tpu.memory_space<vmem>> -> memref<1x128x128xf32, #tpu.memory_space<vmem>>
          %dma_start3A_183 = tpu.memref_squeeze %dma_start3A_182 : memref<1x128x128xf32, #tpu.memory_space<vmem>> -> memref<128x128xf32, #tpu.memory_space<vmem>>
          %dma_start3A_184 = tpu.memref_slice %arg7[%mul3A_164] : memref<5120xi32, #tpu.memory_space<vmem>> -> memref<128xi32, #tpu.memory_space<vmem>>
          %dma_start3A_185 = arith.constant 0 : i32
          %dma_start3A_186 = arith.constant 0 : i32
          %dma_start3A_187 = tpu.memref_slice %arg9[%dma_start3A_185, %dma_start3A_186] : memref<10112x128xf32, #tpu.memory_space<vmem_shared>> -> memref<10112x128xf32, #tpu.memory_space<vmem_shared>>
          tpu.enqueue_indirect_dma source(%dma_start3A_183 : memref<128x128xf32, #tpu.memory_space<vmem>>) target(%dma_start3A_187 : memref<10112x128xf32, #tpu.memory_space<vmem_shared>>) offsets(%dma_start3A_184 : memref<128xi32, #tpu.memory_space<vmem>>) semaphore(%run_scoped3A_179 : memref<!tpu.dma_semaphore, #tpu.memory_space<semaphore_mem>>) {add = true}
          %dma_wait3A_188 = arith.constant 0 : i32
          %dma_wait3A_189 = arith.constant 0 : i32
          %dma_wait3A_190 = tpu.memref_slice %arg8[%run_scoped3A_165, %dma_wait3A_188, %dma_wait3A_189] : memref<2x128x128xf32, #tpu.memory_space<vmem>> -> memref<1x128x128xf32, #tpu.memory_space<vmem>>
          %dma_wait3A_191 = tpu.memref_squeeze %dma_wait3A_190 : memref<1x128x128xf32, #tpu.memory_space<vmem>> -> memref<128x128xf32, #tpu.memory_space<vmem>>
          %dma_wait3A_192 = tpu.memref_slice %arg7[%mul3A_164] : memref<5120xi32, #tpu.memory_space<vmem>> -> memref<128xi32, #tpu.memory_space<vmem>>
          %dma_wait3A_193 = arith.constant 0 : i32
          %dma_wait3A_194 = arith.constant 0 : i32
          %dma_wait3A_195 = tpu.memref_slice %arg9[%dma_wait3A_193, %dma_wait3A_194] : memref<10112x128xf32, #tpu.memory_space<vmem_shared>> -> memref<10112x128xf32, #tpu.memory_space<vmem_shared>>
          tpu.wait_indirect_dma semaphore(%run_scoped3A_179 : memref<!tpu.dma_semaphore, #tpu.memory_space<semaphore_mem>>) src(%dma_wait3A_191 : memref<128x128xf32, #tpu.memory_space<vmem>>) dst(%dma_wait3A_195 : memref<10112x128xf32, #tpu.memory_space<vmem_shared>>)
          tpu.yield
        }) : () -> ()
        %add3A_166 = arith.constant 2 : i32
        %add3A_167 = arith.addi %add3A_151, %add3A_166 : i32
        %mul3A_168 = arith.constant 128 : i32
        %mul3A_169 = arith.muli %add3A_167, %mul3A_168 : i32
        %dma_start3A_170 = arith.constant 1 : i32
        %dma_start3A_171 = arith.constant 0 : i32
        %dma_start3A_172 = arith.constant 0 : i32
        %dma_start3A_173 = tpu.memref_slice %arg8[%dma_start3A_170, %dma_start3A_171, %dma_start3A_172] : memref<2x128x128xf32, #tpu.memory_space<vmem>> -> memref<1x128x128xf32, #tpu.memory_space<vmem>>
        %dma_start3A_174 = tpu.memref_squeeze %dma_start3A_173 : memref<1x128x128xf32, #tpu.memory_space<vmem>> -> memref<128x128xf32, #tpu.memory_space<vmem>>
        %dma_start3A_175 = tpu.memref_slice %arg6[%mul3A_169] : memref<5120xi32, #tpu.memory_space<vmem>> -> memref<128xi32, #tpu.memory_space<vmem>>
        %dma_start3A_176 = arith.constant 0 : i32
        %dma_start3A_177 = arith.constant 0 : i32
        %dma_start3A_178 = tpu.memref_slice %arg2[%dma_start3A_176, %dma_start3A_177] : memref<10000x128xf32, #tpu.memory_space<hbm>> -> memref<10000x128xf32, #tpu.memory_space<hbm>>
        tpu.enqueue_indirect_dma source(%dma_start3A_178 : memref<10000x128xf32, #tpu.memory_space<hbm>>) target(%dma_start3A_174 : memref<128x128xf32, #tpu.memory_space<vmem>>) offsets(%dma_start3A_175 : memref<128xi32, #tpu.memory_space<vmem>>) semaphore(%arg11 : memref<!tpu.dma_semaphore, #tpu.memory_space<semaphore_mem>>)
      }
      %scan3A_93 = arith.constant 19 : i32
      %dma_wait3A_94 = arith.constant 0 : i32
      %dma_wait3A_95 = arith.constant 0 : i32
      %dma_wait3A_96 = arith.constant 0 : i32
      %dma_wait3A_97 = tpu.memref_slice %arg8[%dma_wait3A_94, %dma_wait3A_95, %dma_wait3A_96] : memref<2x128x128xf32, #tpu.memory_space<vmem>> -> memref<1x128x128xf32, #tpu.memory_space<vmem>>
      %dma_wait3A_98 = tpu.memref_squeeze %dma_wait3A_97 : memref<1x128x128xf32, #tpu.memory_space<vmem>> -> memref<128x128xf32, #tpu.memory_space<vmem>>
      %dma_wait3A_99 = arith.constant 4864 : i32
      %dma_wait3A_100 = tpu.memref_slice %arg6[%dma_wait3A_99] : memref<5120xi32, #tpu.memory_space<vmem>> -> memref<128xi32, #tpu.memory_space<vmem>>
      %dma_wait3A_101 = arith.constant 0 : i32
      %dma_wait3A_102 = arith.constant 0 : i32
      %dma_wait3A_103 = tpu.memref_slice %arg2[%dma_wait3A_101, %dma_wait3A_102] : memref<10000x128xf32, #tpu.memory_space<hbm>> -> memref<10000x128xf32, #tpu.memory_space<hbm>>
      tpu.wait_indirect_dma semaphore(%arg10 : memref<!tpu.dma_semaphore, #tpu.memory_space<semaphore_mem>>) src(%dma_wait3A_103 : memref<10000x128xf32, #tpu.memory_space<hbm>>) dst(%dma_wait3A_98 : memref<128x128xf32, #tpu.memory_space<vmem>>)
      %run_scoped3A_104 = arith.constant 0 : i32
      "tpu.region"() ({
        %run_scoped3A_116 = tpu.sem_alloc : memref<!tpu.dma_semaphore, #tpu.memory_space<semaphore_mem>>
        %dma_start3A_117 = arith.constant 0 : i32
        %dma_start3A_118 = arith.constant 0 : i32
        %dma_start3A_119 = tpu.memref_slice %arg8[%run_scoped3A_104, %dma_start3A_117, %dma_start3A_118] : memref<2x128x128xf32, #tpu.memory_space<vmem>> -> memref<1x128x128xf32, #tpu.memory_space<vmem>>
        %dma_start3A_120 = tpu.memref_squeeze %dma_start3A_119 : memref<1x128x128xf32, #tpu.memory_space<vmem>> -> memref<128x128xf32, #tpu.memory_space<vmem>>
        %dma_start3A_121 = arith.constant 4864 : i32
        %dma_start3A_122 = tpu.memref_slice %arg7[%dma_start3A_121] : memref<5120xi32, #tpu.memory_space<vmem>> -> memref<128xi32, #tpu.memory_space<vmem>>
        %dma_start3A_123 = arith.constant 0 : i32
        %dma_start3A_124 = arith.constant 0 : i32
        %dma_start3A_125 = tpu.memref_slice %arg9[%dma_start3A_123, %dma_start3A_124] : memref<10112x128xf32, #tpu.memory_space<vmem_shared>> -> memref<10112x128xf32, #tpu.memory_space<vmem_shared>>
        tpu.enqueue_indirect_dma source(%dma_start3A_120 : memref<128x128xf32, #tpu.memory_space<vmem>>) target(%dma_start3A_125 : memref<10112x128xf32, #tpu.memory_space<vmem_shared>>) offsets(%dma_start3A_122 : memref<128xi32, #tpu.memory_space<vmem>>) semaphore(%run_scoped3A_116 : memref<!tpu.dma_semaphore, #tpu.memory_space<semaphore_mem>>) {add = true}
        %dma_wait3A_126 = arith.constant 0 : i32
        %dma_wait3A_127 = arith.constant 0 : i32
        %dma_wait3A_128 = tpu.memref_slice %arg8[%run_scoped3A_104, %dma_wait3A_126, %dma_wait3A_127] : memref<2x128x128xf32, #tpu.memory_space<vmem>> -> memref<1x128x128xf32, #tpu.memory_space<vmem>>
        %dma_wait3A_129 = tpu.memref_squeeze %dma_wait3A_128 : memref<1x128x128xf32, #tpu.memory_space<vmem>> -> memref<128x128xf32, #tpu.memory_space<vmem>>
        %dma_wait3A_130 = arith.constant 4864 : i32
        %dma_wait3A_131 = tpu.memref_slice %arg7[%dma_wait3A_130] : memref<5120xi32, #tpu.memory_space<vmem>> -> memref<128xi32, #tpu.memory_space<vmem>>
        %dma_wait3A_132 = arith.constant 0 : i32
        %dma_wait3A_133 = arith.constant 0 : i32
        %dma_wait3A_134 = tpu.memref_slice %arg9[%dma_wait3A_132, %dma_wait3A_133] : memref<10112x128xf32, #tpu.memory_space<vmem_shared>> -> memref<10112x128xf32, #tpu.memory_space<vmem_shared>>
        tpu.wait_indirect_dma semaphore(%run_scoped3A_116 : memref<!tpu.dma_semaphore, #tpu.memory_space<semaphore_mem>>) src(%dma_wait3A_129 : memref<128x128xf32, #tpu.memory_space<vmem>>) dst(%dma_wait3A_134 : memref<10112x128xf32, #tpu.memory_space<vmem_shared>>)
        tpu.yield
      }) : () -> ()
      %dma_wait3A_105 = arith.constant 1 : i32
      %dma_wait3A_106 = arith.constant 0 : i32
      %dma_wait3A_107 = arith.constant 0 : i32
      %dma_wait3A_108 = tpu.memref_slice %arg8[%dma_wait3A_105, %dma_wait3A_106, %dma_wait3A_107] : memref<2x128x128xf32, #tpu.memory_space<vmem>> -> memref<1x128x128xf32, #tpu.memory_space<vmem>>
      %dma_wait3A_109 = tpu.memref_squeeze %dma_wait3A_108 : memref<1x128x128xf32, #tpu.memory_space<vmem>> -> memref<128x128xf32, #tpu.memory_space<vmem>>
      %dma_wait3A_110 = arith.constant 4992 : i32
      %dma_wait3A_111 = tpu.memref_slice %arg6[%dma_wait3A_110] : memref<5120xi32, #tpu.memory_space<vmem>> -> memref<128xi32, #tpu.memory_space<vmem>>
      %dma_wait3A_112 = arith.constant 0 : i32
      %dma_wait3A_113 = arith.constant 0 : i32
      %dma_wait3A_114 = tpu.memref_slice %arg2[%dma_wait3A_112, %dma_wait3A_113] : memref<10000x128xf32, #tpu.memory_space<hbm>> -> memref<10000x128xf32, #tpu.memory_space<hbm>>
      tpu.wait_indirect_dma semaphore(%arg11 : memref<!tpu.dma_semaphore, #tpu.memory_space<semaphore_mem>>) src(%dma_wait3A_114 : memref<10000x128xf32, #tpu.memory_space<hbm>>) dst(%dma_wait3A_109 : memref<128x128xf32, #tpu.memory_space<vmem>>)
      %run_scoped3A_115 = arith.constant 1 : i32
      "tpu.region"() ({
        %run_scoped3A_116 = tpu.sem_alloc : memref<!tpu.dma_semaphore, #tpu.memory_space<semaphore_mem>>
        %dma_start3A_117 = arith.constant 0 : i32
        %dma_start3A_118 = arith.constant 0 : i32
        %dma_start3A_119 = tpu.memref_slice %arg8[%run_scoped3A_115, %dma_start3A_117, %dma_start3A_118] : memref<2x128x128xf32, #tpu.memory_space<vmem>> -> memref<1x128x128xf32, #tpu.memory_space<vmem>>
        %dma_start3A_120 = tpu.memref_squeeze %dma_start3A_119 : memref<1x128x128xf32, #tpu.memory_space<vmem>> -> memref<128x128xf32, #tpu.memory_space<vmem>>
        %dma_start3A_121 = arith.constant 4992 : i32
        %dma_start3A_122 = tpu.memref_slice %arg7[%dma_start3A_121] : memref<5120xi32, #tpu.memory_space<vmem>> -> memref<128xi32, #tpu.memory_space<vmem>>
        %dma_start3A_123 = arith.constant 0 : i32
        %dma_start3A_124 = arith.constant 0 : i32
        %dma_start3A_125 = tpu.memref_slice %arg9[%dma_start3A_123, %dma_start3A_124] : memref<10112x128xf32, #tpu.memory_space<vmem_shared>> -> memref<10112x128xf32, #tpu.memory_space<vmem_shared>>
        tpu.enqueue_indirect_dma source(%dma_start3A_120 : memref<128x128xf32, #tpu.memory_space<vmem>>) target(%dma_start3A_125 : memref<10112x128xf32, #tpu.memory_space<vmem_shared>>) offsets(%dma_start3A_122 : memref<128xi32, #tpu.memory_space<vmem>>) semaphore(%run_scoped3A_116 : memref<!tpu.dma_semaphore, #tpu.memory_space<semaphore_mem>>) {add = true}
        %dma_wait3A_126 = arith.constant 0 : i32
        %dma_wait3A_127 = arith.constant 0 : i32
        %dma_wait3A_128 = tpu.memref_slice %arg8[%run_scoped3A_115, %dma_wait3A_126, %dma_wait3A_127] : memref<2x128x128xf32, #tpu.memory_space<vmem>> -> memref<1x128x128xf32, #tpu.memory_space<vmem>>
        %dma_wait3A_129 = tpu.memref_squeeze %dma_wait3A_128 : memref<1x128x128xf32, #tpu.memory_space<vmem>> -> memref<128x128xf32, #tpu.memory_space<vmem>>
        %dma_wait3A_130 = arith.constant 4992 : i32
        %dma_wait3A_131 = tpu.memref_slice %arg7[%dma_wait3A_130] : memref<5120xi32, #tpu.memory_space<vmem>> -> memref<128xi32, #tpu.memory_space<vmem>>
        %dma_wait3A_132 = arith.constant 0 : i32
        %dma_wait3A_133 = arith.constant 0 : i32
        %dma_wait3A_134 = tpu.memref_slice %arg9[%dma_wait3A_132, %dma_wait3A_133] : memref<10112x128xf32, #tpu.memory_space<vmem_shared>> -> memref<10112x128xf32, #tpu.memory_space<vmem_shared>>
        tpu.wait_indirect_dma semaphore(%run_scoped3A_116 : memref<!tpu.dma_semaphore, #tpu.memory_space<semaphore_mem>>) src(%dma_wait3A_129 : memref<128x128xf32, #tpu.memory_space<vmem>>) dst(%dma_wait3A_134 : memref<10112x128xf32, #tpu.memory_space<vmem_shared>>)
        tpu.yield
      }) : () -> ()
    } else {
    }
    %ge3A = arith.constant 6 : i32
    %ge3A_5 = arith.cmpi sge, %add3A, %ge3A : i32
    %lt3A_6 = arith.constant 26 : i32
    %lt3A_7 = arith.cmpi slt, %add3A, %lt3A_6 : i32
    %and3A = arith.andi %ge3A_5, %lt3A_7 : i1
    %convert_element_type3A_8 = arith.extui %and3A : i1 to i32
    %cond3A_9 = arith.constant 0 : i32
    %cond3A_10 = arith.cmpi ne, %convert_element_type3A_8, %cond3A_9 : i32
    scf.if %cond3A_10 {
      %sub3A = arith.constant 6 : i32
      %sub3A_12 = arith.subi %add3A, %sub3A : i32
      %mul3A_13 = arith.constant 128 : i32
      %mul3A_14 = arith.muli %sub3A_12, %mul3A_13 : i32
      %add3A_15 = arith.constant 317440 : i32
      %add3A_16 = arith.addi %add3A_15, %mul3A_14 : i32
      %run_scoped3A = arith.constant 0 : i32
      "tpu.region"() ({
        %run_scoped3A_37 = tpu.sem_alloc : memref<!tpu.dma_semaphore, #tpu.memory_space<semaphore_mem>>
        %dma_start3A_38 = arith.constant 0 : i32
        %dma_start3A_39 = tpu.memref_slice %arg6[%dma_start3A_38] : memref<5120xi32, #tpu.memory_space<vmem>> -> memref<128xi32, #tpu.memory_space<vmem>>
        %dma_start3A_40 = tpu.memref_slice %arg3[%run_scoped3A, %add3A_16] : memref<2x320000xi32, #tpu.memory_space<hbm>> -> memref<1x128xi32, #tpu.memory_space<hbm>>
        %dma_start3A_41 = tpu.memref_squeeze %dma_start3A_40 : memref<1x128xi32, #tpu.memory_space<hbm>> -> memref<128xi32, #tpu.memory_space<hbm>>
        %dma_start3A_42 = arith.constant 0 : i32
        %dma_start3A_43 = tpu.memref_slice %arg6[%dma_start3A_42] : memref<5120xi32, #tpu.memory_space<vmem>> -> memref<128xi32, #tpu.memory_space<vmem>>
        %dma_start3A_44 = tpu.memref_slice %arg3[%run_scoped3A, %add3A_16] : memref<2x320000xi32, #tpu.memory_space<hbm>> -> memref<1x128xi32, #tpu.memory_space<hbm>>
        %dma_start3A_45 = tpu.memref_squeeze %dma_start3A_44 : memref<1x128xi32, #tpu.memory_space<hbm>> -> memref<128xi32, #tpu.memory_space<hbm>>
        tpu.enqueue_dma source(%dma_start3A_45 : memref<128xi32, #tpu.memory_space<hbm>>) target(%dma_start3A_43 : memref<128xi32, #tpu.memory_space<vmem>>) target_semaphore(%run_scoped3A_37 : memref<!tpu.dma_semaphore, #tpu.memory_space<semaphore_mem>>)
        %dma_wait3A_46 = arith.constant 0 : i32
        %dma_wait3A_47 = tpu.memref_slice %arg6[%dma_wait3A_46] : memref<5120xi32, #tpu.memory_space<vmem>> -> memref<128xi32, #tpu.memory_space<vmem>>
        %dma_wait3A_48 = tpu.memref_slice %arg3[%run_scoped3A, %add3A_16] : memref<2x320000xi32, #tpu.memory_space<hbm>> -> memref<1x128xi32, #tpu.memory_space<hbm>>
        %dma_wait3A_49 = tpu.memref_squeeze %dma_wait3A_48 : memref<1x128xi32, #tpu.memory_space<hbm>> -> memref<128xi32, #tpu.memory_space<hbm>>
        %dma_wait3A_50 = arith.constant 0 : i32
        %dma_wait3A_51 = tpu.memref_slice %arg6[%dma_wait3A_50] : memref<5120xi32, #tpu.memory_space<vmem>> -> memref<128xi32, #tpu.memory_space<vmem>>
        %dma_wait3A_52 = tpu.memref_slice %arg3[%run_scoped3A, %add3A_16] : memref<2x320000xi32, #tpu.memory_space<hbm>> -> memref<1x128xi32, #tpu.memory_space<hbm>>
        %dma_wait3A_53 = tpu.memref_squeeze %dma_wait3A_52 : memref<1x128xi32, #tpu.memory_space<hbm>> -> memref<128xi32, #tpu.memory_space<hbm>>
        tpu.wait_dma2 semaphore(%run_scoped3A_37 : memref<!tpu.dma_semaphore, #tpu.memory_space<semaphore_mem>>) src(%dma_wait3A_53 : memref<128xi32, #tpu.memory_space<hbm>>) dst(%dma_wait3A_51 : memref<128xi32, #tpu.memory_space<vmem>>)
        tpu.yield
      }) : () -> ()
      %run_scoped3A_17 = arith.constant 1 : i32
      "tpu.region"() ({
        %run_scoped3A_37 = tpu.sem_alloc : memref<!tpu.dma_semaphore, #tpu.memory_space<semaphore_mem>>
        %dma_start3A_38 = arith.constant 0 : i32
        %dma_start3A_39 = tpu.memref_slice %arg7[%dma_start3A_38] : memref<5120xi32, #tpu.memory_space<vmem>> -> memref<128xi32, #tpu.memory_space<vmem>>
        %dma_start3A_40 = tpu.memref_slice %arg3[%run_scoped3A_17, %add3A_16] : memref<2x320000xi32, #tpu.memory_space<hbm>> -> memref<1x128xi32, #tpu.memory_space<hbm>>
        %dma_start3A_41 = tpu.memref_squeeze %dma_start3A_40 : memref<1x128xi32, #tpu.memory_space<hbm>> -> memref<128xi32, #tpu.memory_space<hbm>>
        %dma_start3A_42 = arith.constant 0 : i32
        %dma_start3A_43 = tpu.memref_slice %arg7[%dma_start3A_42] : memref<5120xi32, #tpu.memory_space<vmem>> -> memref<128xi32, #tpu.memory_space<vmem>>
        %dma_start3A_44 = tpu.memref_slice %arg3[%run_scoped3A_17, %add3A_16] : memref<2x320000xi32, #tpu.memory_space<hbm>> -> memref<1x128xi32, #tpu.memory_space<hbm>>
        %dma_start3A_45 = tpu.memref_squeeze %dma_start3A_44 : memref<1x128xi32, #tpu.memory_space<hbm>> -> memref<128xi32, #tpu.memory_space<hbm>>
        tpu.enqueue_dma source(%dma_start3A_45 : memref<128xi32, #tpu.memory_space<hbm>>) target(%dma_start3A_43 : memref<128xi32, #tpu.memory_space<vmem>>) target_semaphore(%run_scoped3A_37 : memref<!tpu.dma_semaphore, #tpu.memory_space<semaphore_mem>>)
        %dma_wait3A_46 = arith.constant 0 : i32
        %dma_wait3A_47 = tpu.memref_slice %arg7[%dma_wait3A_46] : memref<5120xi32, #tpu.memory_space<vmem>> -> memref<128xi32, #tpu.memory_space<vmem>>
        %dma_wait3A_48 = tpu.memref_slice %arg3[%run_scoped3A_17, %add3A_16] : memref<2x320000xi32, #tpu.memory_space<hbm>> -> memref<1x128xi32, #tpu.memory_space<hbm>>
        %dma_wait3A_49 = tpu.memref_squeeze %dma_wait3A_48 : memref<1x128xi32, #tpu.memory_space<hbm>> -> memref<128xi32, #tpu.memory_space<hbm>>
        %dma_wait3A_50 = arith.constant 0 : i32
        %dma_wait3A_51 = tpu.memref_slice %arg7[%dma_wait3A_50] : memref<5120xi32, #tpu.memory_space<vmem>> -> memref<128xi32, #tpu.memory_space<vmem>>
        %dma_wait3A_52 = tpu.memref_slice %arg3[%run_scoped3A_17, %add3A_16] : memref<2x320000xi32, #tpu.memory_space<hbm>> -> memref<1x128xi32, #tpu.memory_space<hbm>>
        %dma_wait3A_53 = tpu.memref_squeeze %dma_wait3A_52 : memref<1x128xi32, #tpu.memory_space<hbm>> -> memref<128xi32, #tpu.memory_space<hbm>>
        tpu.wait_dma2 semaphore(%run_scoped3A_37 : memref<!tpu.dma_semaphore, #tpu.memory_space<semaphore_mem>>) src(%dma_wait3A_53 : memref<128xi32, #tpu.memory_space<hbm>>) dst(%dma_wait3A_51 : memref<128xi32, #tpu.memory_space<vmem>>)
        tpu.yield
      }) : () -> ()
      %dma_start3A = arith.constant 0 : i32
      %dma_start3A_18 = arith.constant 0 : i32
      %dma_start3A_19 = arith.constant 0 : i32
      %dma_start3A_20 = tpu.memref_slice %arg8[%dma_start3A, %dma_start3A_18, %dma_start3A_19] : memref<2x128x128xf32, #tpu.memory_space<vmem>> -> memref<1x128x128xf32, #tpu.memory_space<vmem>>
      %dma_start3A_21 = tpu.memref_squeeze %dma_start3A_20 : memref<1x128x128xf32, #tpu.memory_space<vmem>> -> memref<128x128xf32, #tpu.memory_space<vmem>>
      %dma_start3A_22 = arith.constant 0 : i32
      %dma_start3A_23 = tpu.memref_slice %arg6[%dma_start3A_22] : memref<5120xi32, #tpu.memory_space<vmem>> -> memref<128xi32, #tpu.memory_space<vmem>>
      %dma_start3A_24 = arith.constant 0 : i32
      %dma_start3A_25 = arith.constant 0 : i32
      %dma_start3A_26 = tpu.memref_slice %arg2[%dma_start3A_24, %dma_start3A_25] : memref<10000x128xf32, #tpu.memory_space<hbm>> -> memref<10000x128xf32, #tpu.memory_space<hbm>>
      tpu.enqueue_indirect_dma source(%dma_start3A_26 : memref<10000x128xf32, #tpu.memory_space<hbm>>) target(%dma_start3A_21 : memref<128x128xf32, #tpu.memory_space<vmem>>) offsets(%dma_start3A_23 : memref<128xi32, #tpu.memory_space<vmem>>) semaphore(%arg10 : memref<!tpu.dma_semaphore, #tpu.memory_space<semaphore_mem>>)
      %dma_wait3A = arith.constant 0 : i32
      %dma_wait3A_27 = arith.constant 0 : i32
      %dma_wait3A_28 = arith.constant 0 : i32
      %dma_wait3A_29 = tpu.memref_slice %arg8[%dma_wait3A, %dma_wait3A_27, %dma_wait3A_28] : memref<2x128x128xf32, #tpu.memory_space<vmem>> -> memref<1x128x128xf32, #tpu.memory_space<vmem>>
      %dma_wait3A_30 = tpu.memref_squeeze %dma_wait3A_29 : memref<1x128x128xf32, #tpu.memory_space<vmem>> -> memref<128x128xf32, #tpu.memory_space<vmem>>
      %dma_wait3A_31 = arith.constant 0 : i32
      %dma_wait3A_32 = tpu.memref_slice %arg6[%dma_wait3A_31] : memref<5120xi32, #tpu.memory_space<vmem>> -> memref<128xi32, #tpu.memory_space<vmem>>
      %dma_wait3A_33 = arith.constant 0 : i32
      %dma_wait3A_34 = arith.constant 0 : i32
      %dma_wait3A_35 = tpu.memref_slice %arg2[%dma_wait3A_33, %dma_wait3A_34] : memref<10000x128xf32, #tpu.memory_space<hbm>> -> memref<10000x128xf32, #tpu.memory_space<hbm>>
      tpu.wait_indirect_dma semaphore(%arg10 : memref<!tpu.dma_semaphore, #tpu.memory_space<semaphore_mem>>) src(%dma_wait3A_35 : memref<10000x128xf32, #tpu.memory_space<hbm>>) dst(%dma_wait3A_30 : memref<128x128xf32, #tpu.memory_space<vmem>>)
      %run_scoped3A_36 = arith.constant 0 : i32
      "tpu.region"() ({
        %run_scoped3A_37 = tpu.sem_alloc : memref<!tpu.dma_semaphore, #tpu.memory_space<semaphore_mem>>
        %dma_start3A_38 = arith.constant 0 : i32
        %dma_start3A_39 = arith.constant 0 : i32
        %dma_start3A_40 = tpu.memref_slice %arg8[%run_scoped3A_36, %dma_start3A_38, %dma_start3A_39] : memref<2x128x128xf32, #tpu.memory_space<vmem>> -> memref<1x128x128xf32, #tpu.memory_space<vmem>>
        %dma_start3A_41 = tpu.memref_squeeze %dma_start3A_40 : memref<1x128x128xf32, #tpu.memory_space<vmem>> -> memref<128x128xf32, #tpu.memory_space<vmem>>
        %dma_start3A_42 = arith.constant 0 : i32
        %dma_start3A_43 = tpu.memref_slice %arg7[%dma_start3A_42] : memref<5120xi32, #tpu.memory_space<vmem>> -> memref<128xi32, #tpu.memory_space<vmem>>
        %dma_start3A_44 = arith.constant 0 : i32
        %dma_start3A_45 = arith.constant 0 : i32
        %dma_start3A_46 = tpu.memref_slice %arg9[%dma_start3A_44, %dma_start3A_45] : memref<10112x128xf32, #tpu.memory_space<vmem_shared>> -> memref<10112x128xf32, #tpu.memory_space<vmem_shared>>
        tpu.enqueue_indirect_dma source(%dma_start3A_41 : memref<128x128xf32, #tpu.memory_space<vmem>>) target(%dma_start3A_46 : memref<10112x128xf32, #tpu.memory_space<vmem_shared>>) offsets(%dma_start3A_43 : memref<128xi32, #tpu.memory_space<vmem>>) semaphore(%run_scoped3A_37 : memref<!tpu.dma_semaphore, #tpu.memory_space<semaphore_mem>>) {add = true}
        %dma_wait3A_47 = arith.constant 0 : i32
        %dma_wait3A_48 = arith.constant 0 : i32
        %dma_wait3A_49 = tpu.memref_slice %arg8[%run_scoped3A_36, %dma_wait3A_47, %dma_wait3A_48] : memref<2x128x128xf32, #tpu.memory_space<vmem>> -> memref<1x128x128xf32, #tpu.memory_space<vmem>>
        %dma_wait3A_50 = tpu.memref_squeeze %dma_wait3A_49 : memref<1x128x128xf32, #tpu.memory_space<vmem>> -> memref<128x128xf32, #tpu.memory_space<vmem>>
        %dma_wait3A_51 = arith.constant 0 : i32
        %dma_wait3A_52 = tpu.memref_slice %arg7[%dma_wait3A_51] : memref<5120xi32, #tpu.memory_space<vmem>> -> memref<128xi32, #tpu.memory_space<vmem>>
        %dma_wait3A_53 = arith.constant 0 : i32
        %dma_wait3A_54 = arith.constant 0 : i32
        %dma_wait3A_55 = tpu.memref_slice %arg9[%dma_wait3A_53, %dma_wait3A_54] : memref<10112x128xf32, #tpu.memory_space<vmem_shared>> -> memref<10112x128xf32, #tpu.memory_space<vmem_shared>>
        tpu.wait_indirect_dma semaphore(%run_scoped3A_37 : memref<!tpu.dma_semaphore, #tpu.memory_space<semaphore_mem>>) src(%dma_wait3A_50 : memref<128x128xf32, #tpu.memory_space<vmem>>) dst(%dma_wait3A_55 : memref<10112x128xf32, #tpu.memory_space<vmem_shared>>)
        tpu.yield
      }) : () -> ()
    } else {
    }
    %barrier3A_11 = arith.constant 0 : index
    tpu.barrier barrier_id(%barrier3A_11)
    "tpu.region"() ({
      %run_scoped3A = tpu.sem_alloc : memref<!tpu.dma_semaphore, #tpu.memory_space<semaphore_mem>>
      %dma_start3A = arith.constant 0 : i32
      %dma_start3A_12 = tpu.memref_slice %arg5[%arg0, %mul3A_2, %dma_start3A] : memref<2x10112x128xf32, #tpu.memory_space<hbm>> -> memref<1x632x128xf32, #tpu.memory_space<hbm>>
      %dma_start3A_13 = tpu.memref_squeeze %dma_start3A_12 : memref<1x632x128xf32, #tpu.memory_space<hbm>> -> memref<632x128xf32, #tpu.memory_space<hbm>>
      %dma_start3A_14 = arith.constant 0 : i32
      %dma_start3A_15 = tpu.memref_slice %arg9[%mul3A_2, %dma_start3A_14] : memref<10112x128xf32, #tpu.memory_space<vmem_shared>> -> memref<632x128xf32, #tpu.memory_space<vmem_shared>>
      tpu.enqueue_dma source(%dma_start3A_15 : memref<632x128xf32, #tpu.memory_space<vmem_shared>>) target(%dma_start3A_13 : memref<632x128xf32, #tpu.memory_space<hbm>>) target_semaphore(%run_scoped3A : memref<!tpu.dma_semaphore, #tpu.memory_space<semaphore_mem>>)
      %dma_wait3A = arith.constant 0 : i32
      %dma_wait3A_16 = tpu.memref_slice %arg5[%arg0, %mul3A_2, %dma_wait3A] : memref<2x10112x128xf32, #tpu.memory_space<hbm>> -> memref<1x632x128xf32, #tpu.memory_space<hbm>>
      %dma_wait3A_17 = tpu.memref_squeeze %dma_wait3A_16 : memref<1x632x128xf32, #tpu.memory_space<hbm>> -> memref<632x128xf32, #tpu.memory_space<hbm>>
      %dma_wait3A_18 = arith.constant 0 : i32
      %dma_wait3A_19 = tpu.memref_slice %arg9[%mul3A_2, %dma_wait3A_18] : memref<10112x128xf32, #tpu.memory_space<vmem_shared>> -> memref<632x128xf32, #tpu.memory_space<vmem_shared>>
      tpu.wait_dma2 semaphore(%run_scoped3A : memref<!tpu.dma_semaphore, #tpu.memory_space<semaphore_mem>>) src(%dma_wait3A_19 : memref<632x128xf32, #tpu.memory_space<vmem_shared>>) dst(%dma_wait3A_17 : memref<632x128xf32, #tpu.memory_space<hbm>>)
      tpu.yield
    }) : () -> ()
    return
  }
}

#map = affine_map<(d0, d1) -> (0, 0)>
#map1 = affine_map<(d0, d1) -> (0, 0, 0)>
module attributes {stable_mosaic.version = 14 : i64} {
  func.func @edge_kernel(%arg0: i32, %arg1: i32, %arg2: memref<10000x128xf32, #tpu.memory_space<hbm>>, %arg3: memref<2x320000xi32, #tpu.memory_space<hbm>>, %arg4: memref<10112x128xf32, #tpu.memory_space<hbm>>, %arg5: memref<2x10112x128xf32, #tpu.memory_space<hbm>>, %arg6: memref<5120xi32, #tpu.memory_space<vmem>>, %arg7: memref<5120xi32, #tpu.memory_space<vmem>>, %arg8: memref<2x128x128xf32, #tpu.memory_space<vmem>>, %arg9: memref<10112x128xf32, #tpu.memory_space<vmem_shared>>, %arg10: memref<!tpu.dma_semaphore, #tpu.memory_space<semaphore_mem>>, %arg11: memref<!tpu.dma_semaphore, #tpu.memory_space<semaphore_mem>>, %arg12: memref<!tpu.dma_semaphore, #tpu.memory_space<semaphore_mem>>, %arg13: memref<!tpu.dma_semaphore, #tpu.memory_space<semaphore_mem>>) attributes {dimension_semantics = [#tpu.dimension_semantics<core_parallel>, #tpu.dimension_semantics<subcore_parallel>], iteration_bounds = array<i64: 2, 16>, scalar_prefetch = 0 : i64, scratch_operands = 8 : i64, tpu.core_type = #tpu.core_type<sc_vector_subcore>, window_params = [{transform_indices = #map}, {transform_indices = #map}, {transform_indices = #map}, {transform_indices = #map1}]} {
    %mul3A = arith.constant 16 : i32
    %mul3A_0 = arith.muli %arg0, %mul3A : i32
    %add3A = arith.addi %mul3A_0, %arg1 : i32
    %mul3A_1 = arith.constant 632 : i32
    %mul3A_2 = arith.muli %arg1, %mul3A_1 : i32
    "tpu.region"() ({
      %run_scoped3A = tpu.sem_alloc : memref<!tpu.dma_semaphore, #tpu.memory_space<semaphore_mem>>
      %dma_start3A = arith.constant 0 : i32
      %dma_start3A_12 = tpu.memref_slice %arg9[%mul3A_2, %dma_start3A] : memref<10112x128xf32, #tpu.memory_space<vmem_shared>> -> memref<632x128xf32, #tpu.memory_space<vmem_shared>>
      %dma_start3A_13 = arith.constant 0 : i32
      %dma_start3A_14 = tpu.memref_slice %arg4[%mul3A_2, %dma_start3A_13] : memref<10112x128xf32, #tpu.memory_space<hbm>> -> memref<632x128xf32, #tpu.memory_space<hbm>>
      tpu.enqueue_dma source(%dma_start3A_14 : memref<632x128xf32, #tpu.memory_space<hbm>>) target(%dma_start3A_12 : memref<632x128xf32, #tpu.memory_space<vmem_shared>>) target_semaphore(%run_scoped3A : memref<!tpu.dma_semaphore, #tpu.memory_space<semaphore_mem>>)
      %dma_wait3A = arith.constant 0 : i32
      %dma_wait3A_15 = tpu.memref_slice %arg9[%mul3A_2, %dma_wait3A] : memref<10112x128xf32, #tpu.memory_space<vmem_shared>> -> memref<632x128xf32, #tpu.memory_space<vmem_shared>>
      %dma_wait3A_16 = arith.constant 0 : i32
      %dma_wait3A_17 = tpu.memref_slice %arg4[%mul3A_2, %dma_wait3A_16] : memref<10112x128xf32, #tpu.memory_space<hbm>> -> memref<632x128xf32, #tpu.memory_space<hbm>>
      tpu.wait_dma2 semaphore(%run_scoped3A : memref<!tpu.dma_semaphore, #tpu.memory_space<semaphore_mem>>) src(%dma_wait3A_17 : memref<632x128xf32, #tpu.memory_space<hbm>>) dst(%dma_wait3A_15 : memref<632x128xf32, #tpu.memory_space<vmem_shared>>)
      tpu.yield
    }) : () -> ()
    %barrier3A = arith.constant 0 : index
    tpu.barrier barrier_id(%barrier3A)
    %lt3A = arith.constant 31 : i32
    %lt3A_3 = arith.cmpi slt, %add3A, %lt3A : i32
    %convert_element_type3A = arith.extui %lt3A_3 : i1 to i32
    %cond3A = arith.constant 0 : i32
    %cond3A_4 = arith.cmpi ne, %convert_element_type3A, %cond3A : i32
    scf.if %cond3A_4 {
      %mul3A_12 = arith.constant 10240 : i32
      %mul3A_13 = arith.muli %add3A, %mul3A_12 : i32
      %add3A_14 = arith.constant 0 : i32
      %add3A_15 = arith.addi %mul3A_13, %add3A_14 : i32
      %run_scoped3A = arith.constant 0 : i32
      "tpu.region"() ({
        %run_scoped3A_116 = tpu.sem_alloc : memref<!tpu.dma_semaphore, #tpu.memory_space<semaphore_mem>>
        %dma_start3A_117 = tpu.memref_slice %arg3[%run_scoped3A, %add3A_15] : memref<2x320000xi32, #tpu.memory_space<hbm>> -> memref<1x5120xi32, #tpu.memory_space<hbm>>
        %dma_start3A_118 = tpu.memref_squeeze %dma_start3A_117 : memref<1x5120xi32, #tpu.memory_space<hbm>> -> memref<5120xi32, #tpu.memory_space<hbm>>
        %dma_start3A_119 = tpu.memref_slice %arg3[%run_scoped3A, %add3A_15] : memref<2x320000xi32, #tpu.memory_space<hbm>> -> memref<1x5120xi32, #tpu.memory_space<hbm>>
        %dma_start3A_120 = tpu.memref_squeeze %dma_start3A_119 : memref<1x5120xi32, #tpu.memory_space<hbm>> -> memref<5120xi32, #tpu.memory_space<hbm>>
        tpu.enqueue_dma source(%dma_start3A_120 : memref<5120xi32, #tpu.memory_space<hbm>>) target(%arg6 : memref<5120xi32, #tpu.memory_space<vmem>>) target_semaphore(%run_scoped3A_116 : memref<!tpu.dma_semaphore, #tpu.memory_space<semaphore_mem>>)
        %dma_wait3A_121 = tpu.memref_slice %arg3[%run_scoped3A, %add3A_15] : memref<2x320000xi32, #tpu.memory_space<hbm>> -> memref<1x5120xi32, #tpu.memory_space<hbm>>
        %dma_wait3A_122 = tpu.memref_squeeze %dma_wait3A_121 : memref<1x5120xi32, #tpu.memory_space<hbm>> -> memref<5120xi32, #tpu.memory_space<hbm>>
        %dma_wait3A_123 = tpu.memref_slice %arg3[%run_scoped3A, %add3A_15] : memref<2x320000xi32, #tpu.memory_space<hbm>> -> memref<1x5120xi32, #tpu.memory_space<hbm>>
        %dma_wait3A_124 = tpu.memref_squeeze %dma_wait3A_123 : memref<1x5120xi32, #tpu.memory_space<hbm>> -> memref<5120xi32, #tpu.memory_space<hbm>>
        tpu.wait_dma2 semaphore(%run_scoped3A_116 : memref<!tpu.dma_semaphore, #tpu.memory_space<semaphore_mem>>) src(%dma_wait3A_124 : memref<5120xi32, #tpu.memory_space<hbm>>) dst(%arg6 : memref<5120xi32, #tpu.memory_space<vmem>>)
        tpu.yield
      }) : () -> ()
      %run_scoped3A_16 = arith.constant 1 : i32
      "tpu.region"() ({
        %run_scoped3A_116 = tpu.sem_alloc : memref<!tpu.dma_semaphore, #tpu.memory_space<semaphore_mem>>
        %dma_start3A_117 = tpu.memref_slice %arg3[%run_scoped3A_16, %add3A_15] : memref<2x320000xi32, #tpu.memory_space<hbm>> -> memref<1x5120xi32, #tpu.memory_space<hbm>>
        %dma_start3A_118 = tpu.memref_squeeze %dma_start3A_117 : memref<1x5120xi32, #tpu.memory_space<hbm>> -> memref<5120xi32, #tpu.memory_space<hbm>>
        %dma_start3A_119 = tpu.memref_slice %arg3[%run_scoped3A_16, %add3A_15] : memref<2x320000xi32, #tpu.memory_space<hbm>> -> memref<1x5120xi32, #tpu.memory_space<hbm>>
        %dma_start3A_120 = tpu.memref_squeeze %dma_start3A_119 : memref<1x5120xi32, #tpu.memory_space<hbm>> -> memref<5120xi32, #tpu.memory_space<hbm>>
        tpu.enqueue_dma source(%dma_start3A_120 : memref<5120xi32, #tpu.memory_space<hbm>>) target(%arg7 : memref<5120xi32, #tpu.memory_space<vmem>>) target_semaphore(%run_scoped3A_116 : memref<!tpu.dma_semaphore, #tpu.memory_space<semaphore_mem>>)
        %dma_wait3A_121 = tpu.memref_slice %arg3[%run_scoped3A_16, %add3A_15] : memref<2x320000xi32, #tpu.memory_space<hbm>> -> memref<1x5120xi32, #tpu.memory_space<hbm>>
        %dma_wait3A_122 = tpu.memref_squeeze %dma_wait3A_121 : memref<1x5120xi32, #tpu.memory_space<hbm>> -> memref<5120xi32, #tpu.memory_space<hbm>>
        %dma_wait3A_123 = tpu.memref_slice %arg3[%run_scoped3A_16, %add3A_15] : memref<2x320000xi32, #tpu.memory_space<hbm>> -> memref<1x5120xi32, #tpu.memory_space<hbm>>
        %dma_wait3A_124 = tpu.memref_squeeze %dma_wait3A_123 : memref<1x5120xi32, #tpu.memory_space<hbm>> -> memref<5120xi32, #tpu.memory_space<hbm>>
        tpu.wait_dma2 semaphore(%run_scoped3A_116 : memref<!tpu.dma_semaphore, #tpu.memory_space<semaphore_mem>>) src(%dma_wait3A_124 : memref<5120xi32, #tpu.memory_space<hbm>>) dst(%arg7 : memref<5120xi32, #tpu.memory_space<vmem>>)
        tpu.yield
      }) : () -> ()
      %dma_start3A = arith.constant 0 : i32
      %dma_start3A_17 = arith.constant 0 : i32
      %dma_start3A_18 = arith.constant 0 : i32
      %dma_start3A_19 = tpu.memref_slice %arg8[%dma_start3A, %dma_start3A_17, %dma_start3A_18] : memref<2x128x128xf32, #tpu.memory_space<vmem>> -> memref<1x128x128xf32, #tpu.memory_space<vmem>>
      %dma_start3A_20 = tpu.memref_squeeze %dma_start3A_19 : memref<1x128x128xf32, #tpu.memory_space<vmem>> -> memref<128x128xf32, #tpu.memory_space<vmem>>
      %dma_start3A_21 = arith.constant 0 : i32
      %dma_start3A_22 = tpu.memref_slice %arg6[%dma_start3A_21] : memref<5120xi32, #tpu.memory_space<vmem>> -> memref<128xi32, #tpu.memory_space<vmem>>
      %dma_start3A_23 = arith.constant 0 : i32
      %dma_start3A_24 = arith.constant 0 : i32
      %dma_start3A_25 = tpu.memref_slice %arg2[%dma_start3A_23, %dma_start3A_24] : memref<10000x128xf32, #tpu.memory_space<hbm>> -> memref<10000x128xf32, #tpu.memory_space<hbm>>
      tpu.enqueue_indirect_dma source(%dma_start3A_25 : memref<10000x128xf32, #tpu.memory_space<hbm>>) target(%dma_start3A_20 : memref<128x128xf32, #tpu.memory_space<vmem>>) offsets(%dma_start3A_22 : memref<128xi32, #tpu.memory_space<vmem>>) semaphore(%arg10 : memref<!tpu.dma_semaphore, #tpu.memory_space<semaphore_mem>>)
      %dma_start3A_26 = arith.constant 1 : i32
      %dma_start3A_27 = arith.constant 0 : i32
      %dma_start3A_28 = arith.constant 0 : i32
      %dma_start3A_29 = tpu.memref_slice %arg8[%dma_start3A_26, %dma_start3A_27, %dma_start3A_28] : memref<2x128x128xf32, #tpu.memory_space<vmem>> -> memref<1x128x128xf32, #tpu.memory_space<vmem>>
      %dma_start3A_30 = tpu.memref_squeeze %dma_start3A_29 : memref<1x128x128xf32, #tpu.memory_space<vmem>> -> memref<128x128xf32, #tpu.memory_space<vmem>>
      %dma_start3A_31 = arith.constant 128 : i32
      %dma_start3A_32 = tpu.memref_slice %arg6[%dma_start3A_31] : memref<5120xi32, #tpu.memory_space<vmem>> -> memref<128xi32, #tpu.memory_space<vmem>>
      %dma_start3A_33 = arith.constant 0 : i32
      %dma_start3A_34 = arith.constant 0 : i32
      %dma_start3A_35 = tpu.memref_slice %arg2[%dma_start3A_33, %dma_start3A_34] : memref<10000x128xf32, #tpu.memory_space<hbm>> -> memref<10000x128xf32, #tpu.memory_space<hbm>>
      tpu.enqueue_indirect_dma source(%dma_start3A_35 : memref<10000x128xf32, #tpu.memory_space<hbm>>) target(%dma_start3A_30 : memref<128x128xf32, #tpu.memory_space<vmem>>) offsets(%dma_start3A_32 : memref<128xi32, #tpu.memory_space<vmem>>) semaphore(%arg11 : memref<!tpu.dma_semaphore, #tpu.memory_space<semaphore_mem>>)
      %scan3A = arith.constant 0 : i32
      %scan3A_36 = arith.constant 0 : i32
      %scan3A_37 = arith.constant 19 : i32
      %scan3A_38 = arith.addi %scan3A_36, %scan3A_37 : i32
      %scan3A_39 = arith.constant 1 : i32
      scf.for %scan3A_116 = %scan3A_36 to %scan3A_38 step %scan3A_39  : i32 {
        %mul3A_117 = arith.constant 2 : i32
        %mul3A_118 = arith.muli %scan3A_116, %mul3A_117 : i32
        %add3A_119 = arith.constant 0 : i32
        %add3A_120 = arith.addi %mul3A_118, %add3A_119 : i32
        %mul3A_121 = arith.constant 128 : i32
        %mul3A_122 = arith.muli %add3A_120, %mul3A_121 : i32
        %dma_wait3A_123 = arith.constant 0 : i32
        %dma_wait3A_124 = arith.constant 0 : i32
        %dma_wait3A_125 = arith.constant 0 : i32
        %dma_wait3A_126 = tpu.memref_slice %arg8[%dma_wait3A_123, %dma_wait3A_124, %dma_wait3A_125] : memref<2x128x128xf32, #tpu.memory_space<vmem>> -> memref<1x128x128xf32, #tpu.memory_space<vmem>>
        %dma_wait3A_127 = tpu.memref_squeeze %dma_wait3A_126 : memref<1x128x128xf32, #tpu.memory_space<vmem>> -> memref<128x128xf32, #tpu.memory_space<vmem>>
        %dma_wait3A_128 = tpu.memref_slice %arg6[%mul3A_122] : memref<5120xi32, #tpu.memory_space<vmem>> -> memref<128xi32, #tpu.memory_space<vmem>>
        %dma_wait3A_129 = arith.constant 0 : i32
        %dma_wait3A_130 = arith.constant 0 : i32
        %dma_wait3A_131 = tpu.memref_slice %arg2[%dma_wait3A_129, %dma_wait3A_130] : memref<10000x128xf32, #tpu.memory_space<hbm>> -> memref<10000x128xf32, #tpu.memory_space<hbm>>
        tpu.wait_indirect_dma semaphore(%arg10 : memref<!tpu.dma_semaphore, #tpu.memory_space<semaphore_mem>>) src(%dma_wait3A_131 : memref<10000x128xf32, #tpu.memory_space<hbm>>) dst(%dma_wait3A_127 : memref<128x128xf32, #tpu.memory_space<vmem>>)
        %mul3A_132 = arith.constant 128 : i32
        %mul3A_133 = arith.muli %add3A_120, %mul3A_132 : i32
        %run_scoped3A_134 = arith.constant 0 : i32
        "tpu.region"() ({
          %run_scoped3A_179 = tpu.sem_alloc : memref<!tpu.dma_semaphore, #tpu.memory_space<semaphore_mem>>
          %dma_start3A_180 = arith.constant 0 : i32
          %dma_start3A_181 = arith.constant 0 : i32
          %dma_start3A_182 = tpu.memref_slice %arg8[%run_scoped3A_134, %dma_start3A_180, %dma_start3A_181] : memref<2x128x128xf32, #tpu.memory_space<vmem>> -> memref<1x128x128xf32, #tpu.memory_space<vmem>>
          %dma_start3A_183 = tpu.memref_squeeze %dma_start3A_182 : memref<1x128x128xf32, #tpu.memory_space<vmem>> -> memref<128x128xf32, #tpu.memory_space<vmem>>
          %dma_start3A_184 = tpu.memref_slice %arg7[%mul3A_133] : memref<5120xi32, #tpu.memory_space<vmem>> -> memref<128xi32, #tpu.memory_space<vmem>>
          %dma_start3A_185 = arith.constant 0 : i32
          %dma_start3A_186 = arith.constant 0 : i32
          %dma_start3A_187 = tpu.memref_slice %arg9[%dma_start3A_185, %dma_start3A_186] : memref<10112x128xf32, #tpu.memory_space<vmem_shared>> -> memref<10112x128xf32, #tpu.memory_space<vmem_shared>>
          tpu.enqueue_indirect_dma source(%dma_start3A_183 : memref<128x128xf32, #tpu.memory_space<vmem>>) target(%dma_start3A_187 : memref<10112x128xf32, #tpu.memory_space<vmem_shared>>) offsets(%dma_start3A_184 : memref<128xi32, #tpu.memory_space<vmem>>) semaphore(%run_scoped3A_179 : memref<!tpu.dma_semaphore, #tpu.memory_space<semaphore_mem>>) {add = true}
          %dma_wait3A_188 = arith.constant 0 : i32
          %dma_wait3A_189 = arith.constant 0 : i32
          %dma_wait3A_190 = tpu.memref_slice %arg8[%run_scoped3A_134, %dma_wait3A_188, %dma_wait3A_189] : memref<2x128x128xf32, #tpu.memory_space<vmem>> -> memref<1x128x128xf32, #tpu.memory_space<vmem>>
          %dma_wait3A_191 = tpu.memref_squeeze %dma_wait3A_190 : memref<1x128x128xf32, #tpu.memory_space<vmem>> -> memref<128x128xf32, #tpu.memory_space<vmem>>
          %dma_wait3A_192 = tpu.memref_slice %arg7[%mul3A_133] : memref<5120xi32, #tpu.memory_space<vmem>> -> memref<128xi32, #tpu.memory_space<vmem>>
          %dma_wait3A_193 = arith.constant 0 : i32
          %dma_wait3A_194 = arith.constant 0 : i32
          %dma_wait3A_195 = tpu.memref_slice %arg9[%dma_wait3A_193, %dma_wait3A_194] : memref<10112x128xf32, #tpu.memory_space<vmem_shared>> -> memref<10112x128xf32, #tpu.memory_space<vmem_shared>>
          tpu.wait_indirect_dma semaphore(%run_scoped3A_179 : memref<!tpu.dma_semaphore, #tpu.memory_space<semaphore_mem>>) src(%dma_wait3A_191 : memref<128x128xf32, #tpu.memory_space<vmem>>) dst(%dma_wait3A_195 : memref<10112x128xf32, #tpu.memory_space<vmem_shared>>)
          tpu.yield
        }) : () -> ()
        %add3A_135 = arith.constant 2 : i32
        %add3A_136 = arith.addi %add3A_120, %add3A_135 : i32
        %mul3A_137 = arith.constant 128 : i32
        %mul3A_138 = arith.muli %add3A_136, %mul3A_137 : i32
        %dma_start3A_139 = arith.constant 0 : i32
        %dma_start3A_140 = arith.constant 0 : i32
        %dma_start3A_141 = arith.constant 0 : i32
        %dma_start3A_142 = tpu.memref_slice %arg8[%dma_start3A_139, %dma_start3A_140, %dma_start3A_141] : memref<2x128x128xf32, #tpu.memory_space<vmem>> -> memref<1x128x128xf32, #tpu.memory_space<vmem>>
        %dma_start3A_143 = tpu.memref_squeeze %dma_start3A_142 : memref<1x128x128xf32, #tpu.memory_space<vmem>> -> memref<128x128xf32, #tpu.memory_space<vmem>>
        %dma_start3A_144 = tpu.memref_slice %arg6[%mul3A_138] : memref<5120xi32, #tpu.memory_space<vmem>> -> memref<128xi32, #tpu.memory_space<vmem>>
        %dma_start3A_145 = arith.constant 0 : i32
        %dma_start3A_146 = arith.constant 0 : i32
        %dma_start3A_147 = tpu.memref_slice %arg2[%dma_start3A_145, %dma_start3A_146] : memref<10000x128xf32, #tpu.memory_space<hbm>> -> memref<10000x128xf32, #tpu.memory_space<hbm>>
        tpu.enqueue_indirect_dma source(%dma_start3A_147 : memref<10000x128xf32, #tpu.memory_space<hbm>>) target(%dma_start3A_143 : memref<128x128xf32, #tpu.memory_space<vmem>>) offsets(%dma_start3A_144 : memref<128xi32, #tpu.memory_space<vmem>>) semaphore(%arg10 : memref<!tpu.dma_semaphore, #tpu.memory_space<semaphore_mem>>)
        %mul3A_148 = arith.constant 2 : i32
        %mul3A_149 = arith.muli %scan3A_116, %mul3A_148 : i32
        %add3A_150 = arith.constant 1 : i32
        %add3A_151 = arith.addi %mul3A_149, %add3A_150 : i32
        %mul3A_152 = arith.constant 128 : i32
        %mul3A_153 = arith.muli %add3A_151, %mul3A_152 : i32
        %dma_wait3A_154 = arith.constant 1 : i32
        %dma_wait3A_155 = arith.constant 0 : i32
        %dma_wait3A_156 = arith.constant 0 : i32
        %dma_wait3A_157 = tpu.memref_slice %arg8[%dma_wait3A_154, %dma_wait3A_155, %dma_wait3A_156] : memref<2x128x128xf32, #tpu.memory_space<vmem>> -> memref<1x128x128xf32, #tpu.memory_space<vmem>>
        %dma_wait3A_158 = tpu.memref_squeeze %dma_wait3A_157 : memref<1x128x128xf32, #tpu.memory_space<vmem>> -> memref<128x128xf32, #tpu.memory_space<vmem>>
        %dma_wait3A_159 = tpu.memref_slice %arg6[%mul3A_153] : memref<5120xi32, #tpu.memory_space<vmem>> -> memref<128xi32, #tpu.memory_space<vmem>>
        %dma_wait3A_160 = arith.constant 0 : i32
        %dma_wait3A_161 = arith.constant 0 : i32
        %dma_wait3A_162 = tpu.memref_slice %arg2[%dma_wait3A_160, %dma_wait3A_161] : memref<10000x128xf32, #tpu.memory_space<hbm>> -> memref<10000x128xf32, #tpu.memory_space<hbm>>
        tpu.wait_indirect_dma semaphore(%arg11 : memref<!tpu.dma_semaphore, #tpu.memory_space<semaphore_mem>>) src(%dma_wait3A_162 : memref<10000x128xf32, #tpu.memory_space<hbm>>) dst(%dma_wait3A_158 : memref<128x128xf32, #tpu.memory_space<vmem>>)
        %mul3A_163 = arith.constant 128 : i32
        %mul3A_164 = arith.muli %add3A_151, %mul3A_163 : i32
        %run_scoped3A_165 = arith.constant 1 : i32
        "tpu.region"() ({
          %run_scoped3A_179 = tpu.sem_alloc : memref<!tpu.dma_semaphore, #tpu.memory_space<semaphore_mem>>
          %dma_start3A_180 = arith.constant 0 : i32
          %dma_start3A_181 = arith.constant 0 : i32
          %dma_start3A_182 = tpu.memref_slice %arg8[%run_scoped3A_165, %dma_start3A_180, %dma_start3A_181] : memref<2x128x128xf32, #tpu.memory_space<vmem>> -> memref<1x128x128xf32, #tpu.memory_space<vmem>>
          %dma_start3A_183 = tpu.memref_squeeze %dma_start3A_182 : memref<1x128x128xf32, #tpu.memory_space<vmem>> -> memref<128x128xf32, #tpu.memory_space<vmem>>
          %dma_start3A_184 = tpu.memref_slice %arg7[%mul3A_164] : memref<5120xi32, #tpu.memory_space<vmem>> -> memref<128xi32, #tpu.memory_space<vmem>>
          %dma_start3A_185 = arith.constant 0 : i32
          %dma_start3A_186 = arith.constant 0 : i32
          %dma_start3A_187 = tpu.memref_slice %arg9[%dma_start3A_185, %dma_start3A_186] : memref<10112x128xf32, #tpu.memory_space<vmem_shared>> -> memref<10112x128xf32, #tpu.memory_space<vmem_shared>>
          tpu.enqueue_indirect_dma source(%dma_start3A_183 : memref<128x128xf32, #tpu.memory_space<vmem>>) target(%dma_start3A_187 : memref<10112x128xf32, #tpu.memory_space<vmem_shared>>) offsets(%dma_start3A_184 : memref<128xi32, #tpu.memory_space<vmem>>) semaphore(%run_scoped3A_179 : memref<!tpu.dma_semaphore, #tpu.memory_space<semaphore_mem>>) {add = true}
          %dma_wait3A_188 = arith.constant 0 : i32
          %dma_wait3A_189 = arith.constant 0 : i32
          %dma_wait3A_190 = tpu.memref_slice %arg8[%run_scoped3A_165, %dma_wait3A_188, %dma_wait3A_189] : memref<2x128x128xf32, #tpu.memory_space<vmem>> -> memref<1x128x128xf32, #tpu.memory_space<vmem>>
          %dma_wait3A_191 = tpu.memref_squeeze %dma_wait3A_190 : memref<1x128x128xf32, #tpu.memory_space<vmem>> -> memref<128x128xf32, #tpu.memory_space<vmem>>
          %dma_wait3A_192 = tpu.memref_slice %arg7[%mul3A_164] : memref<5120xi32, #tpu.memory_space<vmem>> -> memref<128xi32, #tpu.memory_space<vmem>>
          %dma_wait3A_193 = arith.constant 0 : i32
          %dma_wait3A_194 = arith.constant 0 : i32
          %dma_wait3A_195 = tpu.memref_slice %arg9[%dma_wait3A_193, %dma_wait3A_194] : memref<10112x128xf32, #tpu.memory_space<vmem_shared>> -> memref<10112x128xf32, #tpu.memory_space<vmem_shared>>
          tpu.wait_indirect_dma semaphore(%run_scoped3A_179 : memref<!tpu.dma_semaphore, #tpu.memory_space<semaphore_mem>>) src(%dma_wait3A_191 : memref<128x128xf32, #tpu.memory_space<vmem>>) dst(%dma_wait3A_195 : memref<10112x128xf32, #tpu.memory_space<vmem_shared>>)
          tpu.yield
        }) : () -> ()
        %add3A_166 = arith.constant 2 : i32
        %add3A_167 = arith.addi %add3A_151, %add3A_166 : i32
        %mul3A_168 = arith.constant 128 : i32
        %mul3A_169 = arith.muli %add3A_167, %mul3A_168 : i32
        %dma_start3A_170 = arith.constant 1 : i32
        %dma_start3A_171 = arith.constant 0 : i32
        %dma_start3A_172 = arith.constant 0 : i32
        %dma_start3A_173 = tpu.memref_slice %arg8[%dma_start3A_170, %dma_start3A_171, %dma_start3A_172] : memref<2x128x128xf32, #tpu.memory_space<vmem>> -> memref<1x128x128xf32, #tpu.memory_space<vmem>>
        %dma_start3A_174 = tpu.memref_squeeze %dma_start3A_173 : memref<1x128x128xf32, #tpu.memory_space<vmem>> -> memref<128x128xf32, #tpu.memory_space<vmem>>
        %dma_start3A_175 = tpu.memref_slice %arg6[%mul3A_169] : memref<5120xi32, #tpu.memory_space<vmem>> -> memref<128xi32, #tpu.memory_space<vmem>>
        %dma_start3A_176 = arith.constant 0 : i32
        %dma_start3A_177 = arith.constant 0 : i32
        %dma_start3A_178 = tpu.memref_slice %arg2[%dma_start3A_176, %dma_start3A_177] : memref<10000x128xf32, #tpu.memory_space<hbm>> -> memref<10000x128xf32, #tpu.memory_space<hbm>>
        tpu.enqueue_indirect_dma source(%dma_start3A_178 : memref<10000x128xf32, #tpu.memory_space<hbm>>) target(%dma_start3A_174 : memref<128x128xf32, #tpu.memory_space<vmem>>) offsets(%dma_start3A_175 : memref<128xi32, #tpu.memory_space<vmem>>) semaphore(%arg11 : memref<!tpu.dma_semaphore, #tpu.memory_space<semaphore_mem>>)
      }
      %scan3A_40 = arith.constant 19 : i32
      %dma_wait3A = arith.constant 0 : i32
      %dma_wait3A_41 = arith.constant 0 : i32
      %dma_wait3A_42 = arith.constant 0 : i32
      %dma_wait3A_43 = tpu.memref_slice %arg8[%dma_wait3A, %dma_wait3A_41, %dma_wait3A_42] : memref<2x128x128xf32, #tpu.memory_space<vmem>> -> memref<1x128x128xf32, #tpu.memory_space<vmem>>
      %dma_wait3A_44 = tpu.memref_squeeze %dma_wait3A_43 : memref<1x128x128xf32, #tpu.memory_space<vmem>> -> memref<128x128xf32, #tpu.memory_space<vmem>>
      %dma_wait3A_45 = arith.constant 4864 : i32
      %dma_wait3A_46 = tpu.memref_slice %arg6[%dma_wait3A_45] : memref<5120xi32, #tpu.memory_space<vmem>> -> memref<128xi32, #tpu.memory_space<vmem>>
      %dma_wait3A_47 = arith.constant 0 : i32
      %dma_wait3A_48 = arith.constant 0 : i32
      %dma_wait3A_49 = tpu.memref_slice %arg2[%dma_wait3A_47, %dma_wait3A_48] : memref<10000x128xf32, #tpu.memory_space<hbm>> -> memref<10000x128xf32, #tpu.memory_space<hbm>>
      tpu.wait_indirect_dma semaphore(%arg10 : memref<!tpu.dma_semaphore, #tpu.memory_space<semaphore_mem>>) src(%dma_wait3A_49 : memref<10000x128xf32, #tpu.memory_space<hbm>>) dst(%dma_wait3A_44 : memref<128x128xf32, #tpu.memory_space<vmem>>)
      %run_scoped3A_50 = arith.constant 0 : i32
      "tpu.region"() ({
        %run_scoped3A_116 = tpu.sem_alloc : memref<!tpu.dma_semaphore, #tpu.memory_space<semaphore_mem>>
        %dma_start3A_117 = arith.constant 0 : i32
        %dma_start3A_118 = arith.constant 0 : i32
        %dma_start3A_119 = tpu.memref_slice %arg8[%run_scoped3A_50, %dma_start3A_117, %dma_start3A_118] : memref<2x128x128xf32, #tpu.memory_space<vmem>> -> memref<1x128x128xf32, #tpu.memory_space<vmem>>
        %dma_start3A_120 = tpu.memref_squeeze %dma_start3A_119 : memref<1x128x128xf32, #tpu.memory_space<vmem>> -> memref<128x128xf32, #tpu.memory_space<vmem>>
        %dma_start3A_121 = arith.constant 4864 : i32
        %dma_start3A_122 = tpu.memref_slice %arg7[%dma_start3A_121] : memref<5120xi32, #tpu.memory_space<vmem>> -> memref<128xi32, #tpu.memory_space<vmem>>
        %dma_start3A_123 = arith.constant 0 : i32
        %dma_start3A_124 = arith.constant 0 : i32
        %dma_start3A_125 = tpu.memref_slice %arg9[%dma_start3A_123, %dma_start3A_124] : memref<10112x128xf32, #tpu.memory_space<vmem_shared>> -> memref<10112x128xf32, #tpu.memory_space<vmem_shared>>
        tpu.enqueue_indirect_dma source(%dma_start3A_120 : memref<128x128xf32, #tpu.memory_space<vmem>>) target(%dma_start3A_125 : memref<10112x128xf32, #tpu.memory_space<vmem_shared>>) offsets(%dma_start3A_122 : memref<128xi32, #tpu.memory_space<vmem>>) semaphore(%run_scoped3A_116 : memref<!tpu.dma_semaphore, #tpu.memory_space<semaphore_mem>>) {add = true}
        %dma_wait3A_126 = arith.constant 0 : i32
        %dma_wait3A_127 = arith.constant 0 : i32
        %dma_wait3A_128 = tpu.memref_slice %arg8[%run_scoped3A_50, %dma_wait3A_126, %dma_wait3A_127] : memref<2x128x128xf32, #tpu.memory_space<vmem>> -> memref<1x128x128xf32, #tpu.memory_space<vmem>>
        %dma_wait3A_129 = tpu.memref_squeeze %dma_wait3A_128 : memref<1x128x128xf32, #tpu.memory_space<vmem>> -> memref<128x128xf32, #tpu.memory_space<vmem>>
        %dma_wait3A_130 = arith.constant 4864 : i32
        %dma_wait3A_131 = tpu.memref_slice %arg7[%dma_wait3A_130] : memref<5120xi32, #tpu.memory_space<vmem>> -> memref<128xi32, #tpu.memory_space<vmem>>
        %dma_wait3A_132 = arith.constant 0 : i32
        %dma_wait3A_133 = arith.constant 0 : i32
        %dma_wait3A_134 = tpu.memref_slice %arg9[%dma_wait3A_132, %dma_wait3A_133] : memref<10112x128xf32, #tpu.memory_space<vmem_shared>> -> memref<10112x128xf32, #tpu.memory_space<vmem_shared>>
        tpu.wait_indirect_dma semaphore(%run_scoped3A_116 : memref<!tpu.dma_semaphore, #tpu.memory_space<semaphore_mem>>) src(%dma_wait3A_129 : memref<128x128xf32, #tpu.memory_space<vmem>>) dst(%dma_wait3A_134 : memref<10112x128xf32, #tpu.memory_space<vmem_shared>>)
        tpu.yield
      }) : () -> ()
      %dma_wait3A_51 = arith.constant 1 : i32
      %dma_wait3A_52 = arith.constant 0 : i32
      %dma_wait3A_53 = arith.constant 0 : i32
      %dma_wait3A_54 = tpu.memref_slice %arg8[%dma_wait3A_51, %dma_wait3A_52, %dma_wait3A_53] : memref<2x128x128xf32, #tpu.memory_space<vmem>> -> memref<1x128x128xf32, #tpu.memory_space<vmem>>
      %dma_wait3A_55 = tpu.memref_squeeze %dma_wait3A_54 : memref<1x128x128xf32, #tpu.memory_space<vmem>> -> memref<128x128xf32, #tpu.memory_space<vmem>>
      %dma_wait3A_56 = arith.constant 4992 : i32
      %dma_wait3A_57 = tpu.memref_slice %arg6[%dma_wait3A_56] : memref<5120xi32, #tpu.memory_space<vmem>> -> memref<128xi32, #tpu.memory_space<vmem>>
      %dma_wait3A_58 = arith.constant 0 : i32
      %dma_wait3A_59 = arith.constant 0 : i32
      %dma_wait3A_60 = tpu.memref_slice %arg2[%dma_wait3A_58, %dma_wait3A_59] : memref<10000x128xf32, #tpu.memory_space<hbm>> -> memref<10000x128xf32, #tpu.memory_space<hbm>>
      tpu.wait_indirect_dma semaphore(%arg11 : memref<!tpu.dma_semaphore, #tpu.memory_space<semaphore_mem>>) src(%dma_wait3A_60 : memref<10000x128xf32, #tpu.memory_space<hbm>>) dst(%dma_wait3A_55 : memref<128x128xf32, #tpu.memory_space<vmem>>)
      %run_scoped3A_61 = arith.constant 1 : i32
      "tpu.region"() ({
        %run_scoped3A_116 = tpu.sem_alloc : memref<!tpu.dma_semaphore, #tpu.memory_space<semaphore_mem>>
        %dma_start3A_117 = arith.constant 0 : i32
        %dma_start3A_118 = arith.constant 0 : i32
        %dma_start3A_119 = tpu.memref_slice %arg8[%run_scoped3A_61, %dma_start3A_117, %dma_start3A_118] : memref<2x128x128xf32, #tpu.memory_space<vmem>> -> memref<1x128x128xf32, #tpu.memory_space<vmem>>
        %dma_start3A_120 = tpu.memref_squeeze %dma_start3A_119 : memref<1x128x128xf32, #tpu.memory_space<vmem>> -> memref<128x128xf32, #tpu.memory_space<vmem>>
        %dma_start3A_121 = arith.constant 4992 : i32
        %dma_start3A_122 = tpu.memref_slice %arg7[%dma_start3A_121] : memref<5120xi32, #tpu.memory_space<vmem>> -> memref<128xi32, #tpu.memory_space<vmem>>
        %dma_start3A_123 = arith.constant 0 : i32
        %dma_start3A_124 = arith.constant 0 : i32
        %dma_start3A_125 = tpu.memref_slice %arg9[%dma_start3A_123, %dma_start3A_124] : memref<10112x128xf32, #tpu.memory_space<vmem_shared>> -> memref<10112x128xf32, #tpu.memory_space<vmem_shared>>
        tpu.enqueue_indirect_dma source(%dma_start3A_120 : memref<128x128xf32, #tpu.memory_space<vmem>>) target(%dma_start3A_125 : memref<10112x128xf32, #tpu.memory_space<vmem_shared>>) offsets(%dma_start3A_122 : memref<128xi32, #tpu.memory_space<vmem>>) semaphore(%run_scoped3A_116 : memref<!tpu.dma_semaphore, #tpu.memory_space<semaphore_mem>>) {add = true}
        %dma_wait3A_126 = arith.constant 0 : i32
        %dma_wait3A_127 = arith.constant 0 : i32
        %dma_wait3A_128 = tpu.memref_slice %arg8[%run_scoped3A_61, %dma_wait3A_126, %dma_wait3A_127] : memref<2x128x128xf32, #tpu.memory_space<vmem>> -> memref<1x128x128xf32, #tpu.memory_space<vmem>>
        %dma_wait3A_129 = tpu.memref_squeeze %dma_wait3A_128 : memref<1x128x128xf32, #tpu.memory_space<vmem>> -> memref<128x128xf32, #tpu.memory_space<vmem>>
        %dma_wait3A_130 = arith.constant 4992 : i32
        %dma_wait3A_131 = tpu.memref_slice %arg7[%dma_wait3A_130] : memref<5120xi32, #tpu.memory_space<vmem>> -> memref<128xi32, #tpu.memory_space<vmem>>
        %dma_wait3A_132 = arith.constant 0 : i32
        %dma_wait3A_133 = arith.constant 0 : i32
        %dma_wait3A_134 = tpu.memref_slice %arg9[%dma_wait3A_132, %dma_wait3A_133] : memref<10112x128xf32, #tpu.memory_space<vmem_shared>> -> memref<10112x128xf32, #tpu.memory_space<vmem_shared>>
        tpu.wait_indirect_dma semaphore(%run_scoped3A_116 : memref<!tpu.dma_semaphore, #tpu.memory_space<semaphore_mem>>) src(%dma_wait3A_129 : memref<128x128xf32, #tpu.memory_space<vmem>>) dst(%dma_wait3A_134 : memref<10112x128xf32, #tpu.memory_space<vmem_shared>>)
        tpu.yield
      }) : () -> ()
      %mul3A_62 = arith.constant 10240 : i32
      %mul3A_63 = arith.muli %add3A, %mul3A_62 : i32
      %add3A_64 = arith.constant 5120 : i32
      %add3A_65 = arith.addi %mul3A_63, %add3A_64 : i32
      %run_scoped3A_66 = arith.constant 0 : i32
      "tpu.region"() ({
        %run_scoped3A_116 = tpu.sem_alloc : memref<!tpu.dma_semaphore, #tpu.memory_space<semaphore_mem>>
        %dma_start3A_117 = tpu.memref_slice %arg3[%run_scoped3A_66, %add3A_65] : memref<2x320000xi32, #tpu.memory_space<hbm>> -> memref<1x5120xi32, #tpu.memory_space<hbm>>
        %dma_start3A_118 = tpu.memref_squeeze %dma_start3A_117 : memref<1x5120xi32, #tpu.memory_space<hbm>> -> memref<5120xi32, #tpu.memory_space<hbm>>
        %dma_start3A_119 = tpu.memref_slice %arg3[%run_scoped3A_66, %add3A_65] : memref<2x320000xi32, #tpu.memory_space<hbm>> -> memref<1x5120xi32, #tpu.memory_space<hbm>>
        %dma_start3A_120 = tpu.memref_squeeze %dma_start3A_119 : memref<1x5120xi32, #tpu.memory_space<hbm>> -> memref<5120xi32, #tpu.memory_space<hbm>>
        tpu.enqueue_dma source(%dma_start3A_120 : memref<5120xi32, #tpu.memory_space<hbm>>) target(%arg6 : memref<5120xi32, #tpu.memory_space<vmem>>) target_semaphore(%run_scoped3A_116 : memref<!tpu.dma_semaphore, #tpu.memory_space<semaphore_mem>>)
        %dma_wait3A_121 = tpu.memref_slice %arg3[%run_scoped3A_66, %add3A_65] : memref<2x320000xi32, #tpu.memory_space<hbm>> -> memref<1x5120xi32, #tpu.memory_space<hbm>>
        %dma_wait3A_122 = tpu.memref_squeeze %dma_wait3A_121 : memref<1x5120xi32, #tpu.memory_space<hbm>> -> memref<5120xi32, #tpu.memory_space<hbm>>
        %dma_wait3A_123 = tpu.memref_slice %arg3[%run_scoped3A_66, %add3A_65] : memref<2x320000xi32, #tpu.memory_space<hbm>> -> memref<1x5120xi32, #tpu.memory_space<hbm>>
        %dma_wait3A_124 = tpu.memref_squeeze %dma_wait3A_123 : memref<1x5120xi32, #tpu.memory_space<hbm>> -> memref<5120xi32, #tpu.memory_space<hbm>>
        tpu.wait_dma2 semaphore(%run_scoped3A_116 : memref<!tpu.dma_semaphore, #tpu.memory_space<semaphore_mem>>) src(%dma_wait3A_124 : memref<5120xi32, #tpu.memory_space<hbm>>) dst(%arg6 : memref<5120xi32, #tpu.memory_space<vmem>>)
        tpu.yield
      }) : () -> ()
      %run_scoped3A_67 = arith.constant 1 : i32
      "tpu.region"() ({
        %run_scoped3A_116 = tpu.sem_alloc : memref<!tpu.dma_semaphore, #tpu.memory_space<semaphore_mem>>
        %dma_start3A_117 = tpu.memref_slice %arg3[%run_scoped3A_67, %add3A_65] : memref<2x320000xi32, #tpu.memory_space<hbm>> -> memref<1x5120xi32, #tpu.memory_space<hbm>>
        %dma_start3A_118 = tpu.memref_squeeze %dma_start3A_117 : memref<1x5120xi32, #tpu.memory_space<hbm>> -> memref<5120xi32, #tpu.memory_space<hbm>>
        %dma_start3A_119 = tpu.memref_slice %arg3[%run_scoped3A_67, %add3A_65] : memref<2x320000xi32, #tpu.memory_space<hbm>> -> memref<1x5120xi32, #tpu.memory_space<hbm>>
        %dma_start3A_120 = tpu.memref_squeeze %dma_start3A_119 : memref<1x5120xi32, #tpu.memory_space<hbm>> -> memref<5120xi32, #tpu.memory_space<hbm>>
        tpu.enqueue_dma source(%dma_start3A_120 : memref<5120xi32, #tpu.memory_space<hbm>>) target(%arg7 : memref<5120xi32, #tpu.memory_space<vmem>>) target_semaphore(%run_scoped3A_116 : memref<!tpu.dma_semaphore, #tpu.memory_space<semaphore_mem>>)
        %dma_wait3A_121 = tpu.memref_slice %arg3[%run_scoped3A_67, %add3A_65] : memref<2x320000xi32, #tpu.memory_space<hbm>> -> memref<1x5120xi32, #tpu.memory_space<hbm>>
        %dma_wait3A_122 = tpu.memref_squeeze %dma_wait3A_121 : memref<1x5120xi32, #tpu.memory_space<hbm>> -> memref<5120xi32, #tpu.memory_space<hbm>>
        %dma_wait3A_123 = tpu.memref_slice %arg3[%run_scoped3A_67, %add3A_65] : memref<2x320000xi32, #tpu.memory_space<hbm>> -> memref<1x5120xi32, #tpu.memory_space<hbm>>
        %dma_wait3A_124 = tpu.memref_squeeze %dma_wait3A_123 : memref<1x5120xi32, #tpu.memory_space<hbm>> -> memref<5120xi32, #tpu.memory_space<hbm>>
        tpu.wait_dma2 semaphore(%run_scoped3A_116 : memref<!tpu.dma_semaphore, #tpu.memory_space<semaphore_mem>>) src(%dma_wait3A_124 : memref<5120xi32, #tpu.memory_space<hbm>>) dst(%arg7 : memref<5120xi32, #tpu.memory_space<vmem>>)
        tpu.yield
      }) : () -> ()
      %dma_start3A_68 = arith.constant 0 : i32
      %dma_start3A_69 = arith.constant 0 : i32
      %dma_start3A_70 = arith.constant 0 : i32
      %dma_start3A_71 = tpu.memref_slice %arg8[%dma_start3A_68, %dma_start3A_69, %dma_start3A_70] : memref<2x128x128xf32, #tpu.memory_space<vmem>> -> memref<1x128x128xf32, #tpu.memory_space<vmem>>
      %dma_start3A_72 = tpu.memref_squeeze %dma_start3A_71 : memref<1x128x128xf32, #tpu.memory_space<vmem>> -> memref<128x128xf32, #tpu.memory_space<vmem>>
      %dma_start3A_73 = arith.constant 0 : i32
      %dma_start3A_74 = tpu.memref_slice %arg6[%dma_start3A_73] : memref<5120xi32, #tpu.memory_space<vmem>> -> memref<128xi32, #tpu.memory_space<vmem>>
      %dma_start3A_75 = arith.constant 0 : i32
      %dma_start3A_76 = arith.constant 0 : i32
      %dma_start3A_77 = tpu.memref_slice %arg2[%dma_start3A_75, %dma_start3A_76] : memref<10000x128xf32, #tpu.memory_space<hbm>> -> memref<10000x128xf32, #tpu.memory_space<hbm>>
      tpu.enqueue_indirect_dma source(%dma_start3A_77 : memref<10000x128xf32, #tpu.memory_space<hbm>>) target(%dma_start3A_72 : memref<128x128xf32, #tpu.memory_space<vmem>>) offsets(%dma_start3A_74 : memref<128xi32, #tpu.memory_space<vmem>>) semaphore(%arg10 : memref<!tpu.dma_semaphore, #tpu.memory_space<semaphore_mem>>)
      %dma_start3A_78 = arith.constant 1 : i32
      %dma_start3A_79 = arith.constant 0 : i32
      %dma_start3A_80 = arith.constant 0 : i32
      %dma_start3A_81 = tpu.memref_slice %arg8[%dma_start3A_78, %dma_start3A_79, %dma_start3A_80] : memref<2x128x128xf32, #tpu.memory_space<vmem>> -> memref<1x128x128xf32, #tpu.memory_space<vmem>>
      %dma_start3A_82 = tpu.memref_squeeze %dma_start3A_81 : memref<1x128x128xf32, #tpu.memory_space<vmem>> -> memref<128x128xf32, #tpu.memory_space<vmem>>
      %dma_start3A_83 = arith.constant 128 : i32
      %dma_start3A_84 = tpu.memref_slice %arg6[%dma_start3A_83] : memref<5120xi32, #tpu.memory_space<vmem>> -> memref<128xi32, #tpu.memory_space<vmem>>
      %dma_start3A_85 = arith.constant 0 : i32
      %dma_start3A_86 = arith.constant 0 : i32
      %dma_start3A_87 = tpu.memref_slice %arg2[%dma_start3A_85, %dma_start3A_86] : memref<10000x128xf32, #tpu.memory_space<hbm>> -> memref<10000x128xf32, #tpu.memory_space<hbm>>
      tpu.enqueue_indirect_dma source(%dma_start3A_87 : memref<10000x128xf32, #tpu.memory_space<hbm>>) target(%dma_start3A_82 : memref<128x128xf32, #tpu.memory_space<vmem>>) offsets(%dma_start3A_84 : memref<128xi32, #tpu.memory_space<vmem>>) semaphore(%arg11 : memref<!tpu.dma_semaphore, #tpu.memory_space<semaphore_mem>>)
      %scan3A_88 = arith.constant 0 : i32
      %scan3A_89 = arith.constant 0 : i32
      %scan3A_90 = arith.constant 19 : i32
      %scan3A_91 = arith.addi %scan3A_89, %scan3A_90 : i32
      %scan3A_92 = arith.constant 1 : i32
      scf.for %scan3A_116 = %scan3A_89 to %scan3A_91 step %scan3A_92  : i32 {
        %mul3A_117 = arith.constant 2 : i32
        %mul3A_118 = arith.muli %scan3A_116, %mul3A_117 : i32
        %add3A_119 = arith.constant 0 : i32
        %add3A_120 = arith.addi %mul3A_118, %add3A_119 : i32
        %mul3A_121 = arith.constant 128 : i32
        %mul3A_122 = arith.muli %add3A_120, %mul3A_121 : i32
        %dma_wait3A_123 = arith.constant 0 : i32
        %dma_wait3A_124 = arith.constant 0 : i32
        %dma_wait3A_125 = arith.constant 0 : i32
        %dma_wait3A_126 = tpu.memref_slice %arg8[%dma_wait3A_123, %dma_wait3A_124, %dma_wait3A_125] : memref<2x128x128xf32, #tpu.memory_space<vmem>> -> memref<1x128x128xf32, #tpu.memory_space<vmem>>
        %dma_wait3A_127 = tpu.memref_squeeze %dma_wait3A_126 : memref<1x128x128xf32, #tpu.memory_space<vmem>> -> memref<128x128xf32, #tpu.memory_space<vmem>>
        %dma_wait3A_128 = tpu.memref_slice %arg6[%mul3A_122] : memref<5120xi32, #tpu.memory_space<vmem>> -> memref<128xi32, #tpu.memory_space<vmem>>
        %dma_wait3A_129 = arith.constant 0 : i32
        %dma_wait3A_130 = arith.constant 0 : i32
        %dma_wait3A_131 = tpu.memref_slice %arg2[%dma_wait3A_129, %dma_wait3A_130] : memref<10000x128xf32, #tpu.memory_space<hbm>> -> memref<10000x128xf32, #tpu.memory_space<hbm>>
        tpu.wait_indirect_dma semaphore(%arg10 : memref<!tpu.dma_semaphore, #tpu.memory_space<semaphore_mem>>) src(%dma_wait3A_131 : memref<10000x128xf32, #tpu.memory_space<hbm>>) dst(%dma_wait3A_127 : memref<128x128xf32, #tpu.memory_space<vmem>>)
        %mul3A_132 = arith.constant 128 : i32
        %mul3A_133 = arith.muli %add3A_120, %mul3A_132 : i32
        %run_scoped3A_134 = arith.constant 0 : i32
        "tpu.region"() ({
          %run_scoped3A_179 = tpu.sem_alloc : memref<!tpu.dma_semaphore, #tpu.memory_space<semaphore_mem>>
          %dma_start3A_180 = arith.constant 0 : i32
          %dma_start3A_181 = arith.constant 0 : i32
          %dma_start3A_182 = tpu.memref_slice %arg8[%run_scoped3A_134, %dma_start3A_180, %dma_start3A_181] : memref<2x128x128xf32, #tpu.memory_space<vmem>> -> memref<1x128x128xf32, #tpu.memory_space<vmem>>
          %dma_start3A_183 = tpu.memref_squeeze %dma_start3A_182 : memref<1x128x128xf32, #tpu.memory_space<vmem>> -> memref<128x128xf32, #tpu.memory_space<vmem>>
          %dma_start3A_184 = tpu.memref_slice %arg7[%mul3A_133] : memref<5120xi32, #tpu.memory_space<vmem>> -> memref<128xi32, #tpu.memory_space<vmem>>
          %dma_start3A_185 = arith.constant 0 : i32
          %dma_start3A_186 = arith.constant 0 : i32
          %dma_start3A_187 = tpu.memref_slice %arg9[%dma_start3A_185, %dma_start3A_186] : memref<10112x128xf32, #tpu.memory_space<vmem_shared>> -> memref<10112x128xf32, #tpu.memory_space<vmem_shared>>
          tpu.enqueue_indirect_dma source(%dma_start3A_183 : memref<128x128xf32, #tpu.memory_space<vmem>>) target(%dma_start3A_187 : memref<10112x128xf32, #tpu.memory_space<vmem_shared>>) offsets(%dma_start3A_184 : memref<128xi32, #tpu.memory_space<vmem>>) semaphore(%run_scoped3A_179 : memref<!tpu.dma_semaphore, #tpu.memory_space<semaphore_mem>>) {add = true}
          %dma_wait3A_188 = arith.constant 0 : i32
          %dma_wait3A_189 = arith.constant 0 : i32
          %dma_wait3A_190 = tpu.memref_slice %arg8[%run_scoped3A_134, %dma_wait3A_188, %dma_wait3A_189] : memref<2x128x128xf32, #tpu.memory_space<vmem>> -> memref<1x128x128xf32, #tpu.memory_space<vmem>>
          %dma_wait3A_191 = tpu.memref_squeeze %dma_wait3A_190 : memref<1x128x128xf32, #tpu.memory_space<vmem>> -> memref<128x128xf32, #tpu.memory_space<vmem>>
          %dma_wait3A_192 = tpu.memref_slice %arg7[%mul3A_133] : memref<5120xi32, #tpu.memory_space<vmem>> -> memref<128xi32, #tpu.memory_space<vmem>>
          %dma_wait3A_193 = arith.constant 0 : i32
          %dma_wait3A_194 = arith.constant 0 : i32
          %dma_wait3A_195 = tpu.memref_slice %arg9[%dma_wait3A_193, %dma_wait3A_194] : memref<10112x128xf32, #tpu.memory_space<vmem_shared>> -> memref<10112x128xf32, #tpu.memory_space<vmem_shared>>
          tpu.wait_indirect_dma semaphore(%run_scoped3A_179 : memref<!tpu.dma_semaphore, #tpu.memory_space<semaphore_mem>>) src(%dma_wait3A_191 : memref<128x128xf32, #tpu.memory_space<vmem>>) dst(%dma_wait3A_195 : memref<10112x128xf32, #tpu.memory_space<vmem_shared>>)
          tpu.yield
        }) : () -> ()
        %add3A_135 = arith.constant 2 : i32
        %add3A_136 = arith.addi %add3A_120, %add3A_135 : i32
        %mul3A_137 = arith.constant 128 : i32
        %mul3A_138 = arith.muli %add3A_136, %mul3A_137 : i32
        %dma_start3A_139 = arith.constant 0 : i32
        %dma_start3A_140 = arith.constant 0 : i32
        %dma_start3A_141 = arith.constant 0 : i32
        %dma_start3A_142 = tpu.memref_slice %arg8[%dma_start3A_139, %dma_start3A_140, %dma_start3A_141] : memref<2x128x128xf32, #tpu.memory_space<vmem>> -> memref<1x128x128xf32, #tpu.memory_space<vmem>>
        %dma_start3A_143 = tpu.memref_squeeze %dma_start3A_142 : memref<1x128x128xf32, #tpu.memory_space<vmem>> -> memref<128x128xf32, #tpu.memory_space<vmem>>
        %dma_start3A_144 = tpu.memref_slice %arg6[%mul3A_138] : memref<5120xi32, #tpu.memory_space<vmem>> -> memref<128xi32, #tpu.memory_space<vmem>>
        %dma_start3A_145 = arith.constant 0 : i32
        %dma_start3A_146 = arith.constant 0 : i32
        %dma_start3A_147 = tpu.memref_slice %arg2[%dma_start3A_145, %dma_start3A_146] : memref<10000x128xf32, #tpu.memory_space<hbm>> -> memref<10000x128xf32, #tpu.memory_space<hbm>>
        tpu.enqueue_indirect_dma source(%dma_start3A_147 : memref<10000x128xf32, #tpu.memory_space<hbm>>) target(%dma_start3A_143 : memref<128x128xf32, #tpu.memory_space<vmem>>) offsets(%dma_start3A_144 : memref<128xi32, #tpu.memory_space<vmem>>) semaphore(%arg10 : memref<!tpu.dma_semaphore, #tpu.memory_space<semaphore_mem>>)
        %mul3A_148 = arith.constant 2 : i32
        %mul3A_149 = arith.muli %scan3A_116, %mul3A_148 : i32
        %add3A_150 = arith.constant 1 : i32
        %add3A_151 = arith.addi %mul3A_149, %add3A_150 : i32
        %mul3A_152 = arith.constant 128 : i32
        %mul3A_153 = arith.muli %add3A_151, %mul3A_152 : i32
        %dma_wait3A_154 = arith.constant 1 : i32
        %dma_wait3A_155 = arith.constant 0 : i32
        %dma_wait3A_156 = arith.constant 0 : i32
        %dma_wait3A_157 = tpu.memref_slice %arg8[%dma_wait3A_154, %dma_wait3A_155, %dma_wait3A_156] : memref<2x128x128xf32, #tpu.memory_space<vmem>> -> memref<1x128x128xf32, #tpu.memory_space<vmem>>
        %dma_wait3A_158 = tpu.memref_squeeze %dma_wait3A_157 : memref<1x128x128xf32, #tpu.memory_space<vmem>> -> memref<128x128xf32, #tpu.memory_space<vmem>>
        %dma_wait3A_159 = tpu.memref_slice %arg6[%mul3A_153] : memref<5120xi32, #tpu.memory_space<vmem>> -> memref<128xi32, #tpu.memory_space<vmem>>
        %dma_wait3A_160 = arith.constant 0 : i32
        %dma_wait3A_161 = arith.constant 0 : i32
        %dma_wait3A_162 = tpu.memref_slice %arg2[%dma_wait3A_160, %dma_wait3A_161] : memref<10000x128xf32, #tpu.memory_space<hbm>> -> memref<10000x128xf32, #tpu.memory_space<hbm>>
        tpu.wait_indirect_dma semaphore(%arg11 : memref<!tpu.dma_semaphore, #tpu.memory_space<semaphore_mem>>) src(%dma_wait3A_162 : memref<10000x128xf32, #tpu.memory_space<hbm>>) dst(%dma_wait3A_158 : memref<128x128xf32, #tpu.memory_space<vmem>>)
        %mul3A_163 = arith.constant 128 : i32
        %mul3A_164 = arith.muli %add3A_151, %mul3A_163 : i32
        %run_scoped3A_165 = arith.constant 1 : i32
        "tpu.region"() ({
          %run_scoped3A_179 = tpu.sem_alloc : memref<!tpu.dma_semaphore, #tpu.memory_space<semaphore_mem>>
          %dma_start3A_180 = arith.constant 0 : i32
          %dma_start3A_181 = arith.constant 0 : i32
          %dma_start3A_182 = tpu.memref_slice %arg8[%run_scoped3A_165, %dma_start3A_180, %dma_start3A_181] : memref<2x128x128xf32, #tpu.memory_space<vmem>> -> memref<1x128x128xf32, #tpu.memory_space<vmem>>
          %dma_start3A_183 = tpu.memref_squeeze %dma_start3A_182 : memref<1x128x128xf32, #tpu.memory_space<vmem>> -> memref<128x128xf32, #tpu.memory_space<vmem>>
          %dma_start3A_184 = tpu.memref_slice %arg7[%mul3A_164] : memref<5120xi32, #tpu.memory_space<vmem>> -> memref<128xi32, #tpu.memory_space<vmem>>
          %dma_start3A_185 = arith.constant 0 : i32
          %dma_start3A_186 = arith.constant 0 : i32
          %dma_start3A_187 = tpu.memref_slice %arg9[%dma_start3A_185, %dma_start3A_186] : memref<10112x128xf32, #tpu.memory_space<vmem_shared>> -> memref<10112x128xf32, #tpu.memory_space<vmem_shared>>
          tpu.enqueue_indirect_dma source(%dma_start3A_183 : memref<128x128xf32, #tpu.memory_space<vmem>>) target(%dma_start3A_187 : memref<10112x128xf32, #tpu.memory_space<vmem_shared>>) offsets(%dma_start3A_184 : memref<128xi32, #tpu.memory_space<vmem>>) semaphore(%run_scoped3A_179 : memref<!tpu.dma_semaphore, #tpu.memory_space<semaphore_mem>>) {add = true}
          %dma_wait3A_188 = arith.constant 0 : i32
          %dma_wait3A_189 = arith.constant 0 : i32
          %dma_wait3A_190 = tpu.memref_slice %arg8[%run_scoped3A_165, %dma_wait3A_188, %dma_wait3A_189] : memref<2x128x128xf32, #tpu.memory_space<vmem>> -> memref<1x128x128xf32, #tpu.memory_space<vmem>>
          %dma_wait3A_191 = tpu.memref_squeeze %dma_wait3A_190 : memref<1x128x128xf32, #tpu.memory_space<vmem>> -> memref<128x128xf32, #tpu.memory_space<vmem>>
          %dma_wait3A_192 = tpu.memref_slice %arg7[%mul3A_164] : memref<5120xi32, #tpu.memory_space<vmem>> -> memref<128xi32, #tpu.memory_space<vmem>>
          %dma_wait3A_193 = arith.constant 0 : i32
          %dma_wait3A_194 = arith.constant 0 : i32
          %dma_wait3A_195 = tpu.memref_slice %arg9[%dma_wait3A_193, %dma_wait3A_194] : memref<10112x128xf32, #tpu.memory_space<vmem_shared>> -> memref<10112x128xf32, #tpu.memory_space<vmem_shared>>
          tpu.wait_indirect_dma semaphore(%run_scoped3A_179 : memref<!tpu.dma_semaphore, #tpu.memory_space<semaphore_mem>>) src(%dma_wait3A_191 : memref<128x128xf32, #tpu.memory_space<vmem>>) dst(%dma_wait3A_195 : memref<10112x128xf32, #tpu.memory_space<vmem_shared>>)
          tpu.yield
        }) : () -> ()
        %add3A_166 = arith.constant 2 : i32
        %add3A_167 = arith.addi %add3A_151, %add3A_166 : i32
        %mul3A_168 = arith.constant 128 : i32
        %mul3A_169 = arith.muli %add3A_167, %mul3A_168 : i32
        %dma_start3A_170 = arith.constant 1 : i32
        %dma_start3A_171 = arith.constant 0 : i32
        %dma_start3A_172 = arith.constant 0 : i32
        %dma_start3A_173 = tpu.memref_slice %arg8[%dma_start3A_170, %dma_start3A_171, %dma_start3A_172] : memref<2x128x128xf32, #tpu.memory_space<vmem>> -> memref<1x128x128xf32, #tpu.memory_space<vmem>>
        %dma_start3A_174 = tpu.memref_squeeze %dma_start3A_173 : memref<1x128x128xf32, #tpu.memory_space<vmem>> -> memref<128x128xf32, #tpu.memory_space<vmem>>
        %dma_start3A_175 = tpu.memref_slice %arg6[%mul3A_169] : memref<5120xi32, #tpu.memory_space<vmem>> -> memref<128xi32, #tpu.memory_space<vmem>>
        %dma_start3A_176 = arith.constant 0 : i32
        %dma_start3A_177 = arith.constant 0 : i32
        %dma_start3A_178 = tpu.memref_slice %arg2[%dma_start3A_176, %dma_start3A_177] : memref<10000x128xf32, #tpu.memory_space<hbm>> -> memref<10000x128xf32, #tpu.memory_space<hbm>>
        tpu.enqueue_indirect_dma source(%dma_start3A_178 : memref<10000x128xf32, #tpu.memory_space<hbm>>) target(%dma_start3A_174 : memref<128x128xf32, #tpu.memory_space<vmem>>) offsets(%dma_start3A_175 : memref<128xi32, #tpu.memory_space<vmem>>) semaphore(%arg11 : memref<!tpu.dma_semaphore, #tpu.memory_space<semaphore_mem>>)
      }
      %scan3A_93 = arith.constant 19 : i32
      %dma_wait3A_94 = arith.constant 0 : i32
      %dma_wait3A_95 = arith.constant 0 : i32
      %dma_wait3A_96 = arith.constant 0 : i32
      %dma_wait3A_97 = tpu.memref_slice %arg8[%dma_wait3A_94, %dma_wait3A_95, %dma_wait3A_96] : memref<2x128x128xf32, #tpu.memory_space<vmem>> -> memref<1x128x128xf32, #tpu.memory_space<vmem>>
      %dma_wait3A_98 = tpu.memref_squeeze %dma_wait3A_97 : memref<1x128x128xf32, #tpu.memory_space<vmem>> -> memref<128x128xf32, #tpu.memory_space<vmem>>
      %dma_wait3A_99 = arith.constant 4864 : i32
      %dma_wait3A_100 = tpu.memref_slice %arg6[%dma_wait3A_99] : memref<5120xi32, #tpu.memory_space<vmem>> -> memref<128xi32, #tpu.memory_space<vmem>>
      %dma_wait3A_101 = arith.constant 0 : i32
      %dma_wait3A_102 = arith.constant 0 : i32
      %dma_wait3A_103 = tpu.memref_slice %arg2[%dma_wait3A_101, %dma_wait3A_102] : memref<10000x128xf32, #tpu.memory_space<hbm>> -> memref<10000x128xf32, #tpu.memory_space<hbm>>
      tpu.wait_indirect_dma semaphore(%arg10 : memref<!tpu.dma_semaphore, #tpu.memory_space<semaphore_mem>>) src(%dma_wait3A_103 : memref<10000x128xf32, #tpu.memory_space<hbm>>) dst(%dma_wait3A_98 : memref<128x128xf32, #tpu.memory_space<vmem>>)
      %run_scoped3A_104 = arith.constant 0 : i32
      "tpu.region"() ({
        %run_scoped3A_116 = tpu.sem_alloc : memref<!tpu.dma_semaphore, #tpu.memory_space<semaphore_mem>>
        %dma_start3A_117 = arith.constant 0 : i32
        %dma_start3A_118 = arith.constant 0 : i32
        %dma_start3A_119 = tpu.memref_slice %arg8[%run_scoped3A_104, %dma_start3A_117, %dma_start3A_118] : memref<2x128x128xf32, #tpu.memory_space<vmem>> -> memref<1x128x128xf32, #tpu.memory_space<vmem>>
        %dma_start3A_120 = tpu.memref_squeeze %dma_start3A_119 : memref<1x128x128xf32, #tpu.memory_space<vmem>> -> memref<128x128xf32, #tpu.memory_space<vmem>>
        %dma_start3A_121 = arith.constant 4864 : i32
        %dma_start3A_122 = tpu.memref_slice %arg7[%dma_start3A_121] : memref<5120xi32, #tpu.memory_space<vmem>> -> memref<128xi32, #tpu.memory_space<vmem>>
        %dma_start3A_123 = arith.constant 0 : i32
        %dma_start3A_124 = arith.constant 0 : i32
        %dma_start3A_125 = tpu.memref_slice %arg9[%dma_start3A_123, %dma_start3A_124] : memref<10112x128xf32, #tpu.memory_space<vmem_shared>> -> memref<10112x128xf32, #tpu.memory_space<vmem_shared>>
        tpu.enqueue_indirect_dma source(%dma_start3A_120 : memref<128x128xf32, #tpu.memory_space<vmem>>) target(%dma_start3A_125 : memref<10112x128xf32, #tpu.memory_space<vmem_shared>>) offsets(%dma_start3A_122 : memref<128xi32, #tpu.memory_space<vmem>>) semaphore(%run_scoped3A_116 : memref<!tpu.dma_semaphore, #tpu.memory_space<semaphore_mem>>) {add = true}
        %dma_wait3A_126 = arith.constant 0 : i32
        %dma_wait3A_127 = arith.constant 0 : i32
        %dma_wait3A_128 = tpu.memref_slice %arg8[%run_scoped3A_104, %dma_wait3A_126, %dma_wait3A_127] : memref<2x128x128xf32, #tpu.memory_space<vmem>> -> memref<1x128x128xf32, #tpu.memory_space<vmem>>
        %dma_wait3A_129 = tpu.memref_squeeze %dma_wait3A_128 : memref<1x128x128xf32, #tpu.memory_space<vmem>> -> memref<128x128xf32, #tpu.memory_space<vmem>>
        %dma_wait3A_130 = arith.constant 4864 : i32
        %dma_wait3A_131 = tpu.memref_slice %arg7[%dma_wait3A_130] : memref<5120xi32, #tpu.memory_space<vmem>> -> memref<128xi32, #tpu.memory_space<vmem>>
        %dma_wait3A_132 = arith.constant 0 : i32
        %dma_wait3A_133 = arith.constant 0 : i32
        %dma_wait3A_134 = tpu.memref_slice %arg9[%dma_wait3A_132, %dma_wait3A_133] : memref<10112x128xf32, #tpu.memory_space<vmem_shared>> -> memref<10112x128xf32, #tpu.memory_space<vmem_shared>>
        tpu.wait_indirect_dma semaphore(%run_scoped3A_116 : memref<!tpu.dma_semaphore, #tpu.memory_space<semaphore_mem>>) src(%dma_wait3A_129 : memref<128x128xf32, #tpu.memory_space<vmem>>) dst(%dma_wait3A_134 : memref<10112x128xf32, #tpu.memory_space<vmem_shared>>)
        tpu.yield
      }) : () -> ()
      %dma_wait3A_105 = arith.constant 1 : i32
      %dma_wait3A_106 = arith.constant 0 : i32
      %dma_wait3A_107 = arith.constant 0 : i32
      %dma_wait3A_108 = tpu.memref_slice %arg8[%dma_wait3A_105, %dma_wait3A_106, %dma_wait3A_107] : memref<2x128x128xf32, #tpu.memory_space<vmem>> -> memref<1x128x128xf32, #tpu.memory_space<vmem>>
      %dma_wait3A_109 = tpu.memref_squeeze %dma_wait3A_108 : memref<1x128x128xf32, #tpu.memory_space<vmem>> -> memref<128x128xf32, #tpu.memory_space<vmem>>
      %dma_wait3A_110 = arith.constant 4992 : i32
      %dma_wait3A_111 = tpu.memref_slice %arg6[%dma_wait3A_110] : memref<5120xi32, #tpu.memory_space<vmem>> -> memref<128xi32, #tpu.memory_space<vmem>>
      %dma_wait3A_112 = arith.constant 0 : i32
      %dma_wait3A_113 = arith.constant 0 : i32
      %dma_wait3A_114 = tpu.memref_slice %arg2[%dma_wait3A_112, %dma_wait3A_113] : memref<10000x128xf32, #tpu.memory_space<hbm>> -> memref<10000x128xf32, #tpu.memory_space<hbm>>
      tpu.wait_indirect_dma semaphore(%arg11 : memref<!tpu.dma_semaphore, #tpu.memory_space<semaphore_mem>>) src(%dma_wait3A_114 : memref<10000x128xf32, #tpu.memory_space<hbm>>) dst(%dma_wait3A_109 : memref<128x128xf32, #tpu.memory_space<vmem>>)
      %run_scoped3A_115 = arith.constant 1 : i32
      "tpu.region"() ({
        %run_scoped3A_116 = tpu.sem_alloc : memref<!tpu.dma_semaphore, #tpu.memory_space<semaphore_mem>>
        %dma_start3A_117 = arith.constant 0 : i32
        %dma_start3A_118 = arith.constant 0 : i32
        %dma_start3A_119 = tpu.memref_slice %arg8[%run_scoped3A_115, %dma_start3A_117, %dma_start3A_118] : memref<2x128x128xf32, #tpu.memory_space<vmem>> -> memref<1x128x128xf32, #tpu.memory_space<vmem>>
        %dma_start3A_120 = tpu.memref_squeeze %dma_start3A_119 : memref<1x128x128xf32, #tpu.memory_space<vmem>> -> memref<128x128xf32, #tpu.memory_space<vmem>>
        %dma_start3A_121 = arith.constant 4992 : i32
        %dma_start3A_122 = tpu.memref_slice %arg7[%dma_start3A_121] : memref<5120xi32, #tpu.memory_space<vmem>> -> memref<128xi32, #tpu.memory_space<vmem>>
        %dma_start3A_123 = arith.constant 0 : i32
        %dma_start3A_124 = arith.constant 0 : i32
        %dma_start3A_125 = tpu.memref_slice %arg9[%dma_start3A_123, %dma_start3A_124] : memref<10112x128xf32, #tpu.memory_space<vmem_shared>> -> memref<10112x128xf32, #tpu.memory_space<vmem_shared>>
        tpu.enqueue_indirect_dma source(%dma_start3A_120 : memref<128x128xf32, #tpu.memory_space<vmem>>) target(%dma_start3A_125 : memref<10112x128xf32, #tpu.memory_space<vmem_shared>>) offsets(%dma_start3A_122 : memref<128xi32, #tpu.memory_space<vmem>>) semaphore(%run_scoped3A_116 : memref<!tpu.dma_semaphore, #tpu.memory_space<semaphore_mem>>) {add = true}
        %dma_wait3A_126 = arith.constant 0 : i32
        %dma_wait3A_127 = arith.constant 0 : i32
        %dma_wait3A_128 = tpu.memref_slice %arg8[%run_scoped3A_115, %dma_wait3A_126, %dma_wait3A_127] : memref<2x128x128xf32, #tpu.memory_space<vmem>> -> memref<1x128x128xf32, #tpu.memory_space<vmem>>
        %dma_wait3A_129 = tpu.memref_squeeze %dma_wait3A_128 : memref<1x128x128xf32, #tpu.memory_space<vmem>> -> memref<128x128xf32, #tpu.memory_space<vmem>>
        %dma_wait3A_130 = arith.constant 4992 : i32
        %dma_wait3A_131 = tpu.memref_slice %arg7[%dma_wait3A_130] : memref<5120xi32, #tpu.memory_space<vmem>> -> memref<128xi32, #tpu.memory_space<vmem>>
        %dma_wait3A_132 = arith.constant 0 : i32
        %dma_wait3A_133 = arith.constant 0 : i32
        %dma_wait3A_134 = tpu.memref_slice %arg9[%dma_wait3A_132, %dma_wait3A_133] : memref<10112x128xf32, #tpu.memory_space<vmem_shared>> -> memref<10112x128xf32, #tpu.memory_space<vmem_shared>>
        tpu.wait_indirect_dma semaphore(%run_scoped3A_116 : memref<!tpu.dma_semaphore, #tpu.memory_space<semaphore_mem>>) src(%dma_wait3A_129 : memref<128x128xf32, #tpu.memory_space<vmem>>) dst(%dma_wait3A_134 : memref<10112x128xf32, #tpu.memory_space<vmem_shared>>)
        tpu.yield
      }) : () -> ()
    } else {
    }
    %ge3A = arith.constant 6 : i32
    %ge3A_5 = arith.cmpi sge, %add3A, %ge3A : i32
    %lt3A_6 = arith.constant 26 : i32
    %lt3A_7 = arith.cmpi slt, %add3A, %lt3A_6 : i32
    %and3A = arith.andi %ge3A_5, %lt3A_7 : i1
    %convert_element_type3A_8 = arith.extui %and3A : i1 to i32
    %cond3A_9 = arith.constant 0 : i32
    %cond3A_10 = arith.cmpi ne, %convert_element_type3A_8, %cond3A_9 : i32
    scf.if %cond3A_10 {
      %sub3A = arith.constant 6 : i32
      %sub3A_12 = arith.subi %add3A, %sub3A : i32
      %mul3A_13 = arith.constant 128 : i32
      %mul3A_14 = arith.muli %sub3A_12, %mul3A_13 : i32
      %add3A_15 = arith.constant 317440 : i32
      %add3A_16 = arith.addi %add3A_15, %mul3A_14 : i32
      %run_scoped3A = arith.constant 0 : i32
      "tpu.region"() ({
        %run_scoped3A_37 = tpu.sem_alloc : memref<!tpu.dma_semaphore, #tpu.memory_space<semaphore_mem>>
        %dma_start3A_38 = arith.constant 0 : i32
        %dma_start3A_39 = tpu.memref_slice %arg6[%dma_start3A_38] : memref<5120xi32, #tpu.memory_space<vmem>> -> memref<128xi32, #tpu.memory_space<vmem>>
        %dma_start3A_40 = tpu.memref_slice %arg3[%run_scoped3A, %add3A_16] : memref<2x320000xi32, #tpu.memory_space<hbm>> -> memref<1x128xi32, #tpu.memory_space<hbm>>
        %dma_start3A_41 = tpu.memref_squeeze %dma_start3A_40 : memref<1x128xi32, #tpu.memory_space<hbm>> -> memref<128xi32, #tpu.memory_space<hbm>>
        %dma_start3A_42 = arith.constant 0 : i32
        %dma_start3A_43 = tpu.memref_slice %arg6[%dma_start3A_42] : memref<5120xi32, #tpu.memory_space<vmem>> -> memref<128xi32, #tpu.memory_space<vmem>>
        %dma_start3A_44 = tpu.memref_slice %arg3[%run_scoped3A, %add3A_16] : memref<2x320000xi32, #tpu.memory_space<hbm>> -> memref<1x128xi32, #tpu.memory_space<hbm>>
        %dma_start3A_45 = tpu.memref_squeeze %dma_start3A_44 : memref<1x128xi32, #tpu.memory_space<hbm>> -> memref<128xi32, #tpu.memory_space<hbm>>
        tpu.enqueue_dma source(%dma_start3A_45 : memref<128xi32, #tpu.memory_space<hbm>>) target(%dma_start3A_43 : memref<128xi32, #tpu.memory_space<vmem>>) target_semaphore(%run_scoped3A_37 : memref<!tpu.dma_semaphore, #tpu.memory_space<semaphore_mem>>)
        %dma_wait3A_46 = arith.constant 0 : i32
        %dma_wait3A_47 = tpu.memref_slice %arg6[%dma_wait3A_46] : memref<5120xi32, #tpu.memory_space<vmem>> -> memref<128xi32, #tpu.memory_space<vmem>>
        %dma_wait3A_48 = tpu.memref_slice %arg3[%run_scoped3A, %add3A_16] : memref<2x320000xi32, #tpu.memory_space<hbm>> -> memref<1x128xi32, #tpu.memory_space<hbm>>
        %dma_wait3A_49 = tpu.memref_squeeze %dma_wait3A_48 : memref<1x128xi32, #tpu.memory_space<hbm>> -> memref<128xi32, #tpu.memory_space<hbm>>
        %dma_wait3A_50 = arith.constant 0 : i32
        %dma_wait3A_51 = tpu.memref_slice %arg6[%dma_wait3A_50] : memref<5120xi32, #tpu.memory_space<vmem>> -> memref<128xi32, #tpu.memory_space<vmem>>
        %dma_wait3A_52 = tpu.memref_slice %arg3[%run_scoped3A, %add3A_16] : memref<2x320000xi32, #tpu.memory_space<hbm>> -> memref<1x128xi32, #tpu.memory_space<hbm>>
        %dma_wait3A_53 = tpu.memref_squeeze %dma_wait3A_52 : memref<1x128xi32, #tpu.memory_space<hbm>> -> memref<128xi32, #tpu.memory_space<hbm>>
        tpu.wait_dma2 semaphore(%run_scoped3A_37 : memref<!tpu.dma_semaphore, #tpu.memory_space<semaphore_mem>>) src(%dma_wait3A_53 : memref<128xi32, #tpu.memory_space<hbm>>) dst(%dma_wait3A_51 : memref<128xi32, #tpu.memory_space<vmem>>)
        tpu.yield
      }) : () -> ()
      %run_scoped3A_17 = arith.constant 1 : i32
      "tpu.region"() ({
        %run_scoped3A_37 = tpu.sem_alloc : memref<!tpu.dma_semaphore, #tpu.memory_space<semaphore_mem>>
        %dma_start3A_38 = arith.constant 0 : i32
        %dma_start3A_39 = tpu.memref_slice %arg7[%dma_start3A_38] : memref<5120xi32, #tpu.memory_space<vmem>> -> memref<128xi32, #tpu.memory_space<vmem>>
        %dma_start3A_40 = tpu.memref_slice %arg3[%run_scoped3A_17, %add3A_16] : memref<2x320000xi32, #tpu.memory_space<hbm>> -> memref<1x128xi32, #tpu.memory_space<hbm>>
        %dma_start3A_41 = tpu.memref_squeeze %dma_start3A_40 : memref<1x128xi32, #tpu.memory_space<hbm>> -> memref<128xi32, #tpu.memory_space<hbm>>
        %dma_start3A_42 = arith.constant 0 : i32
        %dma_start3A_43 = tpu.memref_slice %arg7[%dma_start3A_42] : memref<5120xi32, #tpu.memory_space<vmem>> -> memref<128xi32, #tpu.memory_space<vmem>>
        %dma_start3A_44 = tpu.memref_slice %arg3[%run_scoped3A_17, %add3A_16] : memref<2x320000xi32, #tpu.memory_space<hbm>> -> memref<1x128xi32, #tpu.memory_space<hbm>>
        %dma_start3A_45 = tpu.memref_squeeze %dma_start3A_44 : memref<1x128xi32, #tpu.memory_space<hbm>> -> memref<128xi32, #tpu.memory_space<hbm>>
        tpu.enqueue_dma source(%dma_start3A_45 : memref<128xi32, #tpu.memory_space<hbm>>) target(%dma_start3A_43 : memref<128xi32, #tpu.memory_space<vmem>>) target_semaphore(%run_scoped3A_37 : memref<!tpu.dma_semaphore, #tpu.memory_space<semaphore_mem>>)
        %dma_wait3A_46 = arith.constant 0 : i32
        %dma_wait3A_47 = tpu.memref_slice %arg7[%dma_wait3A_46] : memref<5120xi32, #tpu.memory_space<vmem>> -> memref<128xi32, #tpu.memory_space<vmem>>
        %dma_wait3A_48 = tpu.memref_slice %arg3[%run_scoped3A_17, %add3A_16] : memref<2x320000xi32, #tpu.memory_space<hbm>> -> memref<1x128xi32, #tpu.memory_space<hbm>>
        %dma_wait3A_49 = tpu.memref_squeeze %dma_wait3A_48 : memref<1x128xi32, #tpu.memory_space<hbm>> -> memref<128xi32, #tpu.memory_space<hbm>>
        %dma_wait3A_50 = arith.constant 0 : i32
        %dma_wait3A_51 = tpu.memref_slice %arg7[%dma_wait3A_50] : memref<5120xi32, #tpu.memory_space<vmem>> -> memref<128xi32, #tpu.memory_space<vmem>>
        %dma_wait3A_52 = tpu.memref_slice %arg3[%run_scoped3A_17, %add3A_16] : memref<2x320000xi32, #tpu.memory_space<hbm>> -> memref<1x128xi32, #tpu.memory_space<hbm>>
        %dma_wait3A_53 = tpu.memref_squeeze %dma_wait3A_52 : memref<1x128xi32, #tpu.memory_space<hbm>> -> memref<128xi32, #tpu.memory_space<hbm>>
        tpu.wait_dma2 semaphore(%run_scoped3A_37 : memref<!tpu.dma_semaphore, #tpu.memory_space<semaphore_mem>>) src(%dma_wait3A_53 : memref<128xi32, #tpu.memory_space<hbm>>) dst(%dma_wait3A_51 : memref<128xi32, #tpu.memory_space<vmem>>)
        tpu.yield
      }) : () -> ()
      %dma_start3A = arith.constant 0 : i32
      %dma_start3A_18 = arith.constant 0 : i32
      %dma_start3A_19 = arith.constant 0 : i32
      %dma_start3A_20 = tpu.memref_slice %arg8[%dma_start3A, %dma_start3A_18, %dma_start3A_19] : memref<2x128x128xf32, #tpu.memory_space<vmem>> -> memref<1x128x128xf32, #tpu.memory_space<vmem>>
      %dma_start3A_21 = tpu.memref_squeeze %dma_start3A_20 : memref<1x128x128xf32, #tpu.memory_space<vmem>> -> memref<128x128xf32, #tpu.memory_space<vmem>>
      %dma_start3A_22 = arith.constant 0 : i32
      %dma_start3A_23 = tpu.memref_slice %arg6[%dma_start3A_22] : memref<5120xi32, #tpu.memory_space<vmem>> -> memref<128xi32, #tpu.memory_space<vmem>>
      %dma_start3A_24 = arith.constant 0 : i32
      %dma_start3A_25 = arith.constant 0 : i32
      %dma_start3A_26 = tpu.memref_slice %arg2[%dma_start3A_24, %dma_start3A_25] : memref<10000x128xf32, #tpu.memory_space<hbm>> -> memref<10000x128xf32, #tpu.memory_space<hbm>>
      tpu.enqueue_indirect_dma source(%dma_start3A_26 : memref<10000x128xf32, #tpu.memory_space<hbm>>) target(%dma_start3A_21 : memref<128x128xf32, #tpu.memory_space<vmem>>) offsets(%dma_start3A_23 : memref<128xi32, #tpu.memory_space<vmem>>) semaphore(%arg10 : memref<!tpu.dma_semaphore, #tpu.memory_space<semaphore_mem>>)
      %dma_wait3A = arith.constant 0 : i32
      %dma_wait3A_27 = arith.constant 0 : i32
      %dma_wait3A_28 = arith.constant 0 : i32
      %dma_wait3A_29 = tpu.memref_slice %arg8[%dma_wait3A, %dma_wait3A_27, %dma_wait3A_28] : memref<2x128x128xf32, #tpu.memory_space<vmem>> -> memref<1x128x128xf32, #tpu.memory_space<vmem>>
      %dma_wait3A_30 = tpu.memref_squeeze %dma_wait3A_29 : memref<1x128x128xf32, #tpu.memory_space<vmem>> -> memref<128x128xf32, #tpu.memory_space<vmem>>
      %dma_wait3A_31 = arith.constant 0 : i32
      %dma_wait3A_32 = tpu.memref_slice %arg6[%dma_wait3A_31] : memref<5120xi32, #tpu.memory_space<vmem>> -> memref<128xi32, #tpu.memory_space<vmem>>
      %dma_wait3A_33 = arith.constant 0 : i32
      %dma_wait3A_34 = arith.constant 0 : i32
      %dma_wait3A_35 = tpu.memref_slice %arg2[%dma_wait3A_33, %dma_wait3A_34] : memref<10000x128xf32, #tpu.memory_space<hbm>> -> memref<10000x128xf32, #tpu.memory_space<hbm>>
      tpu.wait_indirect_dma semaphore(%arg10 : memref<!tpu.dma_semaphore, #tpu.memory_space<semaphore_mem>>) src(%dma_wait3A_35 : memref<10000x128xf32, #tpu.memory_space<hbm>>) dst(%dma_wait3A_30 : memref<128x128xf32, #tpu.memory_space<vmem>>)
      %run_scoped3A_36 = arith.constant 0 : i32
      "tpu.region"() ({
        %run_scoped3A_37 = tpu.sem_alloc : memref<!tpu.dma_semaphore, #tpu.memory_space<semaphore_mem>>
        %dma_start3A_38 = arith.constant 0 : i32
        %dma_start3A_39 = arith.constant 0 : i32
        %dma_start3A_40 = tpu.memref_slice %arg8[%run_scoped3A_36, %dma_start3A_38, %dma_start3A_39] : memref<2x128x128xf32, #tpu.memory_space<vmem>> -> memref<1x128x128xf32, #tpu.memory_space<vmem>>
        %dma_start3A_41 = tpu.memref_squeeze %dma_start3A_40 : memref<1x128x128xf32, #tpu.memory_space<vmem>> -> memref<128x128xf32, #tpu.memory_space<vmem>>
        %dma_start3A_42 = arith.constant 0 : i32
        %dma_start3A_43 = tpu.memref_slice %arg7[%dma_start3A_42] : memref<5120xi32, #tpu.memory_space<vmem>> -> memref<128xi32, #tpu.memory_space<vmem>>
        %dma_start3A_44 = arith.constant 0 : i32
        %dma_start3A_45 = arith.constant 0 : i32
        %dma_start3A_46 = tpu.memref_slice %arg9[%dma_start3A_44, %dma_start3A_45] : memref<10112x128xf32, #tpu.memory_space<vmem_shared>> -> memref<10112x128xf32, #tpu.memory_space<vmem_shared>>
        tpu.enqueue_indirect_dma source(%dma_start3A_41 : memref<128x128xf32, #tpu.memory_space<vmem>>) target(%dma_start3A_46 : memref<10112x128xf32, #tpu.memory_space<vmem_shared>>) offsets(%dma_start3A_43 : memref<128xi32, #tpu.memory_space<vmem>>) semaphore(%run_scoped3A_37 : memref<!tpu.dma_semaphore, #tpu.memory_space<semaphore_mem>>) {add = true}
        %dma_wait3A_47 = arith.constant 0 : i32
        %dma_wait3A_48 = arith.constant 0 : i32
        %dma_wait3A_49 = tpu.memref_slice %arg8[%run_scoped3A_36, %dma_wait3A_47, %dma_wait3A_48] : memref<2x128x128xf32, #tpu.memory_space<vmem>> -> memref<1x128x128xf32, #tpu.memory_space<vmem>>
        %dma_wait3A_50 = tpu.memref_squeeze %dma_wait3A_49 : memref<1x128x128xf32, #tpu.memory_space<vmem>> -> memref<128x128xf32, #tpu.memory_space<vmem>>
        %dma_wait3A_51 = arith.constant 0 : i32
        %dma_wait3A_52 = tpu.memref_slice %arg7[%dma_wait3A_51] : memref<5120xi32, #tpu.memory_space<vmem>> -> memref<128xi32, #tpu.memory_space<vmem>>
        %dma_wait3A_53 = arith.constant 0 : i32
        %dma_wait3A_54 = arith.constant 0 : i32
        %dma_wait3A_55 = tpu.memref_slice %arg9[%dma_wait3A_53, %dma_wait3A_54] : memref<10112x128xf32, #tpu.memory_space<vmem_shared>> -> memref<10112x128xf32, #tpu.memory_space<vmem_shared>>
        tpu.wait_indirect_dma semaphore(%run_scoped3A_37 : memref<!tpu.dma_semaphore, #tpu.memory_space<semaphore_mem>>) src(%dma_wait3A_50 : memref<128x128xf32, #tpu.memory_space<vmem>>) dst(%dma_wait3A_55 : memref<10112x128xf32, #tpu.memory_space<vmem_shared>>)
        tpu.yield
      }) : () -> ()
    } else {
    }
    %barrier3A_11 = arith.constant 0 : index
    tpu.barrier barrier_id(%barrier3A_11)
    "tpu.region"() ({
      %run_scoped3A = tpu.sem_alloc : memref<!tpu.dma_semaphore, #tpu.memory_space<semaphore_mem>>
      %dma_start3A = arith.constant 0 : i32
      %dma_start3A_12 = tpu.memref_slice %arg5[%arg0, %mul3A_2, %dma_start3A] : memref<2x10112x128xf32, #tpu.memory_space<hbm>> -> memref<1x632x128xf32, #tpu.memory_space<hbm>>
      %dma_start3A_13 = tpu.memref_squeeze %dma_start3A_12 : memref<1x632x128xf32, #tpu.memory_space<hbm>> -> memref<632x128xf32, #tpu.memory_space<hbm>>
      %dma_start3A_14 = arith.constant 0 : i32
      %dma_start3A_15 = tpu.memref_slice %arg9[%mul3A_2, %dma_start3A_14] : memref<10112x128xf32, #tpu.memory_space<vmem_shared>> -> memref<632x128xf32, #tpu.memory_space<vmem_shared>>
      tpu.enqueue_dma source(%dma_start3A_15 : memref<632x128xf32, #tpu.memory_space<vmem_shared>>) target(%dma_start3A_13 : memref<632x128xf32, #tpu.memory_space<hbm>>) target_semaphore(%run_scoped3A : memref<!tpu.dma_semaphore, #tpu.memory_space<semaphore_mem>>)
      %dma_wait3A = arith.constant 0 : i32
      %dma_wait3A_16 = tpu.memref_slice %arg5[%arg0, %mul3A_2, %dma_wait3A] : memref<2x10112x128xf32, #tpu.memory_space<hbm>> -> memref<1x632x128xf32, #tpu.memory_space<hbm>>
      %dma_wait3A_17 = tpu.memref_squeeze %dma_wait3A_16 : memref<1x632x128xf32, #tpu.memory_space<hbm>> -> memref<632x128xf32, #tpu.memory_space<hbm>>
      %dma_wait3A_18 = arith.constant 0 : i32
      %dma_wait3A_19 = tpu.memref_slice %arg9[%mul3A_2, %dma_wait3A_18] : memref<10112x128xf32, #tpu.memory_space<vmem_shared>> -> memref<632x128xf32, #tpu.memory_space<vmem_shared>>
      tpu.wait_dma2 semaphore(%run_scoped3A : memref<!tpu.dma_semaphore, #tpu.memory_space<semaphore_mem>>) src(%dma_wait3A_19 : memref<632x128xf32, #tpu.memory_space<vmem_shared>>) dst(%dma_wait3A_17 : memref<632x128xf32, #tpu.memory_space<hbm>>)
      tpu.yield
    }) : () -> ()
    return
  }
}

module attributes {stable_mosaic.version = 14 : i64} {
  func.func @body(%arg0: i32, %arg1: memref<2x1024x128xf32, #tpu.memory_space<vmem>>, %arg2: memref<1024x128xf32, #tpu.memory_space<vmem>>, %arg3: memref<1024x1xf32, #tpu.memory_space<vmem>>, %arg4: memref<1x128xf32, #tpu.memory_space<vmem>>, %arg5: memref<128x128xf32, #tpu.memory_space<vmem>>, %arg6: memref<1024x128xf32, #tpu.memory_space<vmem>>) attributes {dimension_semantics = [#tpu.dimension_semantics<arbitrary>], iteration_bounds = array<i64: 10>, scalar_prefetch = 0 : i64, scratch_operands = 0 : i64, tpu.core_type = #tpu.core_type<tc>, window_params = [{transform_indices = @transform_0, window_bounds = array<i64: 2, 1024, 128>}, {transform_indices = @transform_1, window_bounds = array<i64: 1024, 128>}, {transform_indices = @transform_2, window_bounds = array<i64: 1024, 1>}, {pipeline_mode = #tpu.pipeline_mode<synchronous>, transform_indices = @transform_3, window_bounds = array<i64: 1, 128>}, {pipeline_mode = #tpu.pipeline_mode<synchronous>, transform_indices = @transform_4, window_bounds = array<i64: 128, 128>}, {transform_indices = @transform_5, window_bounds = array<i64: 1024, 128>}]} {
    %get3A = arith.constant 0 : index
    %get3A_0 = arith.constant 0 : index
    %get3A_1 = arith.constant 0 : index
    %get3A_2 = vector.load %arg1[%get3A, %get3A_0, %get3A_1] : memref<2x1024x128xf32, #tpu.memory_space<vmem>>, vector<1x1024x128xf32>
    %get3A_3 = vector.shape_cast %get3A_2 : vector<1x1024x128xf32> to vector<1024x128xf32>
    %get3A_4 = arith.constant 1 : index
    %get3A_5 = arith.constant 0 : index
    %get3A_6 = arith.constant 0 : index
    %get3A_7 = vector.load %arg1[%get3A_4, %get3A_5, %get3A_6] : memref<2x1024x128xf32, #tpu.memory_space<vmem>>, vector<1x1024x128xf32>
    %get3A_8 = vector.shape_cast %get3A_7 : vector<1x1024x128xf32> to vector<1024x128xf32>
    %add3A = arith.addf %get3A_3, %get3A_8 : vector<1024x128xf32>
    %get3A_9 = arith.constant 0 : index
    %get3A_10 = arith.constant 0 : index
    %get3A_11 = vector.load %arg2[%get3A_9, %get3A_10] : memref<1024x128xf32, #tpu.memory_space<vmem>>, vector<1024x128xf32>
    %add3A_12 = arith.addf %add3A, %get3A_11 : vector<1024x128xf32>
    %get3A_13 = arith.constant 0 : index
    %get3A_14 = arith.constant 0 : index
    %get3A_15 = vector.load %arg3[%get3A_13, %get3A_14] : memref<1024x1xf32, #tpu.memory_space<vmem>>, vector<1024x1xf32>
    %mul3A = vector.broadcast %get3A_15 : vector<1024x1xf32> to vector<1024x128xf32>
    %mul3A_16 = arith.mulf %add3A_12, %mul3A : vector<1024x128xf32>
    %get3A_17 = arith.constant 0 : index
    %get3A_18 = arith.constant 0 : index
    %get3A_19 = vector.load %arg4[%get3A_17, %get3A_18] : memref<1x128xf32, #tpu.memory_space<vmem>>, vector<1x128xf32>
    %add3A_20 = vector.broadcast %get3A_19 : vector<1x128xf32> to vector<1024x128xf32>
    %add3A_21 = arith.addf %mul3A_16, %add3A_20 : vector<1024x128xf32>
    %max3A = arith.constant 0.000000e+00 : f32
    %max3A_22 = vector.broadcast %max3A : f32 to vector<1024x128xf32>
    %max3A_23 = arith.maximumf %add3A_21, %max3A_22 : vector<1024x128xf32>
    %get3A_24 = arith.constant 0 : index
    %get3A_25 = arith.constant 0 : index
    %get3A_26 = vector.load %arg5[%get3A_24, %get3A_25] : memref<128x128xf32, #tpu.memory_space<vmem>>, vector<128x128xf32>
    %dot_general3A = arith.constant dense<0.000000e+00> : vector<1024x128xf32>
    %dot_general3A_27 = tpu.matmul %max3A_23, %get3A_26, %dot_general3A {dimension_numbers = #tpu.dot_dimension_numbers<[1], [0], [0], [1], [0, 0, 1, 1], [], []>, transpose_lhs_hint = false} : vector<1024x128xf32>, vector<128x128xf32>, vector<1024x128xf32> -> vector<1024x128xf32>
    %get3A_28 = arith.constant 0 : index
    %get3A_29 = arith.constant 0 : index
    %get3A_30 = vector.load %arg3[%get3A_28, %get3A_29] : memref<1024x1xf32, #tpu.memory_space<vmem>>, vector<1024x1xf32>
    %mul3A_31 = vector.broadcast %get3A_30 : vector<1024x1xf32> to vector<1024x128xf32>
    %mul3A_32 = arith.mulf %dot_general3A_27, %mul3A_31 : vector<1024x128xf32>
    %swap3A = arith.constant 0 : index
    %swap3A_33 = arith.constant 0 : index
    %swap3A_34 = vector.load %arg6[%swap3A, %swap3A_33] : memref<1024x128xf32, #tpu.memory_space<vmem>>, vector<1024x128xf32>
    tpu.vector_store %arg6[%swap3A, %swap3A_33], %mul3A_32 {strides = array<i32>} : memref<1024x128xf32, #tpu.memory_space<vmem>>, vector<1024x128xf32>,
    return
  }
  func.func @transform_0(%arg0: i32) -> (i32, i32, i32) {
    %c0_i32 = arith.constant 0 : i32
    %c0_i32_0 = arith.constant 0 : i32
    %c0_i32_1 = arith.constant 0 : i32
    return %c0_i32, %arg0, %c0_i32_0 : i32, i32, i32
  }
  func.func @transform_1(%arg0: i32) -> (i32, i32) {
    %c0_i32 = arith.constant 0 : i32
    %c0_i32_0 = arith.constant 0 : i32
    return %arg0, %c0_i32 : i32, i32
  }
  func.func @transform_2(%arg0: i32) -> (i32, i32) {
    %c0_i32 = arith.constant 0 : i32
    %c0_i32_0 = arith.constant 0 : i32
    return %arg0, %c0_i32 : i32, i32
  }
  func.func @transform_3(%arg0: i32) -> (i32, i32) {
    %c0_i32 = arith.constant 0 : i32
    %c0_i32_0 = arith.constant 0 : i32
    %c0_i32_1 = arith.constant 0 : i32
    return %c0_i32, %c0_i32_0 : i32, i32
  }
  func.func @transform_4(%arg0: i32) -> (i32, i32) {
    %c0_i32 = arith.constant 0 : i32
    %c0_i32_0 = arith.constant 0 : i32
    %c0_i32_1 = arith.constant 0 : i32
    return %c0_i32, %c0_i32_0 : i32, i32
  }
  func.func @transform_5(%arg0: i32) -> (i32, i32) {
    %c0_i32 = arith.constant 0 : i32
    %c0_i32_0 = arith.constant 0 : i32
    return %arg0, %c0_i32 : i32, i32
  }
}

module attributes {stable_mosaic.version = 14 : i64} {
  func.func @body(%arg0: i32, %arg1: memref<1024x128xf32, #tpu.memory_space<vmem>>, %arg2: memref<128x128xf32, #tpu.memory_space<vmem>>, %arg3: memref<32x8x128xf32, #tpu.memory_space<vmem>>, %arg4: memref<1024x128xf32, #tpu.memory_space<vmem>>, %arg5: memref<1024x1xf32, #tpu.memory_space<vmem>>) attributes {dimension_semantics = [#tpu.dimension_semantics<arbitrary>], iteration_bounds = array<i64: 10>, scalar_prefetch = 0 : i64, scratch_operands = 0 : i64, tpu.core_type = #tpu.core_type<tc>, window_params = [{transform_indices = @transform_0, window_bounds = array<i64: 1024, 128>}, {pipeline_mode = #tpu.pipeline_mode<synchronous>, transform_indices = @transform_1, window_bounds = array<i64: 128, 128>}, {transform_indices = @transform_2, window_bounds = array<i64: 32, 8, 128>}, {transform_indices = @transform_3, window_bounds = array<i64: 1024, 128>}, {transform_indices = @transform_4, window_bounds = array<i64: 1024, 1>}]} {
    %get3A = arith.constant 0 : index
    %get3A_0 = arith.constant 0 : index
    %get3A_1 = arith.constant 0 : index
    %get3A_2 = vector.load %arg3[%get3A, %get3A_0, %get3A_1] : memref<32x8x128xf32, #tpu.memory_space<vmem>>, vector<32x8x128xf32>
    %reduce_sum3A = arith.constant dense<0.000000e+00> : vector<8x128xf32>
    %reduce_sum3A_3 = vector.multi_reduction <add>, %get3A_2, %reduce_sum3A [0] : vector<32x8x128xf32> to vector<8x128xf32>
    %iota3A = tpu.iota {dimensions = array<i32: 0>} : vector<128x128xi32>
    %iota3A_4 = tpu.iota {dimensions = array<i32: 1>} : vector<128x128xi32>
    %eq3A = arith.cmpi eq, %iota3A, %iota3A_4 : vector<128x128xi32>
    %slice3A = vector.extract_strided_slice %reduce_sum3A_3 {offsets = [0, 0], sizes = [1, 128], strides = [1, 1]} : vector<8x128xf32> to vector<1x128xf32>
    %broadcast_in_dim3A = vector.shape_cast %slice3A : vector<1x128xf32> to vector<1x128xf32>
    %broadcast_in_dim3A_5 = vector.broadcast %broadcast_in_dim3A : vector<1x128xf32> to vector<128x128xf32>
    %jit3A = arith.constant 0.000000e+00 : f32
    %broadcast_in_dim3A_6 = vector.broadcast %jit3A : f32 to vector<128x128xf32>
    %select_n3A = arith.select %eq3A, %broadcast_in_dim3A_5, %broadcast_in_dim3A_6 : vector<128x128xi1>, vector<128x128xf32>
    %reduce_sum3A_7 = arith.constant dense<0.000000e+00> : vector<128xf32>
    %reduce_sum3A_8 = vector.multi_reduction <add>, %select_n3A, %reduce_sum3A_7 [1] : vector<128x128xf32> to vector<128xf32>
    %broadcast_in_dim3A_9 = vector.shape_cast %reduce_sum3A_8 : vector<128xf32> to vector<128x1xf32>
    %slice3A_10 = vector.extract_strided_slice %reduce_sum3A_3 {offsets = [1, 0], sizes = [1, 128], strides = [1, 1]} : vector<8x128xf32> to vector<1x128xf32>
    %broadcast_in_dim3A_11 = vector.shape_cast %slice3A_10 : vector<1x128xf32> to vector<1x128xf32>
    %broadcast_in_dim3A_12 = vector.broadcast %broadcast_in_dim3A_11 : vector<1x128xf32> to vector<128x128xf32>
    %jit3A_13 = arith.constant 0.000000e+00 : f32
    %broadcast_in_dim3A_14 = vector.broadcast %jit3A_13 : f32 to vector<128x128xf32>
    %select_n3A_15 = arith.select %eq3A, %broadcast_in_dim3A_12, %broadcast_in_dim3A_14 : vector<128x128xi1>, vector<128x128xf32>
    %reduce_sum3A_16 = arith.constant dense<0.000000e+00> : vector<128xf32>
    %reduce_sum3A_17 = vector.multi_reduction <add>, %select_n3A_15, %reduce_sum3A_16 [1] : vector<128x128xf32> to vector<128xf32>
    %broadcast_in_dim3A_18 = vector.shape_cast %reduce_sum3A_17 : vector<128xf32> to vector<128x1xf32>
    %slice3A_19 = vector.extract_strided_slice %reduce_sum3A_3 {offsets = [2, 0], sizes = [1, 128], strides = [1, 1]} : vector<8x128xf32> to vector<1x128xf32>
    %broadcast_in_dim3A_20 = vector.shape_cast %slice3A_19 : vector<1x128xf32> to vector<1x128xf32>
    %broadcast_in_dim3A_21 = vector.broadcast %broadcast_in_dim3A_20 : vector<1x128xf32> to vector<128x128xf32>
    %jit3A_22 = arith.constant 0.000000e+00 : f32
    %broadcast_in_dim3A_23 = vector.broadcast %jit3A_22 : f32 to vector<128x128xf32>
    %select_n3A_24 = arith.select %eq3A, %broadcast_in_dim3A_21, %broadcast_in_dim3A_23 : vector<128x128xi1>, vector<128x128xf32>
    %reduce_sum3A_25 = arith.constant dense<0.000000e+00> : vector<128xf32>
    %reduce_sum3A_26 = vector.multi_reduction <add>, %select_n3A_24, %reduce_sum3A_25 [1] : vector<128x128xf32> to vector<128xf32>
    %broadcast_in_dim3A_27 = vector.shape_cast %reduce_sum3A_26 : vector<128xf32> to vector<128x1xf32>
    %slice3A_28 = vector.extract_strided_slice %reduce_sum3A_3 {offsets = [3, 0], sizes = [1, 128], strides = [1, 1]} : vector<8x128xf32> to vector<1x128xf32>
    %broadcast_in_dim3A_29 = vector.shape_cast %slice3A_28 : vector<1x128xf32> to vector<1x128xf32>
    %broadcast_in_dim3A_30 = vector.broadcast %broadcast_in_dim3A_29 : vector<1x128xf32> to vector<128x128xf32>
    %jit3A_31 = arith.constant 0.000000e+00 : f32
    %broadcast_in_dim3A_32 = vector.broadcast %jit3A_31 : f32 to vector<128x128xf32>
    %select_n3A_33 = arith.select %eq3A, %broadcast_in_dim3A_30, %broadcast_in_dim3A_32 : vector<128x128xi1>, vector<128x128xf32>
    %reduce_sum3A_34 = arith.constant dense<0.000000e+00> : vector<128xf32>
    %reduce_sum3A_35 = vector.multi_reduction <add>, %select_n3A_33, %reduce_sum3A_34 [1] : vector<128x128xf32> to vector<128xf32>
    %broadcast_in_dim3A_36 = vector.shape_cast %reduce_sum3A_35 : vector<128xf32> to vector<128x1xf32>
    %slice3A_37 = vector.extract_strided_slice %reduce_sum3A_3 {offsets = [4, 0], sizes = [1, 128], strides = [1, 1]} : vector<8x128xf32> to vector<1x128xf32>
    %broadcast_in_dim3A_38 = vector.shape_cast %slice3A_37 : vector<1x128xf32> to vector<1x128xf32>
    %broadcast_in_dim3A_39 = vector.broadcast %broadcast_in_dim3A_38 : vector<1x128xf32> to vector<128x128xf32>
    %jit3A_40 = arith.constant 0.000000e+00 : f32
    %broadcast_in_dim3A_41 = vector.broadcast %jit3A_40 : f32 to vector<128x128xf32>
    %select_n3A_42 = arith.select %eq3A, %broadcast_in_dim3A_39, %broadcast_in_dim3A_41 : vector<128x128xi1>, vector<128x128xf32>
    %reduce_sum3A_43 = arith.constant dense<0.000000e+00> : vector<128xf32>
    %reduce_sum3A_44 = vector.multi_reduction <add>, %select_n3A_42, %reduce_sum3A_43 [1] : vector<128x128xf32> to vector<128xf32>
    %broadcast_in_dim3A_45 = vector.shape_cast %reduce_sum3A_44 : vector<128xf32> to vector<128x1xf32>
    %slice3A_46 = vector.extract_strided_slice %reduce_sum3A_3 {offsets = [5, 0], sizes = [1, 128], strides = [1, 1]} : vector<8x128xf32> to vector<1x128xf32>
    %broadcast_in_dim3A_47 = vector.shape_cast %slice3A_46 : vector<1x128xf32> to vector<1x128xf32>
    %broadcast_in_dim3A_48 = vector.broadcast %broadcast_in_dim3A_47 : vector<1x128xf32> to vector<128x128xf32>
    %jit3A_49 = arith.constant 0.000000e+00 : f32
    %broadcast_in_dim3A_50 = vector.broadcast %jit3A_49 : f32 to vector<128x128xf32>
    %select_n3A_51 = arith.select %eq3A, %broadcast_in_dim3A_48, %broadcast_in_dim3A_50 : vector<128x128xi1>, vector<128x128xf32>
    %reduce_sum3A_52 = arith.constant dense<0.000000e+00> : vector<128xf32>
    %reduce_sum3A_53 = vector.multi_reduction <add>, %select_n3A_51, %reduce_sum3A_52 [1] : vector<128x128xf32> to vector<128xf32>
    %broadcast_in_dim3A_54 = vector.shape_cast %reduce_sum3A_53 : vector<128xf32> to vector<128x1xf32>
    %slice3A_55 = vector.extract_strided_slice %reduce_sum3A_3 {offsets = [6, 0], sizes = [1, 128], strides = [1, 1]} : vector<8x128xf32> to vector<1x128xf32>
    %broadcast_in_dim3A_56 = vector.shape_cast %slice3A_55 : vector<1x128xf32> to vector<1x128xf32>
    %broadcast_in_dim3A_57 = vector.broadcast %broadcast_in_dim3A_56 : vector<1x128xf32> to vector<128x128xf32>
    %jit3A_58 = arith.constant 0.000000e+00 : f32
    %broadcast_in_dim3A_59 = vector.broadcast %jit3A_58 : f32 to vector<128x128xf32>
    %select_n3A_60 = arith.select %eq3A, %broadcast_in_dim3A_57, %broadcast_in_dim3A_59 : vector<128x128xi1>, vector<128x128xf32>
    %reduce_sum3A_61 = arith.constant dense<0.000000e+00> : vector<128xf32>
    %reduce_sum3A_62 = vector.multi_reduction <add>, %select_n3A_60, %reduce_sum3A_61 [1] : vector<128x128xf32> to vector<128xf32>
    %broadcast_in_dim3A_63 = vector.shape_cast %reduce_sum3A_62 : vector<128xf32> to vector<128x1xf32>
    %slice3A_64 = vector.extract_strided_slice %reduce_sum3A_3 {offsets = [7, 0], sizes = [1, 128], strides = [1, 1]} : vector<8x128xf32> to vector<1x128xf32>
    %broadcast_in_dim3A_65 = vector.shape_cast %slice3A_64 : vector<1x128xf32> to vector<1x128xf32>
    %broadcast_in_dim3A_66 = vector.broadcast %broadcast_in_dim3A_65 : vector<1x128xf32> to vector<128x128xf32>
    %jit3A_67 = arith.constant 0.000000e+00 : f32
    %broadcast_in_dim3A_68 = vector.broadcast %jit3A_67 : f32 to vector<128x128xf32>
    %select_n3A_69 = arith.select %eq3A, %broadcast_in_dim3A_66, %broadcast_in_dim3A_68 : vector<128x128xi1>, vector<128x128xf32>
    %reduce_sum3A_70 = arith.constant dense<0.000000e+00> : vector<128xf32>
    %reduce_sum3A_71 = vector.multi_reduction <add>, %select_n3A_69, %reduce_sum3A_70 [1] : vector<128x128xf32> to vector<128xf32>
    %broadcast_in_dim3A_72 = vector.shape_cast %reduce_sum3A_71 : vector<128xf32> to vector<128x1xf32>
    %concatenate3A = tpu.concatenate %broadcast_in_dim3A_9, %broadcast_in_dim3A_18, %broadcast_in_dim3A_27, %broadcast_in_dim3A_36, %broadcast_in_dim3A_45, %broadcast_in_dim3A_54, %broadcast_in_dim3A_63, %broadcast_in_dim3A_72 in 0 : vector<128x1xf32>, vector<128x1xf32>, vector<128x1xf32>, vector<128x1xf32>, vector<128x1xf32>, vector<128x1xf32>, vector<128x1xf32>, vector<128x1xf32> -> vector<1024x1xf32>
    %add3A = arith.constant 1.000000e+00 : f32
    %add3A_73 = vector.broadcast %add3A : f32 to vector<1024x1xf32>
    %add3A_74 = arith.addf %concatenate3A, %add3A_73 : vector<1024x1xf32>
    %rsqrt3A = math.rsqrt %add3A_74 : vector<1024x1xf32>
    %get3A_75 = arith.constant 0 : index
    %get3A_76 = arith.constant 0 : index
    %get3A_77 = vector.load %arg1[%get3A_75, %get3A_76] : memref<1024x128xf32, #tpu.memory_space<vmem>>, vector<1024x128xf32>
    %get3A_78 = arith.constant 0 : index
    %get3A_79 = arith.constant 0 : index
    %get3A_80 = vector.load %arg2[%get3A_78, %get3A_79] : memref<128x128xf32, #tpu.memory_space<vmem>>, vector<128x128xf32>
    %dot_general3A = arith.constant dense<0.000000e+00> : vector<1024x128xf32>
    %dot_general3A_81 = tpu.matmul %get3A_77, %get3A_80, %dot_general3A {dimension_numbers = #tpu.dot_dimension_numbers<[1], [0], [0], [1], [0, 0, 1, 1], [], []>, transpose_lhs_hint = false} : vector<1024x128xf32>, vector<128x128xf32>, vector<1024x128xf32> -> vector<1024x128xf32>
    %mul3A = vector.broadcast %rsqrt3A : vector<1024x1xf32> to vector<1024x128xf32>
    %mul3A_82 = arith.mulf %dot_general3A_81, %mul3A : vector<1024x128xf32>
    %swap3A = arith.constant 0 : index
    %swap3A_83 = arith.constant 0 : index
    %swap3A_84 = vector.load %arg4[%swap3A, %swap3A_83] : memref<1024x128xf32, #tpu.memory_space<vmem>>, vector<1024x128xf32>
    tpu.vector_store %arg4[%swap3A, %swap3A_83], %mul3A_82 {strides = array<i32>} : memref<1024x128xf32, #tpu.memory_space<vmem>>, vector<1024x128xf32>,
    %swap3A_85 = arith.constant 0 : index
    %swap3A_86 = arith.constant 0 : index
    %swap3A_87 = vector.load %arg5[%swap3A_85, %swap3A_86] : memref<1024x1xf32, #tpu.memory_space<vmem>>, vector<1024x1xf32>
    tpu.vector_store %arg5[%swap3A_85, %swap3A_86], %rsqrt3A {strides = array<i32>} : memref<1024x1xf32, #tpu.memory_space<vmem>>, vector<1024x1xf32>,
    return
  }
  func.func @transform_0(%arg0: i32) -> (i32, i32) {
    %c0_i32 = arith.constant 0 : i32
    %c0_i32_0 = arith.constant 0 : i32
    return %arg0, %c0_i32 : i32, i32
  }
  func.func @transform_1(%arg0: i32) -> (i32, i32) {
    %c0_i32 = arith.constant 0 : i32
    %c0_i32_0 = arith.constant 0 : i32
    %c0_i32_1 = arith.constant 0 : i32
    return %c0_i32, %c0_i32_0 : i32, i32
  }
  func.func @transform_2(%arg0: i32) -> (i32, i32, i32) {
    %c0_i32 = arith.constant 0 : i32
    %c0_i32_0 = arith.constant 0 : i32
    %c0_i32_1 = arith.constant 0 : i32
    return %c0_i32, %arg0, %c0_i32_0 : i32, i32, i32
  }
  func.func @transform_3(%arg0: i32) -> (i32, i32) {
    %c0_i32 = arith.constant 0 : i32
    %c0_i32_0 = arith.constant 0 : i32
    return %arg0, %c0_i32 : i32, i32
  }
  func.func @transform_4(%arg0: i32) -> (i32, i32) {
    %c0_i32 = arith.constant 0 : i32
    %c0_i32_0 = arith.constant 0 : i32
    return %arg0, %c0_i32 : i32, i32
  }
}

module attributes {stable_mosaic.version = 14 : i64} {
  func.func @body(%arg0: i32, %arg1: memref<2x1024x128xf32, #tpu.memory_space<vmem>>, %arg2: memref<1024x128xf32, #tpu.memory_space<vmem>>, %arg3: memref<1024x1xf32, #tpu.memory_space<vmem>>, %arg4: memref<1x128xf32, #tpu.memory_space<vmem>>, %arg5: memref<1024x128xf32, #tpu.memory_space<vmem>>, %arg6: memref<1x128xf32, #tpu.memory_space<vmem>>) attributes {dimension_semantics = [#tpu.dimension_semantics<arbitrary>], iteration_bounds = array<i64: 10>, scalar_prefetch = 0 : i64, scratch_operands = 0 : i64, tpu.core_type = #tpu.core_type<tc>, window_params = [{transform_indices = @transform_0, window_bounds = array<i64: 2, 1024, 128>}, {transform_indices = @transform_1, window_bounds = array<i64: 1024, 128>}, {transform_indices = @transform_2, window_bounds = array<i64: 1024, 1>}, {pipeline_mode = #tpu.pipeline_mode<synchronous>, transform_indices = @transform_3, window_bounds = array<i64: 1, 128>}, {transform_indices = @transform_4, window_bounds = array<i64: 1024, 128>}, {pipeline_mode = #tpu.pipeline_mode<synchronous>, transform_indices = @transform_5, window_bounds = array<i64: 1, 128>}]} {
    %get3A = arith.constant 0 : index
    %get3A_0 = arith.constant 0 : index
    %get3A_1 = arith.constant 0 : index
    %get3A_2 = vector.load %arg1[%get3A, %get3A_0, %get3A_1] : memref<2x1024x128xf32, #tpu.memory_space<vmem>>, vector<1x1024x128xf32>
    %get3A_3 = vector.shape_cast %get3A_2 : vector<1x1024x128xf32> to vector<1024x128xf32>
    %get3A_4 = arith.constant 1 : index
    %get3A_5 = arith.constant 0 : index
    %get3A_6 = arith.constant 0 : index
    %get3A_7 = vector.load %arg1[%get3A_4, %get3A_5, %get3A_6] : memref<2x1024x128xf32, #tpu.memory_space<vmem>>, vector<1x1024x128xf32>
    %get3A_8 = vector.shape_cast %get3A_7 : vector<1x1024x128xf32> to vector<1024x128xf32>
    %add3A = arith.addf %get3A_3, %get3A_8 : vector<1024x128xf32>
    %get3A_9 = arith.constant 0 : index
    %get3A_10 = arith.constant 0 : index
    %get3A_11 = vector.load %arg2[%get3A_9, %get3A_10] : memref<1024x128xf32, #tpu.memory_space<vmem>>, vector<1024x128xf32>
    %add3A_12 = arith.addf %add3A, %get3A_11 : vector<1024x128xf32>
    %get3A_13 = arith.constant 0 : index
    %get3A_14 = arith.constant 0 : index
    %get3A_15 = vector.load %arg3[%get3A_13, %get3A_14] : memref<1024x1xf32, #tpu.memory_space<vmem>>, vector<1024x1xf32>
    %mul3A = vector.broadcast %get3A_15 : vector<1024x1xf32> to vector<1024x128xf32>
    %mul3A_16 = arith.mulf %add3A_12, %mul3A : vector<1024x128xf32>
    %get3A_17 = arith.constant 0 : index
    %get3A_18 = arith.constant 0 : index
    %get3A_19 = vector.load %arg4[%get3A_17, %get3A_18] : memref<1x128xf32, #tpu.memory_space<vmem>>, vector<1x128xf32>
    %add3A_20 = vector.broadcast %get3A_19 : vector<1x128xf32> to vector<1024x128xf32>
    %add3A_21 = arith.addf %mul3A_16, %add3A_20 : vector<1024x128xf32>
    %max3A = arith.constant 0.000000e+00 : f32
    %max3A_22 = vector.broadcast %max3A : f32 to vector<1024x128xf32>
    %max3A_23 = arith.maximumf %add3A_21, %max3A_22 : vector<1024x128xf32>
    %swap3A = arith.constant 0 : index
    %swap3A_24 = arith.constant 0 : index
    %swap3A_25 = vector.load %arg5[%swap3A, %swap3A_24] : memref<1024x128xf32, #tpu.memory_space<vmem>>, vector<1024x128xf32>
    tpu.vector_store %arg5[%swap3A, %swap3A_24], %max3A_23 {strides = array<i32>} : memref<1024x128xf32, #tpu.memory_space<vmem>>, vector<1024x128xf32>,
    %eq3A = arith.constant 0 : i32
    %eq3A_26 = arith.cmpi eq, %arg0, %eq3A : i32
    %convert_element_type3A = arith.extui %eq3A_26 : i1 to i32
    %cond3A = arith.constant 0 : i32
    %cond3A_27 = arith.cmpi ne, %convert_element_type3A, %cond3A : i32
    scf.if %cond3A_27 {
      %broadcast_in_dim3A_48 = arith.constant 0.000000e+00 : f32
      %broadcast_in_dim3A_49 = vector.broadcast %broadcast_in_dim3A_48 : f32 to vector<1x128xf32>
      %swap3A_50 = arith.constant 0 : index
      %swap3A_51 = arith.constant 0 : index
      %swap3A_52 = vector.load %arg6[%swap3A_50, %swap3A_51] : memref<1x128xf32, #tpu.memory_space<vmem>>, vector<1x128xf32>
      tpu.vector_store %arg6[%swap3A_50, %swap3A_51], %broadcast_in_dim3A_49 {strides = array<i32>} : memref<1x128xf32, #tpu.memory_space<vmem>>, vector<1x128xf32>,
    } else {
    }
    %mul3A_28 = arith.constant 1024 : i32
    %mul3A_29 = arith.muli %arg0, %mul3A_28 : i32
    %iota3A = tpu.iota {dimensions = array<i32: 0>} : vector<1024x1xi32>
    %add3A_30 = vector.broadcast %mul3A_29 : i32 to vector<1024x1xi32>
    %add3A_31 = arith.addi %add3A_30, %iota3A : vector<1024x1xi32>
    %lt3A = arith.constant 10000 : i32
    %lt3A_32 = vector.broadcast %lt3A : i32 to vector<1024x1xi32>
    %lt3A_33 = arith.cmpi slt, %add3A_31, %lt3A_32 : vector<1024x1xi32>
    %jit3A = arith.constant 0.000000e+00 : f32
    %broadcast_in_dim3A = vector.shape_cast %lt3A_33 : vector<1024x1xi1> to vector<1024x1xi1>
    %broadcast_in_dim3A_34 = vector.broadcast %broadcast_in_dim3A : vector<1024x1xi1> to vector<1024x128xi1>
    %broadcast_in_dim3A_35 = vector.broadcast %jit3A : f32 to vector<1024x128xf32>
    %select_n3A = arith.select %broadcast_in_dim3A_34, %max3A_23, %broadcast_in_dim3A_35 : vector<1024x128xi1>, vector<1024x128xf32>
    %get3A_36 = arith.constant 0 : index
    %get3A_37 = arith.constant 0 : index
    %get3A_38 = vector.load %arg6[%get3A_36, %get3A_37] : memref<1x128xf32, #tpu.memory_space<vmem>>, vector<1x128xf32>
    %reduce_sum3A = arith.constant dense<0.000000e+00> : vector<128xf32>
    %reduce_sum3A_39 = vector.multi_reduction <add>, %select_n3A, %reduce_sum3A [0] : vector<1024x128xf32> to vector<128xf32>
    %broadcast_in_dim3A_40 = vector.shape_cast %reduce_sum3A_39 : vector<128xf32> to vector<1x128xf32>
    %mul3A_41 = arith.constant 9.99999974E-5 : f32
    %mul3A_42 = vector.broadcast %mul3A_41 : f32 to vector<1x128xf32>
    %mul3A_43 = arith.mulf %broadcast_in_dim3A_40, %mul3A_42 : vector<1x128xf32>
    %add3A_44 = arith.addf %get3A_38, %mul3A_43 : vector<1x128xf32>
    %swap3A_45 = arith.constant 0 : index
    %swap3A_46 = arith.constant 0 : index
    %swap3A_47 = vector.load %arg6[%swap3A_45, %swap3A_46] : memref<1x128xf32, #tpu.memory_space<vmem>>, vector<1x128xf32>
    tpu.vector_store %arg6[%swap3A_45, %swap3A_46], %add3A_44 {strides = array<i32>} : memref<1x128xf32, #tpu.memory_space<vmem>>, vector<1x128xf32>,
    return
  }
  func.func @transform_0(%arg0: i32) -> (i32, i32, i32) {
    %c0_i32 = arith.constant 0 : i32
    %c0_i32_0 = arith.constant 0 : i32
    %c0_i32_1 = arith.constant 0 : i32
    return %c0_i32, %arg0, %c0_i32_0 : i32, i32, i32
  }
  func.func @transform_1(%arg0: i32) -> (i32, i32) {
    %c0_i32 = arith.constant 0 : i32
    %c0_i32_0 = arith.constant 0 : i32
    return %arg0, %c0_i32 : i32, i32
  }
  func.func @transform_2(%arg0: i32) -> (i32, i32) {
    %c0_i32 = arith.constant 0 : i32
    %c0_i32_0 = arith.constant 0 : i32
    return %arg0, %c0_i32 : i32, i32
  }
  func.func @transform_3(%arg0: i32) -> (i32, i32) {
    %c0_i32 = arith.constant 0 : i32
    %c0_i32_0 = arith.constant 0 : i32
    %c0_i32_1 = arith.constant 0 : i32
    return %c0_i32, %c0_i32_0 : i32, i32
  }
  func.func @transform_4(%arg0: i32) -> (i32, i32) {
    %c0_i32 = arith.constant 0 : i32
    %c0_i32_0 = arith.constant 0 : i32
    return %arg0, %c0_i32 : i32, i32
  }
  func.func @transform_5(%arg0: i32) -> (i32, i32) {
    %c0_i32 = arith.constant 0 : i32
    %c0_i32_0 = arith.constant 0 : i32
    %c0_i32_1 = arith.constant 0 : i32
    return %c0_i32, %c0_i32_0 : i32, i32
  }
}

</mosaic_0001>

<sc_bundles>
// kernel: kernel.11.cloned.1.call-start
scs
__scs_entry_jumppad:
0x0: {  	(pc) =	sbr.rel $0x88, $3  }
0x1: {  	(tag) =	ssettag $0x0;
	lr =	simm.s32 $0x1  }
0x2: {  	[smem:$0x3F9B] =	sst lr;
	_ =	strace $0xD0000000  }
0x3: {  	_ = 	snop  }
0x4: {  	_ = 	snop  }
0x5: {  	_ = 	snop  }
0x6: {  	_ = 	snop  }
0x7: {  	_ = 	snop  }
__scs_overlays_trampoline_lowered:
0x8: {  	[smem:$0x3FAA] =	sst s0  }
0x9: {  	[smem:$0x3FAB] =	sst s1  }
0xa: {  	[smem:$0x3FAC] =	sst s2  }
0xb: {  	[smem:$0x3FAD] =	sst s3  }
0xc: {  	[smem:$0x3FAE] =	sst s4  }
0xd: {  	[smem:$0x3FAF] =	sst s5  }
0xe: {  	[smem:$0x3FB0] =	sst s6  }
0xf: {  	[smem:$0x3FB1] =	sst s7  }
0x10: {  	[smem:$0x3FB2] =	sst s8  }
0x11: {  	[smem:$0x3FB3] =	sst s9;
	s0 =	simm.s32 @!p0 $0x0  }
0x12: {  	s1 =	sld [smem:$0x3F99];
	s0 =	simm.s32 @p0 $0x1  }
0x13: {  	[smem:$0x3FB4] =	sst s0;
	s0 =	simm.s32 @!p1 $0x0  }
0x14: {  	s2 =	sld [smem:$0x3F98];
	s0 =	simm.s32 @p1 $0x1  }
0x15: {  	[smem:$0x3FB5] =	sst s0;
	s0 =	simm.s32 @!p2 $0x0  }
0x16: {  	s3 =	sld [smem:$0x3FDB];
	s0 =	simm.s32 @p2 $0x1  }
0x17: {  	s4 =	simm.s32 $0x1BF5;
	[smem:$0x3FB7] =	sst s0  }
0x18: {  	s0 =	sld [smem:$0x3F9A];
	_ =	swait.ge [sflag:s4], $0x0  }
0x19: {  	s7 =	sld [smem:$0x3F9B]  }
0x1a: {  	s8 =	sadd.s32 $0xFFFFE003, lr  }
0x1b: {  	s9 =	sadd.s32 $0xFFFFFEF7, lr;
	s5 =	simm.s32 $0xFFFFFFFF;
	p2 =	slt.u32 s8, $0xFFFFF086  }
0x1c: {  	p1 =	slt.u32 s9, $0xF7A;
	s5 =	simm.s32 @!p2 $0x0  }
0x1d: {  	s5 =	simm.s32 @p1 $0x1;
	p0 =	seq.s32 s7, s2  }
0x1e: {  	s7 =	smul.u32 @!p0 $0xF7A, s2;
	p2 =	seq.s32 @!p0 s5, $0x0  }
0x1f: {  	s9 =	smul.u32 $0xF7A, s1;
	s8 =	simm.s32 @!p0 $0x1BF5;
	p2 =	por !p2, p0  }
0x20: {  	[sflag:s8] =	ssyncset.s32 @!p0 $0xFFFFF086;
	s6 =	sadd.s32 @!p0 s3, s7;
	s7 =	simm.s32 @!p0 $0x108  }
0x21: {  	s3 =	sadd.s32 s3, s9;
	s6 =	sadd.s32 @!p0 $0x88, s6;
	s7 =	simm.s32 @p2 $0x1082  }
0x22: {  	[simem:s7], [sflag:s8] =	dma.local @!p0 [hbm:s6], $0xF7A  }
0x23: {  	s9 =	sor.u32 $0xD0000000, s2;
	s6 =	simm.s32 $0x108;
	_ =	swait.ge @!p0 [sflag:s8], $0x0  }
0x24: {  	s3 =	sadd.s32 $0x88, s3;
	s6 =	simm.s32 @!p1 $0x1082;
	[sflag:s4] =	ssyncset.s32 $0xFFFFF086  }
0x25: {  	[simem:s6], [sflag:s4] =	dma.local [hbm:s3], $0xF7A  }
0x26: {  	[smem:$0x3F9B] =	sst s1;
	(tag) =	ssettag s2;
	_ =	strace s9  }
0x27: {  	s1 =	sld [smem:$0x3FAB]  }
0x28: {  	s2 =	sld [smem:$0x3FAC]  }
0x29: {  	s4 =	sld [smem:$0x3FAE]  }
0x2a: {  	p0 =	seq.s32 s5, $0x0;
	s5 =	sld [smem:$0x3FAF]  }
0x2b: {  	s6 =	sld [smem:$0x3FB0]  }
0x2c: {  	s7 =	sld [smem:$0x3FB1]  }
0x2d: {  	s3 =	simm.s32 $0x108;
	s8 =	sld [smem:$0x3FB2]  }
0x2e: {  	s3 =	simm.s32 @!p0 $0x1082;
	s9 =	sld [smem:$0x3FB3]  }
0x2f: {  	lr =	sadd.s32 s0, s3;
	s0 =	sld [smem:$0x3FAA]  }
0x30: {  	s3 =	sld [smem:$0x3FAD]  }
0x31: {  	[smem:$0x3FB6] =	sst s10  }
0x32: {  	s10 =	sld [smem:$0x3FB4];
	_ =	sdelay $0x3  }
0x33: {  	p0 =	seq.s32 s10, $0x1;
	s10 =	sld [smem:$0x3FB6];
	_ =	sdelay $0x3  }
0x34: {  	[smem:$0x3FB6] =	sst s10  }
0x35: {  	s10 =	sld [smem:$0x3FB5];
	_ =	sdelay $0x3  }
0x36: {  	p1 =	seq.s32 s10, $0x1;
	s10 =	sld [smem:$0x3FB6];
	_ =	sdelay $0x3  }
0x37: {  	[smem:$0x3FB6] =	sst s10  }
0x38: {  	s10 =	sld [smem:$0x3FB7]  }
0x39: {  	_ = 	snop;
	(pc) =	sbr.ind lr, $3  }
0x3a: {  	_ = 	snop  }
0x3b: {  	_ = 	snop  }
0x3c: {  	p2 =	seq.s32 s10, $0x1;
	s10 =	sld [smem:$0x3FB6]  }
0x3d: {  	_ =	shalt  }
0x3e: {  	_ =	shalt  }
0x3f: {  	_ =	shalt  }
0x40: {  	_ =	shalt  }
0x41: {  	_ =	shalt  }
0x42: {  	_ =	shalt  }
0x43: {  	_ =	shalt  }
0x44: {  	_ =	shalt  }
0x45: {  	_ =	shalt  }
0x46: {  	_ =	shalt  }
0x47: {  	_ =	shalt  }
0x48: {  	_ =	shalt  }
0x49: {  	_ =	shalt  }
0x4a: {  	_ =	shalt  }
0x4b: {  	_ =	shalt  }
0x4c: {  	_ =	shalt  }
0x4d: {  	_ =	shalt  }
0x4e: {  	_ =	shalt  }
0x4f: {  	_ =	shalt  }
0x50: {  	_ =	shalt  }
0x51: {  	_ =	shalt  }
0x52: {  	_ =	shalt  }
0x53: {  	_ =	shalt  }
0x54: {  	_ =	shalt  }
0x55: {  	_ =	shalt  }
0x56: {  	_ =	shalt  }
0x57: {  	_ =	shalt  }
0x58: {  	_ =	shalt  }
0x59: {  	_ =	shalt  }
0x5a: {  	_ =	shalt  }
0x5b: {  	_ =	shalt  }
0x5c: {  	_ =	shalt  }
0x5d: {  	_ =	shalt  }
0x5e: {  	_ =	shalt  }
0x5f: {  	_ =	shalt  }
0x60: {  	_ =	shalt  }
0x61: {  	_ =	shalt  }
0x62: {  	_ =	shalt  }
0x63: {  	_ =	shalt  }
0x64: {  	_ =	shalt  }
0x65: {  	_ =	shalt  }
0x66: {  	_ =	shalt  }
0x67: {  	_ =	shalt  }
0x68: {  	_ =	shalt  }
0x69: {  	_ =	shalt  }
0x6a: {  	_ =	shalt  }
0x6b: {  	_ =	shalt  }
0x6c: {  	_ =	shalt  }
0x6d: {  	_ =	shalt  }
0x6e: {  	_ =	shalt  }
0x6f: {  	_ =	shalt  }
0x70: {  	_ =	shalt  }
0x71: {  	_ =	shalt  }
0x72: {  	_ =	shalt  }
0x73: {  	_ =	shalt  }
0x74: {  	_ =	shalt  }
0x75: {  	_ =	shalt  }
0x76: {  	_ =	shalt  }
0x77: {  	_ =	shalt  }
0x78: {  	_ =	shalt  }
0x79: {  	_ =	shalt  }
0x7a: {  	_ =	shalt  }
0x7b: {  	_ =	shalt  }
0x7c: {  	_ =	shalt  }
0x7d: {  	_ =	shalt  }
0x7e: {  	_ =	shalt  }
0x7f: {  	_ =	shalt  }
0x80: {  	_ =	shalt  }
0x81: {  	_ =	shalt  }
0x82: {  	_ =	shalt  }
0x83: {  	_ =	shalt  }
0x84: {  	_ =	shalt  }
0x85: {  	_ =	shalt  }
0x86: {  	_ =	shalt  }
0x87: {  	_ =	shalt  }
.Lfunc_end0:
.L_simem_size_0:
called_computation.1_lowered:
.L_overlay_start_0:
0x88: {  	s2 =	sld [smem:$0x3FD9]  }
0x89: {  	s3 =	sld [smem:$0x3FFE];
	_ =	sdelay $0x1  }
0x8a: {  	s1 =	srdreg.scid  }
0x8b: {  	s0 =	sand.u32 $0x1, s1  }
0x8c: {  	s14 =	sshll.u32 s0, $0xA;
	s2 =	sadd.s32 s3, s2  }
0x8d: {  	s2 =	sadd.s32 s2, s14  }
0x8e: {  	[smem:$0x3FC2] =	sst s2  }
0x8f: {  	_ = 	snop  }
0x90: {  	s2 =	sld [smem:$0x3FD0];
	_ =	sdelay $0x2  }
0x91: {  	s4 =	simm.s32 $0xA;
	s5 =	simm.s32 $0x10;
	s15 =	sld [smem:$0x3FC8]  }
0x92: {  	[smem:s5], [sflag:s4] =	dma.local [hbm:s2], $0x1  }
0x93: {  	_ =	swait.eq [sflag:s4], $0x1  }
0x94: {  	[sflag:s4] =	ssyncset.done $0x0  }
0x95: {  	[sflag:s4] =	ssyncadd.s32 $0xFFFFFFFF  }
0x96: {  	s16 =	sld [smem:$0x10];
	(tm) =	ssettm $0x1  }
0x97: {  	s17 =	sld [smem:$0x3FFB];
	_ =	sdelay $0x3  }
0x98: {  	_ =	strace s17  }
0x99: {  	s4 =	sld [smem:$0x3FFC];
	_ =	sdelay $0x3  }
0x9a: {  	_ =	strace s4  }
0x9b: {  	s4 =	sld [smem:$0x3FFD];
	_ =	sdelay $0x3  }
0x9c: {  	_ =	strace s4  }
0x9d: {  	_ =	strace $0x8FFFFFFF  }
0x9e: {  	s18 =	sld [smem:$0x3FDB];
	_ =	sdelay $0x1  }
0x9f: {  	s19 =	simm.s32 $_scs_section_size  }
0xa0: {  	s6 =	simm.s32 $_size__tile_overlayer_lowered;
	s7 =	simm.s32 $_tile_overlayer_lowered  }
0xa1: {  	s22 =	simm.s32 $0x1BFF;
	s21 =	sshll.u32 s7, $0x1;
	s4 =	sadd.s32 s19, s18  }
0xa2: {  	s8 =	simm.s32 $0x0;
	s20 =	sshll.u32 s6, $0x1;
	s6 =	sadd.s32 s21, s4  }
0xa3: {  	[timem:s8], [sflag:s22] =	dma.local [hbm:s6], s20  }
0xa4: {  	_ =	swait.ge [sflag:s22], s20  }
0xa5: {  	s5 =	ssub.s32 $0x0, s20;
	[sflag:s22] =	ssyncset.done $0x0  }
0xa6: {  	[sflag:s22] =	ssyncadd.s32 s5;
	_ =	sdelay $0x1  }
0xa7: {  	s23 =	simm.s32 $0x1B8B  }
0xa8: {  	_ =	swait.ge [sflag:s23], $0x1  }
0xa9: {  	[sflag:s23] =	ssyncset.done $0x0  }
0xaa: {  	s25 =	simm.s32 $0x1B8E;
	s24 =	sld [smem:$0x3FFE];
	[sflag:s23] =	ssyncadd.s32 $0xFFFFFFFF  }
0xab: {  	s26 =	simm.s32 $execute0_lowered;
	[smem:$0x3FD2] =	sst s25  }
0xac: {  	s6 =	sshll.u32 s26, $0x1;
	_ =	strace $0x80000049;
	[dreg:$0x1] =	wrdreg $0xFFFFFFFF  }
0xad: {  	s28 =	simm.s32 $_size_execute0_lowered;
	s4 =	sadd.s32 s4, s6;
	[dreg:$0x0] =	wrdreg $0x0  }
0xae: {  	s6 =	sshll.u32 s28, $0x1;
	[dreg:$0x2] =	wrdreg s4  }
0xaf: {  	[dreg:$0x3] =	wrdreg s6  }
0xb0: {  	[dreg:$0x4] =	wrdreg $0xC0  }
0xb1: {  	_ =	task [dreg:s8], $0x5FFFF  }
0xb2: {  	[dreg:$0x1] =	wrdreg $0xFFFFFFFF  }
0xb3: {  	[dreg:$0x0] =	wrdreg $0x60  }
0xb4: {  	[dreg:$0x2] =	wrdreg s16  }
0xb5: {  	[dreg:$0x3] =	wrdreg s15  }
0xb6: {  	[dreg:$0x4] =	wrdreg s24  }
0xb7: {  	[dreg:$0x5] =	wrdreg $0xA8000  }
0xb8: {  	[dreg:$0x6] =	wrdreg $0x9  }
0xb9: {  	_ =	task.clear_ibuf [dreg:s8], $0x7FFFF;
	_ =	strace $0x90000049  }
0xba: {  	s29 =	simm.s32 $0x9;
	_ =	strace $0x8000004B  }
0xbb: {  	_ =	swait.ge [sflag:s29], $0x1  }
0xbc: {  	[sflag:s29] =	ssyncadd.s32 $0xFFFFFFFF  }
0xbd: {  	_ =	strace $0x9000004B  }
0xbe: {  	_ =	sfence  }
0xbf: {  	s30 =	sld [smem:$0x0];
	_ =	sdelay $0x2  }
0xc0: {  	s31 =	sshll.u32 s1, $0xD;
	s1 =	sshrl.u32 s1, $0x2  }
0xc1: {  	s3 =	sand.u32 $0x4000, s31;
	s1 =	sadd.s32 s1, s30  }
0xc2: {  	s0 =	sor.u32 s3, s0;
	s1 =	sshll.u32 s1, $0x11  }
0xc3: {  	s0 =	sor.u32 s1, s0  }
0xc4: {  	s0 =	sadd.s32 $0x8F2B, s0  }
0xc5: {  	[sflag:s0] =	ssyncadd.remote.s32 $0x1  }
0xc6: {  	_ =	sfence.sel $0xFFFF  }
0xc7: {  	[dreg:$0x0] =	wrdreg $0xFFFFFFFF;
	(pc) =	sbr.abs _section_cstart, $3  }
0xc8: {  	[dreg:$0x1] =	wrdreg $0xFFFFFFFF  }
0xc9: {  	_ =	task.clear_ibuf [dreg:s8], $0x2FFFF;
	_ =	strace $0x9FFFFFFF  }
0xca: {  	(tm) =	ssettm $0x7FFFFFFF  }
0xcb: {  	_ =	shalt  }
tec
execute0_lowered:
.L_overlay_start_1:
0x0: {  	(tag) =	ssettag $0x1  }
0x1: {  	s1 =	rddreg [dreg:$0x0]  }
0x2: {  	s11 =	rddreg [dreg:$0x1]  }
0x3: {  	s5 =	rddreg [dreg:$0x2]  }
0x4: {  	s3 =	rddreg [dreg:$0x3];
	s0 =	stileid.u32  }
0x5: {  	s7 =	srdreg.scid;
	s2 =	rddreg [dreg:$0x4];
	s4 =	simm.s32 $0x0  }
0x6: {  	s17 =	simm.s32 $0x80;
	s18 =	simm.s32 $0x100;
	s19 =	simm.s32 $0x1400  }
0x7: {  	s20 =	simm.s32 $0x2800;
	s21 =	simm.s32 $0x6800;
	s22 =	simm.s32 $0x1  }
0x8: {  	s23 =	simm.s32 $0x2;
	s24 =	simm.s32 $0x2700;
	s6 =	smul.u32 $0x13C00, s0  }
0x9: {  	s7 =	sand.u32 $0x1, s7;
	[smem:$0x7FF] =	sst s4;
	s26 =	smul.u32 $0x4F000, s0  }
0xa: {  	s31 =	sshll.u32 s0, $0x6;
	s9 =	smul.u32 $0x13C000, s7;
	_ =	strace $0x8000004A  }
0xb: {  	s10 =	sshll.u32 s7, $0x4;
	s7 =	ssub.s32 $0x2, s7;
	s8 =	sshrl.u32 s6, $0x3  }
0xc: {  	s15 =	sor.u32 s0, s10;
	s28 =	sshrl.u32 s7, $0x1;
	s29 =	sshrl.u32 s26, $0x2  }
0xd: {  	s8 =	sadd.s32 s8, s5;
	s6 =	sadd.s32 s6, s9;
	s10 =	smul.u32 $0x5000, s15  }
0xe: {  	s14 =	ssub.s32 s7, s28;
	s16 =	sadd.s32 s29, s3;
	s7 =	sor.u32 $0x1C03, s31  }
0xf: {  	s12 =	sshll.u32 s15, $0x5;
	s25 =	sadd.s32 $0xFFFFFFFA, s15;
	p0 =	seq.s32 s15, $0x1F  }
0x10: {  	s6 =	sshrl.u32 s6, $0x3;
	s12 =	sadd.s32 s11, s12;
	s14 =	smax.u32 s14, $0x1  }
.Ltmp0:
0x11: {  	s15 =	sshrl.u32 s16, $0x3;
	s16 =	simm.s32 $0x3;
	(pc) =	sbr.rel .LBB2_1-.Ltmp0, $4  }
0x12: {  	p1 =	sgt.u32 s25, $0x13;
	s25 =	simm.s32 $0x2780;
	s30 =	sshrl.u32 s10, $0x3  }
0x13: {  	s13 =	sadd.s32 s6, s5;
	s5 =	sadd.s32 $0x2400, s8;
	s6 =	sadd.s32 s11, s30  }
0x14: {  	s11 =	sadd.s32 $0x13540, s12;
	s12 =	sadd.s32 $0x13550, s12;
	s13 =	sadd.s32 $0x29C00, s13  }
0x15: {  	s8 =	sadd.s32 $0x10, s6;
	s9 =	sadd.s32 $0x500, s6;
	s10 =	sadd.s32 $0x510, s6  }
.LBB2_6:
0x16: {  	[tilespmem:s21], [sflag:$0x2] =	stream.indirect.gather [hbm4b:s1+s17], $0x80, s28, s17, $0xb8;
	[tilespmem:$0x1E400] =	vst v63  }
0x17: {  	_ =	swait.ge [sflag:s22], $0x4000  }
0x18: {  	[sflag:s22] =	ssyncset.done $0x0  }
0x19: {  	[sflag:s22] =	ssyncadd.s32 $0xFFFFC000  }
0x1a: {  	[spmem:s3] =	stream.indirect.scatter.add.f32 [tilespmem:s20], [sflag:$0x3], $0x80, s24, s17, $0xb8;
	[tilespmem:$0x1E400] =	vst v63  }
0x1b: {  	_ =	swait.ge [sflag:s16], $0x4000  }
0x1c: {  	[sflag:s16] =	ssyncset.done $0x0  }
0x1d: {  	[sflag:s16] =	ssyncadd.s32 $0xFFFFC000  }
0x1e: {  	_ =	swait.ge [sflag:s23], $0x4000  }
0x1f: {  	[sflag:s23] =	ssyncset.done $0x0  }
0x20: {  	[sflag:s23] =	ssyncadd.s32 $0xFFFFC000  }
0x21: {  	[spmem:s3] =	stream.indirect.scatter.add.f32 [tilespmem:s21], [sflag:$0x3], $0x80, s25, s17, $0xb8;
	[tilespmem:$0x1E400] =	vst v63  }
0x22: {  	_ =	swait.ge [sflag:s16], $0x4000  }
0x23: {  	[sflag:s16] =	ssyncset.done $0x0  }
0x24: {  	s26 =	simm.s32 @!p1 $0x0;
	s28 =	simm.s32 @!p1 $0x3;
	[sflag:s16] =	ssyncadd.s32 $0xFFFFC000  }
0x25: {  	[tilespmem:s26], [sflag:$0x3] =	stream.linear.gather @!p1 [hbm4b:s11+s26], $0x80, $0x38;
	[tilespmem:$0x1E400] =	vst v63  }
0x26: {  	_ =	swait.ge @!p1 [sflag:s28], $0x80  }
0x27: {  	[sflag:s28] =	ssyncset.done @!p1 $0x0  }
0x28: {  	s29 =	simm.s32 @!p1 $0x1400;
	[sflag:s28] =	ssyncadd.s32 @!p1 $0xFFFFFF80  }
0x29: {  	[tilespmem:s29], [sflag:$0x3] =	stream.linear.gather @!p1 [hbm4b:s12+s26], $0x80, $0x38;
	[tilespmem:$0x1E400] =	vst v63  }
0x2a: {  	_ =	swait.ge @!p1 [sflag:s28], $0x80  }
0x2b: {  	[sflag:s28] =	ssyncset.done @!p1 $0x0  }
0x2c: {  	s30 =	simm.s32 @!p1 $0x80;
	s31 =	simm.s32 @!p1 $0x2800;
	[sflag:s28] =	ssyncadd.s32 @!p1 $0xFFFFFF80  }
0x2d: {  	[tilespmem:s31], [sflag:$0x1] =	stream.indirect.gather @!p1 [hbm4b:s1+s30], $0x80, s26, s30, $0xb8;
	[tilespmem:$0x1E400] =	vst v63  }
0x2e: {  	s26 =	simm.s32 @!p1 $0x1  }
0x2f: {  	_ =	swait.ge @!p1 [sflag:s26], $0x4000  }
0x30: {  	[sflag:s26] =	ssyncset.done @!p1 $0x0  }
0x31: {  	[sflag:s26] =	ssyncadd.s32 @!p1 $0xFFFFC000  }
0x32: {  	[spmem:s3] =	stream.indirect.scatter.add.f32 @!p1 [tilespmem:s31], [sflag:$0x3], $0x80, s29, s30, $0xb8;
	[tilespmem:$0x1E400] =	vst v63  }
0x33: {  	_ =	swait.ge @!p1 [sflag:s28], $0x4000  }
0x34: {  	[sflag:s28] =	ssyncset.done @!p1 $0x0  }
0x35: {  	[sflag:s28] =	ssyncadd.s32 @!p1 $0xFFFFC000  }
.LBB2_7:
0x36: {  	s4 =	sadd.s32 $0x1, s4  }
0x37: {  	p2 =	sne.s32 s4, s14  }
.Ltmp1:
0x38: {  	[bflag:$0x0] =	sbarrier.arrive $0xFFFF;
	(pc) =	sbr.rel @!p2 .LBB2_8-.Ltmp1, $4  }
0x39: {  	[hbm:s13], [sflag:s7] =	dma.local [spmem:s15], $0x2780  }
0x3a: {  	_ =	swait.ge [sflag:s16], $0x2780  }
0x3b: {  	[sflag:s16] =	ssyncset.done $0x0  }
0x3c: {  	[sflag:s16] =	ssyncadd.s32 $0xFFFFD880  }
.LBB2_1:
0x3d: {  	[spmem:s15], [sflag:s7] =	dma.local [hbm:s5], $0x2780  }
.Ltmp2:
0x3e: {  	_ =	swait.ge [sflag:s16], $0x2780;
	(pc) =	sbr.rel @p0 .LBB2_7-.Ltmp2, $3  }
0x3f: {  	[sflag:s16] =	ssyncset.done $0x0  }
0x40: {  	[sflag:s16] =	ssyncadd.s32 $0xFFFFD880  }
0x41: {  	[bflag:$0x0] =	sbarrier.arrive $0xFFFF;
	_ =	sdelay $0x1  }
0x42: {  	s26 =	simm.s32 $0x0  }
0x43: {  	[tilespmem:s26], [sflag:$0x3] =	stream.strided.gather [hbm4b:s6+s17], $0x1400, s18, s17, $0x38;
	[tilespmem:$0x1E400] =	vst v63  }
0x44: {  	_ =	swait.ge [sflag:s16], $0x1400  }
0x45: {  	[sflag:s16] =	ssyncset.done $0x0  }
0x46: {  	[sflag:s16] =	ssyncadd.s32 $0xFFFFEC00  }
0x47: {  	[tilespmem:s19], [sflag:$0x3] =	stream.strided.gather [hbm4b:s8+s17], $0x1400, s18, s17, $0x38;
	[tilespmem:$0x1E400] =	vst v63  }
0x48: {  	_ =	swait.ge [sflag:s16], $0x1400  }
0x49: {  	[sflag:s16] =	ssyncset.done $0x0  }
0x4a: {  	[sflag:s16] =	ssyncadd.s32 $0xFFFFEC00  }
0x4b: {  	[tilespmem:s20], [sflag:$0x1] =	stream.indirect.gather [hbm4b:s1+s17], $0x80, s26, s17, $0xb8;
	[tilespmem:$0x1E400] =	vst v63  }
0x4c: {  	_ = 	snop  }
0x4d: {  	[tilespmem:s21], [sflag:$0x2] =	stream.indirect.gather [hbm4b:s1+s17], $0x80, s17, s17, $0xb8;
	[tilespmem:$0x1E400] =	vst v63  }
0x4e: {  	_ =	swait.ge [sflag:s22], $0x4000  }
0x4f: {  	[sflag:s22] =	ssyncset.done $0x0  }
0x50: {  	s29 =	simm.s32 $0x1400;
	[sflag:s22] =	ssyncadd.s32 $0xFFFFC000  }
0x51: {  	[spmem:s3] =	stream.indirect.scatter.add.f32 [tilespmem:s20], [sflag:$0x3], $0x80, s29, s17, $0xb8;
	[tilespmem:$0x1E400] =	vst v63  }
0x52: {  	_ =	swait.ge [sflag:s16], $0x4000  }
0x53: {  	[sflag:s16] =	ssyncset.done $0x0  }
0x54: {  	s30 =	simm.s32 $0x100;
	[sflag:s16] =	ssyncadd.s32 $0xFFFFC000  }
0x55: {  	[tilespmem:s20], [sflag:$0x1] =	stream.indirect.gather [hbm4b:s1+s17], $0x80, s30, s17, $0xb8;
	[tilespmem:$0x1E400] =	vst v63  }
0x56: {  	_ =	swait.ge [sflag:s23], $0x4000  }
0x57: {  	[sflag:s23] =	ssyncset.done $0x0  }
0x58: {  	s31 =	simm.s32 $0x1480;
	[sflag:s23] =	ssyncadd.s32 $0xFFFFC000  }
0x59: {  	[spmem:s3] =	stream.indirect.scatter.add.f32 [tilespmem:s21], [sflag:$0x3], $0x80, s31, s17, $0xb8;
	[tilespmem:$0x1E400] =	vst v63  }
0x5a: {  	_ =	swait.ge [sflag:s16], $0x4000  }
0x5b: {  	[sflag:s16] =	ssyncset.done $0x0  }
0x5c: {  	s28 =	simm.s32 $0x180;
	s26 =	simm.s32 $0x400;
	[sflag:s16] =	ssyncadd.s32 $0xFFFFC000  }
.LBB2_3:
0x5d: {  	[tilespmem:s21], [sflag:$0x2] =	stream.indirect.gather [hbm4b:s1+s17], $0x80, s28, s17, $0xb8;
	[tilespmem:$0x1E400] =	vst v63  }
0x5e: {  	s28 =	smov.u32 s26  }
0x5f: {  	p2 =	sne.s32 s26, $0x4800;
	s26 =	sadd.s32 $0x400, s26;
	_ =	swait.ge [sflag:s22], $0x4000  }
0x60: {  	s28 =	sshra.s32 s28, $0x2;
	[sflag:s22] =	ssyncset.done $0x0  }
0x61: {  	s29 =	sadd.s32 $0x1400, s28;
	[sflag:s22] =	ssyncadd.s32 $0xFFFFC000  }
0x62: {  	[spmem:s3] =	stream.indirect.scatter.add.f32 [tilespmem:s20], [sflag:$0x3], $0x80, s29, s17, $0xb8;
	[tilespmem:$0x1E400] =	vst v63  }
0x63: {  	_ =	swait.ge [sflag:s16], $0x4000  }
0x64: {  	[sflag:s16] =	ssyncset.done $0x0  }
0x65: {  	s29 =	sadd.s32 $0x100, s28;
	[sflag:s16] =	ssyncadd.s32 $0xFFFFC000  }
0x66: {  	[tilespmem:s20], [sflag:$0x1] =	stream.indirect.gather [hbm4b:s1+s17], $0x80, s29, s17, $0xb8;
	[tilespmem:$0x1E400] =	vst v63  }
0x67: {  	_ =	swait.ge [sflag:s23], $0x4000  }
0x68: {  	[sflag:s23] =	ssyncset.done $0x0  }
.Ltmp3:
0x69: {  	s29 =	sadd.s32 $0x1480, s28;
	[sflag:s23] =	ssyncadd.s32 $0xFFFFC000;
	(pc) =	sbr.rel @p2 .LBB2_3-.Ltmp3, $4  }
0x6a: {  	[spmem:s3] =	stream.indirect.scatter.add.f32 [tilespmem:s21], [sflag:$0x3], $0x80, s29, s17, $0xb8;
	[tilespmem:$0x1E400] =	vst v63  }
0x6b: {  	_ =	swait.ge [sflag:s16], $0x4000  }
0x6c: {  	[sflag:s16] =	ssyncset.done $0x0  }
0x6d: {  	s28 =	sadd.s32 $0x180, s28;
	[sflag:s16] =	ssyncadd.s32 $0xFFFFC000  }
0x6e: {  	[tilespmem:s21], [sflag:$0x2] =	stream.indirect.gather [hbm4b:s1+s17], $0x80, s28, s17, $0xb8;
	[tilespmem:$0x1E400] =	vst v63  }
0x6f: {  	_ =	swait.ge [sflag:s22], $0x4000  }
0x70: {  	[sflag:s22] =	ssyncset.done $0x0  }
0x71: {  	[sflag:s22] =	ssyncadd.s32 $0xFFFFC000  }
0x72: {  	[spmem:s3] =	stream.indirect.scatter.add.f32 [tilespmem:s20], [sflag:$0x3], $0x80, s24, s17, $0xb8;
	[tilespmem:$0x1E400] =	vst v63  }
0x73: {  	_ =	swait.ge [sflag:s16], $0x4000  }
0x74: {  	[sflag:s16] =	ssyncset.done $0x0  }
0x75: {  	[sflag:s16] =	ssyncadd.s32 $0xFFFFC000  }
0x76: {  	_ =	swait.ge [sflag:s23], $0x4000  }
0x77: {  	[sflag:s23] =	ssyncset.done $0x0  }
0x78: {  	[sflag:s23] =	ssyncadd.s32 $0xFFFFC000  }
0x79: {  	[spmem:s3] =	stream.indirect.scatter.add.f32 [tilespmem:s21], [sflag:$0x3], $0x80, s25, s17, $0xb8;
	[tilespmem:$0x1E400] =	vst v63  }
0x7a: {  	_ =	swait.ge [sflag:s16], $0x4000  }
0x7b: {  	[sflag:s16] =	ssyncset.done $0x0  }
0x7c: {  	s26 =	simm.s32 $0x0;
	[sflag:s16] =	ssyncadd.s32 $0xFFFFC000  }
0x7d: {  	[tilespmem:s26], [sflag:$0x3] =	stream.strided.gather [hbm4b:s9+s17], $0x1400, s18, s17, $0x38;
	[tilespmem:$0x1E400] =	vst v63  }
0x7e: {  	_ =	swait.ge [sflag:s16], $0x1400  }
0x7f: {  	[sflag:s16] =	ssyncset.done $0x0  }
0x80: {  	[sflag:s16] =	ssyncadd.s32 $0xFFFFEC00  }
0x81: {  	[tilespmem:s19], [sflag:$0x3] =	stream.strided.gather [hbm4b:s10+s17], $0x1400, s18, s17, $0x38;
	[tilespmem:$0x1E400] =	vst v63  }
0x82: {  	_ =	swait.ge [sflag:s16], $0x1400  }
0x83: {  	[sflag:s16] =	ssyncset.done $0x0  }
0x84: {  	[sflag:s16] =	ssyncadd.s32 $0xFFFFEC00  }
0x85: {  	[tilespmem:s20], [sflag:$0x1] =	stream.indirect.gather [hbm4b:s1+s17], $0x80, s26, s17, $0xb8;
	[tilespmem:$0x1E400] =	vst v63  }
0x86: {  	_ = 	snop  }
0x87: {  	[tilespmem:s21], [sflag:$0x2] =	stream.indirect.gather [hbm4b:s1+s17], $0x80, s17, s17, $0xb8;
	[tilespmem:$0x1E400] =	vst v63  }
0x88: {  	_ =	swait.ge [sflag:s22], $0x4000  }
0x89: {  	[sflag:s22] =	ssyncset.done $0x0  }
0x8a: {  	s29 =	simm.s32 $0x1400;
	[sflag:s22] =	ssyncadd.s32 $0xFFFFC000  }
0x8b: {  	[spmem:s3] =	stream.indirect.scatter.add.f32 [tilespmem:s20], [sflag:$0x3], $0x80, s29, s17, $0xb8;
	[tilespmem:$0x1E400] =	vst v63  }
0x8c: {  	_ =	swait.ge [sflag:s16], $0x4000  }
0x8d: {  	[sflag:s16] =	ssyncset.done $0x0  }
0x8e: {  	s30 =	simm.s32 $0x100;
	[sflag:s16] =	ssyncadd.s32 $0xFFFFC000  }
0x8f: {  	[tilespmem:s20], [sflag:$0x1] =	stream.indirect.gather [hbm4b:s1+s17], $0x80, s30, s17, $0xb8;
	[tilespmem:$0x1E400] =	vst v63  }
0x90: {  	_ =	swait.ge [sflag:s23], $0x4000  }
0x91: {  	[sflag:s23] =	ssyncset.done $0x0  }
0x92: {  	s31 =	simm.s32 $0x1480;
	[sflag:s23] =	ssyncadd.s32 $0xFFFFC000  }
0x93: {  	[spmem:s3] =	stream.indirect.scatter.add.f32 [tilespmem:s21], [sflag:$0x3], $0x80, s31, s17, $0xb8;
	[tilespmem:$0x1E400] =	vst v63  }
0x94: {  	_ =	swait.ge [sflag:s16], $0x4000  }
0x95: {  	[sflag:s16] =	ssyncset.done $0x0  }
0x96: {  	s28 =	simm.s32 $0x180;
	s26 =	simm.s32 $0x400;
	[sflag:s16] =	ssyncadd.s32 $0xFFFFC000  }
.LBB2_5:
0x97: {  	[tilespmem:s21], [sflag:$0x2] =	stream.indirect.gather [hbm4b:s1+s17], $0x80, s28, s17, $0xb8;
	[tilespmem:$0x1E400] =	vst v63  }
0x98: {  	s28 =	smov.u32 s26  }
0x99: {  	p2 =	sne.s32 s26, $0x4800;
	s26 =	sadd.s32 $0x400, s26;
	_ =	swait.ge [sflag:s22], $0x4000  }
0x9a: {  	s28 =	sshra.s32 s28, $0x2;
	[sflag:s22] =	ssyncset.done $0x0  }
0x9b: {  	s29 =	sadd.s32 $0x1400, s28;
	[sflag:s22] =	ssyncadd.s32 $0xFFFFC000  }
0x9c: {  	[spmem:s3] =	stream.indirect.scatter.add.f32 [tilespmem:s20], [sflag:$0x3], $0x80, s29, s17, $0xb8;
	[tilespmem:$0x1E400] =	vst v63  }
0x9d: {  	_ =	swait.ge [sflag:s16], $0x4000  }
0x9e: {  	[sflag:s16] =	ssyncset.done $0x0  }
0x9f: {  	s29 =	sadd.s32 $0x100, s28;
	[sflag:s16] =	ssyncadd.s32 $0xFFFFC000  }
0xa0: {  	[tilespmem:s20], [sflag:$0x1] =	stream.indirect.gather [hbm4b:s1+s17], $0x80, s29, s17, $0xb8;
	[tilespmem:$0x1E400] =	vst v63  }
0xa1: {  	_ =	swait.ge [sflag:s23], $0x4000  }
0xa2: {  	[sflag:s23] =	ssyncset.done $0x0  }
.Ltmp4:
0xa3: {  	s29 =	sadd.s32 $0x1480, s28;
	[sflag:s23] =	ssyncadd.s32 $0xFFFFC000;
	(pc) =	sbr.rel @p2 .LBB2_5-.Ltmp4, $4  }
0xa4: {  	[spmem:s3] =	stream.indirect.scatter.add.f32 [tilespmem:s21], [sflag:$0x3], $0x80, s29, s17, $0xb8;
	[tilespmem:$0x1E400] =	vst v63  }
0xa5: {  	_ =	swait.ge [sflag:s16], $0x4000  }
0xa6: {  	[sflag:s16] =	ssyncset.done $0x0  }
0xa7: {  	s28 =	sadd.s32 $0x180, s28;
	[sflag:s16] =	ssyncadd.s32 $0xFFFFC000  }
.Ltmp5:
0xa8: {  	_ = 	snop;
	(pc) =	sbr.rel .LBB2_6-.Ltmp5, $1  }
0xa9: {  	_ =	sdelay $0x3  }
.LBB2_8:
0xaa: {  	_ =	sfence.sel $0x180000  }
0xab: {  	[bflag:$0x0] =	sbarrier.arrive $0xFFFF  }
0xac: {  	p0 =	sne.s32 s0, $0x0;
	_ =	strace $0x9000004A  }
0xad: {  	s0 =	sadd.s32 @!p0 $0x100000, s2;
	[bflag:$0x2] =	sbarrier.arrive $0xFFFF  }
0xae: {  	[sflag:s0] =	ssyncadd.tile.s32 @!p0 $0x1;
	_ =	shalt  }
.Lfunc_end2:
_tile_overlayer_lowered:
.L_overlay_start_2:
0xaf: {  	(tag) =	ssettag $0x2  }
0xb0: {  	s0 =	rddreg [dreg:$0x0];
	s2 =	stileid.u32  }
0xb1: {  	s1 =	rddreg [dreg:$0x1];
	p0 =	sne.s32 s2, $0x0  }
0xb2: {  	s3 =	rddreg [dreg:$0x2];
	[bflag:$0x3] =	sbarrier.arrive $0xFFFF;
	s2 =	simm.s32 @!p0 $0x1C03  }
0xb3: {  	[timem:s3], [sflag:s2] =	dma.local @!p0 [hbm:s0], s1  }
0xb4: {  	s0 =	simm.s32 @!p0 $0x3  }
0xb5: {  	_ =	swait.ge @!p0 [sflag:s0], s1  }
0xb6: {  	s1 =	ssub.s32 @!p0 $0x0, s1;
	[sflag:s0] =	ssyncset.done @!p0 $0x0  }
0xb7: {  	[sflag:s0] =	ssyncadd.s32 @!p0 s1  }
0xb8: {  	[bflag:$0x3] =	sbarrier.arrive $0xFFFF  }
0xb9: {  	_ =	shalt  }

// kernel: kernel.14.cloned.1.call-start
scs
__scs_entry_jumppad:
0x0: {  	(pc) =	sbr.rel $0x88, $3  }
0x1: {  	(tag) =	ssettag $0x0;
	lr =	simm.s32 $0x1  }
0x2: {  	[smem:$0x3F9B] =	sst lr;
	_ =	strace $0xD0000000  }
0x3: {  	_ = 	snop  }
0x4: {  	_ = 	snop  }
0x5: {  	_ = 	snop  }
0x6: {  	_ = 	snop  }
0x7: {  	_ = 	snop  }
__scs_overlays_trampoline_lowered:
0x8: {  	[smem:$0x3FAA] =	sst s0  }
0x9: {  	[smem:$0x3FAB] =	sst s1  }
0xa: {  	[smem:$0x3FAC] =	sst s2  }
0xb: {  	[smem:$0x3FAD] =	sst s3  }
0xc: {  	[smem:$0x3FAE] =	sst s4  }
0xd: {  	[smem:$0x3FAF] =	sst s5  }
0xe: {  	[smem:$0x3FB0] =	sst s6  }
0xf: {  	[smem:$0x3FB1] =	sst s7  }
0x10: {  	[smem:$0x3FB2] =	sst s8  }
0x11: {  	[smem:$0x3FB3] =	sst s9;
	s0 =	simm.s32 @!p0 $0x0  }
0x12: {  	s1 =	sld [smem:$0x3F99];
	s0 =	simm.s32 @p0 $0x1  }
0x13: {  	[smem:$0x3FB4] =	sst s0;
	s0 =	simm.s32 @!p1 $0x0  }
0x14: {  	s2 =	sld [smem:$0x3F98];
	s0 =	simm.s32 @p1 $0x1  }
0x15: {  	[smem:$0x3FB5] =	sst s0;
	s0 =	simm.s32 @!p2 $0x0  }
0x16: {  	s3 =	sld [smem:$0x3FDB];
	s0 =	simm.s32 @p2 $0x1  }
0x17: {  	s4 =	simm.s32 $0x1BF5;
	[smem:$0x3FB7] =	sst s0  }
0x18: {  	s0 =	sld [smem:$0x3F9A];
	_ =	swait.ge [sflag:s4], $0x0  }
0x19: {  	s7 =	sld [smem:$0x3F9B]  }
0x1a: {  	s8 =	sadd.s32 $0xFFFFE003, lr  }
0x1b: {  	s9 =	sadd.s32 $0xFFFFFEF7, lr;
	s5 =	simm.s32 $0xFFFFFFFF;
	p2 =	slt.u32 s8, $0xFFFFF086  }
0x1c: {  	p1 =	slt.u32 s9, $0xF7A;
	s5 =	simm.s32 @!p2 $0x0  }
0x1d: {  	s5 =	simm.s32 @p1 $0x1;
	p0 =	seq.s32 s7, s2  }
0x1e: {  	s7 =	smul.u32 @!p0 $0xF7A, s2;
	p2 =	seq.s32 @!p0 s5, $0x0  }
0x1f: {  	s9 =	smul.u32 $0xF7A, s1;
	s8 =	simm.s32 @!p0 $0x1BF5;
	p2 =	por !p2, p0  }
0x20: {  	[sflag:s8] =	ssyncset.s32 @!p0 $0xFFFFF086;
	s6 =	sadd.s32 @!p0 s3, s7;
	s7 =	simm.s32 @!p0 $0x108  }
0x21: {  	s3 =	sadd.s32 s3, s9;
	s6 =	sadd.s32 @!p0 $0x88, s6;
	s7 =	simm.s32 @p2 $0x1082  }
0x22: {  	[simem:s7], [sflag:s8] =	dma.local @!p0 [hbm:s6], $0xF7A  }
0x23: {  	s9 =	sor.u32 $0xD0000000, s2;
	s6 =	simm.s32 $0x108;
	_ =	swait.ge @!p0 [sflag:s8], $0x0  }
0x24: {  	s3 =	sadd.s32 $0x88, s3;
	s6 =	simm.s32 @!p1 $0x1082;
	[sflag:s4] =	ssyncset.s32 $0xFFFFF086  }
0x25: {  	[simem:s6], [sflag:s4] =	dma.local [hbm:s3], $0xF7A  }
0x26: {  	[smem:$0x3F9B] =	sst s1;
	(tag) =	ssettag s2;
	_ =	strace s9  }
0x27: {  	s1 =	sld [smem:$0x3FAB]  }
0x28: {  	s2 =	sld [smem:$0x3FAC]  }
0x29: {  	s4 =	sld [smem:$0x3FAE]  }
0x2a: {  	p0 =	seq.s32 s5, $0x0;
	s5 =	sld [smem:$0x3FAF]  }
0x2b: {  	s6 =	sld [smem:$0x3FB0]  }
0x2c: {  	s7 =	sld [smem:$0x3FB1]  }
0x2d: {  	s3 =	simm.s32 $0x108;
	s8 =	sld [smem:$0x3FB2]  }
0x2e: {  	s3 =	simm.s32 @!p0 $0x1082;
	s9 =	sld [smem:$0x3FB3]  }
0x2f: {  	lr =	sadd.s32 s0, s3;
	s0 =	sld [smem:$0x3FAA]  }
0x30: {  	s3 =	sld [smem:$0x3FAD]  }
0x31: {  	[smem:$0x3FB6] =	sst s10  }
0x32: {  	s10 =	sld [smem:$0x3FB4];
	_ =	sdelay $0x3  }
0x33: {  	p0 =	seq.s32 s10, $0x1;
	s10 =	sld [smem:$0x3FB6];
	_ =	sdelay $0x3  }
0x34: {  	[smem:$0x3FB6] =	sst s10  }
0x35: {  	s10 =	sld [smem:$0x3FB5];
	_ =	sdelay $0x3  }
0x36: {  	p1 =	seq.s32 s10, $0x1;
	s10 =	sld [smem:$0x3FB6];
	_ =	sdelay $0x3  }
0x37: {  	[smem:$0x3FB6] =	sst s10  }
0x38: {  	s10 =	sld [smem:$0x3FB7]  }
0x39: {  	_ = 	snop;
	(pc) =	sbr.ind lr, $3  }
0x3a: {  	_ = 	snop  }
0x3b: {  	_ = 	snop  }
0x3c: {  	p2 =	seq.s32 s10, $0x1;
	s10 =	sld [smem:$0x3FB6]  }
0x3d: {  	_ =	shalt  }
0x3e: {  	_ =	shalt  }
0x3f: {  	_ =	shalt  }
0x40: {  	_ =	shalt  }
0x41: {  	_ =	shalt  }
0x42: {  	_ =	shalt  }
0x43: {  	_ =	shalt  }
0x44: {  	_ =	shalt  }
0x45: {  	_ =	shalt  }
0x46: {  	_ =	shalt  }
0x47: {  	_ =	shalt  }
0x48: {  	_ =	shalt  }
0x49: {  	_ =	shalt  }
0x4a: {  	_ =	shalt  }
0x4b: {  	_ =	shalt  }
0x4c: {  	_ =	shalt  }
0x4d: {  	_ =	shalt  }
0x4e: {  	_ =	shalt  }
0x4f: {  	_ =	shalt  }
0x50: {  	_ =	shalt  }
0x51: {  	_ =	shalt  }
0x52: {  	_ =	shalt  }
0x53: {  	_ =	shalt  }
0x54: {  	_ =	shalt  }
0x55: {  	_ =	shalt  }
0x56: {  	_ =	shalt  }
0x57: {  	_ =	shalt  }
0x58: {  	_ =	shalt  }
0x59: {  	_ =	shalt  }
0x5a: {  	_ =	shalt  }
0x5b: {  	_ =	shalt  }
0x5c: {  	_ =	shalt  }
0x5d: {  	_ =	shalt  }
0x5e: {  	_ =	shalt  }
0x5f: {  	_ =	shalt  }
0x60: {  	_ =	shalt  }
0x61: {  	_ =	shalt  }
0x62: {  	_ =	shalt  }
0x63: {  	_ =	shalt  }
0x64: {  	_ =	shalt  }
0x65: {  	_ =	shalt  }
0x66: {  	_ =	shalt  }
0x67: {  	_ =	shalt  }
0x68: {  	_ =	shalt  }
0x69: {  	_ =	shalt  }
0x6a: {  	_ =	shalt  }
0x6b: {  	_ =	shalt  }
0x6c: {  	_ =	shalt  }
0x6d: {  	_ =	shalt  }
0x6e: {  	_ =	shalt  }
0x6f: {  	_ =	shalt  }
0x70: {  	_ =	shalt  }
0x71: {  	_ =	shalt  }
0x72: {  	_ =	shalt  }
0x73: {  	_ =	shalt  }
0x74: {  	_ =	shalt  }
0x75: {  	_ =	shalt  }
0x76: {  	_ =	shalt  }
0x77: {  	_ =	shalt  }
0x78: {  	_ =	shalt  }
0x79: {  	_ =	shalt  }
0x7a: {  	_ =	shalt  }
0x7b: {  	_ =	shalt  }
0x7c: {  	_ =	shalt  }
0x7d: {  	_ =	shalt  }
0x7e: {  	_ =	shalt  }
0x7f: {  	_ =	shalt  }
0x80: {  	_ =	shalt  }
0x81: {  	_ =	shalt  }
0x82: {  	_ =	shalt  }
0x83: {  	_ =	shalt  }
0x84: {  	_ =	shalt  }
0x85: {  	_ =	shalt  }
0x86: {  	_ =	shalt  }
0x87: {  	_ =	shalt  }
.Lfunc_end0:
.L_simem_size_0:
called_computation.2_lowered:
.L_overlay_start_0:
0x88: {  	s2 =	sld [smem:$0x3FD9]  }
0x89: {  	s3 =	sld [smem:$0x3FFE];
	_ =	sdelay $0x1  }
0x8a: {  	s1 =	srdreg.scid  }
0x8b: {  	s0 =	sand.u32 $0x1, s1  }
0x8c: {  	s14 =	sshll.u32 s0, $0xA;
	s2 =	sadd.s32 s3, s2  }
0x8d: {  	s2 =	sadd.s32 s2, s14  }
0x8e: {  	[smem:$0x3FC2] =	sst s2  }
0x8f: {  	_ = 	snop  }
0x90: {  	s2 =	sld [smem:$0x3FD0];
	_ =	sdelay $0x2  }
0x91: {  	s4 =	simm.s32 $0xA;
	s5 =	simm.s32 $0x10;
	s15 =	sld [smem:$0x3FC8]  }
0x92: {  	[smem:s5], [sflag:s4] =	dma.local [hbm:s2], $0x1  }
0x93: {  	_ =	swait.eq [sflag:s4], $0x1  }
0x94: {  	[sflag:s4] =	ssyncset.done $0x0  }
0x95: {  	[sflag:s4] =	ssyncadd.s32 $0xFFFFFFFF  }
0x96: {  	s16 =	sld [smem:$0x10];
	(tm) =	ssettm $0x1  }
0x97: {  	s17 =	sld [smem:$0x3FFB];
	_ =	sdelay $0x3  }
0x98: {  	_ =	strace s17  }
0x99: {  	s4 =	sld [smem:$0x3FFC];
	_ =	sdelay $0x3  }
0x9a: {  	_ =	strace s4  }
0x9b: {  	s4 =	sld [smem:$0x3FFD];
	_ =	sdelay $0x3  }
0x9c: {  	_ =	strace s4  }
0x9d: {  	_ =	strace $0x8FFFFFFF  }
0x9e: {  	s18 =	sld [smem:$0x3FDB];
	_ =	sdelay $0x1  }
0x9f: {  	s19 =	simm.s32 $_scs_section_size  }
0xa0: {  	s6 =	simm.s32 $_size__tile_overlayer_lowered;
	s7 =	simm.s32 $_tile_overlayer_lowered  }
0xa1: {  	s22 =	simm.s32 $0x1BFF;
	s21 =	sshll.u32 s7, $0x1;
	s4 =	sadd.s32 s19, s18  }
0xa2: {  	s8 =	simm.s32 $0x0;
	s20 =	sshll.u32 s6, $0x1;
	s6 =	sadd.s32 s21, s4  }
0xa3: {  	[timem:s8], [sflag:s22] =	dma.local [hbm:s6], s20  }
0xa4: {  	_ =	swait.ge [sflag:s22], s20  }
0xa5: {  	s5 =	ssub.s32 $0x0, s20;
	[sflag:s22] =	ssyncset.done $0x0  }
0xa6: {  	[sflag:s22] =	ssyncadd.s32 s5;
	_ =	sdelay $0x1  }
0xa7: {  	s23 =	simm.s32 $0x1B8B  }
0xa8: {  	_ =	swait.ge [sflag:s23], $0x1  }
0xa9: {  	[sflag:s23] =	ssyncset.done $0x0  }
0xaa: {  	s25 =	simm.s32 $0x1B8E;
	s24 =	sld [smem:$0x3FFE];
	[sflag:s23] =	ssyncadd.s32 $0xFFFFFFFF  }
0xab: {  	s26 =	simm.s32 $execute0_lowered;
	[smem:$0x3FD2] =	sst s25  }
0xac: {  	s6 =	sshll.u32 s26, $0x1;
	_ =	strace $0x8000004C;
	[dreg:$0x1] =	wrdreg $0xFFFFFFFF  }
0xad: {  	s28 =	simm.s32 $_size_execute0_lowered;
	s4 =	sadd.s32 s4, s6;
	[dreg:$0x0] =	wrdreg $0x0  }
0xae: {  	s6 =	sshll.u32 s28, $0x1;
	[dreg:$0x2] =	wrdreg s4  }
0xaf: {  	[dreg:$0x3] =	wrdreg s6  }
0xb0: {  	[dreg:$0x4] =	wrdreg $0xC0  }
0xb1: {  	_ =	task [dreg:s8], $0x5FFFF  }
0xb2: {  	[dreg:$0x1] =	wrdreg $0xFFFFFFFF  }
0xb3: {  	[dreg:$0x0] =	wrdreg $0x60  }
0xb4: {  	[dreg:$0x2] =	wrdreg s16  }
0xb5: {  	[dreg:$0x3] =	wrdreg s15  }
0xb6: {  	[dreg:$0x4] =	wrdreg s24  }
0xb7: {  	[dreg:$0x5] =	wrdreg $0xA8000  }
0xb8: {  	[dreg:$0x6] =	wrdreg $0x9  }
0xb9: {  	_ =	task.clear_ibuf [dreg:s8], $0x7FFFF;
	_ =	strace $0x9000004C  }
0xba: {  	s29 =	simm.s32 $0x9;
	_ =	strace $0x8000004E  }
0xbb: {  	_ =	swait.ge [sflag:s29], $0x1  }
0xbc: {  	[sflag:s29] =	ssyncadd.s32 $0xFFFFFFFF  }
0xbd: {  	_ =	strace $0x9000004E  }
0xbe: {  	_ =	sfence  }
0xbf: {  	s30 =	sld [smem:$0x0];
	_ =	sdelay $0x2  }
0xc0: {  	s31 =	sshll.u32 s1, $0xD;
	s1 =	sshrl.u32 s1, $0x2  }
0xc1: {  	s3 =	sand.u32 $0x4000, s31;
	s1 =	sadd.s32 s1, s30  }
0xc2: {  	s0 =	sor.u32 s3, s0;
	s1 =	sshll.u32 s1, $0x11  }
0xc3: {  	s0 =	sor.u32 s1, s0  }
0xc4: {  	s0 =	sadd.s32 $0x8F2B, s0  }
0xc5: {  	[sflag:s0] =	ssyncadd.remote.s32 $0x1  }
0xc6: {  	_ =	sfence.sel $0xFFFF  }
0xc7: {  	[dreg:$0x0] =	wrdreg $0xFFFFFFFF;
	(pc) =	sbr.abs _section_cstart, $3  }
0xc8: {  	[dreg:$0x1] =	wrdreg $0xFFFFFFFF  }
0xc9: {  	_ =	task.clear_ibuf [dreg:s8], $0x2FFFF;
	_ =	strace $0x9FFFFFFF  }
0xca: {  	(tm) =	ssettm $0x7FFFFFFF  }
0xcb: {  	_ =	shalt  }
tec
execute0_lowered:
.L_overlay_start_1:
0x0: {  	(tag) =	ssettag $0x1  }
0x1: {  	s1 =	rddreg [dreg:$0x0]  }
0x2: {  	s11 =	rddreg [dreg:$0x1]  }
0x3: {  	s5 =	rddreg [dreg:$0x2]  }
0x4: {  	s3 =	rddreg [dreg:$0x3];
	s0 =	stileid.u32  }
0x5: {  	s7 =	srdreg.scid;
	s2 =	rddreg [dreg:$0x4];
	s4 =	simm.s32 $0x0  }
0x6: {  	s17 =	simm.s32 $0x80;
	s18 =	simm.s32 $0x100;
	s19 =	simm.s32 $0x1400  }
0x7: {  	s20 =	simm.s32 $0x2800;
	s21 =	simm.s32 $0x6800;
	s22 =	simm.s32 $0x1  }
0x8: {  	s23 =	simm.s32 $0x2;
	s24 =	simm.s32 $0x2700;
	s6 =	smul.u32 $0x13C00, s0  }
0x9: {  	s7 =	sand.u32 $0x1, s7;
	[smem:$0x7FF] =	sst s4;
	s26 =	smul.u32 $0x4F000, s0  }
0xa: {  	s31 =	sshll.u32 s0, $0x6;
	s9 =	smul.u32 $0x13C000, s7;
	_ =	strace $0x8000004D  }
0xb: {  	s10 =	sshll.u32 s7, $0x4;
	s7 =	ssub.s32 $0x2, s7;
	s8 =	sshrl.u32 s6, $0x3  }
0xc: {  	s15 =	sor.u32 s0, s10;
	s28 =	sshrl.u32 s7, $0x1;
	s29 =	sshrl.u32 s26, $0x2  }
0xd: {  	s8 =	sadd.s32 s8, s5;
	s6 =	sadd.s32 s6, s9;
	s10 =	smul.u32 $0x5000, s15  }
0xe: {  	s14 =	ssub.s32 s7, s28;
	s16 =	sadd.s32 s29, s3;
	s7 =	sor.u32 $0x1C03, s31  }
0xf: {  	s12 =	sshll.u32 s15, $0x5;
	s25 =	sadd.s32 $0xFFFFFFFA, s15;
	p0 =	seq.s32 s15, $0x1F  }
0x10: {  	s6 =	sshrl.u32 s6, $0x3;
	s12 =	sadd.s32 s11, s12;
	s14 =	smax.u32 s14, $0x1  }
.Ltmp0:
0x11: {  	s15 =	sshrl.u32 s16, $0x3;
	s16 =	simm.s32 $0x3;
	(pc) =	sbr.rel .LBB2_1-.Ltmp0, $4  }
0x12: {  	p1 =	sgt.u32 s25, $0x13;
	s25 =	simm.s32 $0x2780;
	s30 =	sshrl.u32 s10, $0x3  }
0x13: {  	s13 =	sadd.s32 s6, s5;
	s5 =	sadd.s32 $0x2400, s8;
	s6 =	sadd.s32 s11, s30  }
0x14: {  	s11 =	sadd.s32 $0x13540, s12;
	s12 =	sadd.s32 $0x13550, s12;
	s13 =	sadd.s32 $0x29C00, s13  }
0x15: {  	s8 =	sadd.s32 $0x10, s6;
	s9 =	sadd.s32 $0x500, s6;
	s10 =	sadd.s32 $0x510, s6  }
.LBB2_6:
0x16: {  	[tilespmem:s21], [sflag:$0x2] =	stream.indirect.gather [hbm4b:s1+s17], $0x80, s28, s17, $0xb8;
	[tilespmem:$0x1E400] =	vst v63  }
0x17: {  	_ =	swait.ge [sflag:s22], $0x4000  }
0x18: {  	[sflag:s22] =	ssyncset.done $0x0  }
0x19: {  	[sflag:s22] =	ssyncadd.s32 $0xFFFFC000  }
0x1a: {  	[spmem:s3] =	stream.indirect.scatter.add.f32 [tilespmem:s20], [sflag:$0x3], $0x80, s24, s17, $0xb8;
	[tilespmem:$0x1E400] =	vst v63  }
0x1b: {  	_ =	swait.ge [sflag:s16], $0x4000  }
0x1c: {  	[sflag:s16] =	ssyncset.done $0x0  }
0x1d: {  	[sflag:s16] =	ssyncadd.s32 $0xFFFFC000  }
0x1e: {  	_ =	swait.ge [sflag:s23], $0x4000  }
0x1f: {  	[sflag:s23] =	ssyncset.done $0x0  }
0x20: {  	[sflag:s23] =	ssyncadd.s32 $0xFFFFC000  }
0x21: {  	[spmem:s3] =	stream.indirect.scatter.add.f32 [tilespmem:s21], [sflag:$0x3], $0x80, s25, s17, $0xb8;
	[tilespmem:$0x1E400] =	vst v63  }
0x22: {  	_ =	swait.ge [sflag:s16], $0x4000  }
0x23: {  	[sflag:s16] =	ssyncset.done $0x0  }
0x24: {  	s26 =	simm.s32 @!p1 $0x0;
	s28 =	simm.s32 @!p1 $0x3;
	[sflag:s16] =	ssyncadd.s32 $0xFFFFC000  }
0x25: {  	[tilespmem:s26], [sflag:$0x3] =	stream.linear.gather @!p1 [hbm4b:s11+s26], $0x80, $0x38;
	[tilespmem:$0x1E400] =	vst v63  }
0x26: {  	_ =	swait.ge @!p1 [sflag:s28], $0x80  }
0x27: {  	[sflag:s28] =	ssyncset.done @!p1 $0x0  }
0x28: {  	s29 =	simm.s32 @!p1 $0x1400;
	[sflag:s28] =	ssyncadd.s32 @!p1 $0xFFFFFF80  }
0x29: {  	[tilespmem:s29], [sflag:$0x3] =	stream.linear.gather @!p1 [hbm4b:s12+s26], $0x80, $0x38;
	[tilespmem:$0x1E400] =	vst v63  }
0x2a: {  	_ =	swait.ge @!p1 [sflag:s28], $0x80  }
0x2b: {  	[sflag:s28] =	ssyncset.done @!p1 $0x0  }
0x2c: {  	s30 =	simm.s32 @!p1 $0x80;
	s31 =	simm.s32 @!p1 $0x2800;
	[sflag:s28] =	ssyncadd.s32 @!p1 $0xFFFFFF80  }
0x2d: {  	[tilespmem:s31], [sflag:$0x1] =	stream.indirect.gather @!p1 [hbm4b:s1+s30], $0x80, s26, s30, $0xb8;
	[tilespmem:$0x1E400] =	vst v63  }
0x2e: {  	s26 =	simm.s32 @!p1 $0x1  }
0x2f: {  	_ =	swait.ge @!p1 [sflag:s26], $0x4000  }
0x30: {  	[sflag:s26] =	ssyncset.done @!p1 $0x0  }
0x31: {  	[sflag:s26] =	ssyncadd.s32 @!p1 $0xFFFFC000  }
0x32: {  	[spmem:s3] =	stream.indirect.scatter.add.f32 @!p1 [tilespmem:s31], [sflag:$0x3], $0x80, s29, s30, $0xb8;
	[tilespmem:$0x1E400] =	vst v63  }
0x33: {  	_ =	swait.ge @!p1 [sflag:s28], $0x4000  }
0x34: {  	[sflag:s28] =	ssyncset.done @!p1 $0x0  }
0x35: {  	[sflag:s28] =	ssyncadd.s32 @!p1 $0xFFFFC000  }
.LBB2_7:
0x36: {  	s4 =	sadd.s32 $0x1, s4  }
0x37: {  	p2 =	sne.s32 s4, s14  }
.Ltmp1:
0x38: {  	[bflag:$0x0] =	sbarrier.arrive $0xFFFF;
	(pc) =	sbr.rel @!p2 .LBB2_8-.Ltmp1, $4  }
0x39: {  	[hbm:s13], [sflag:s7] =	dma.local [spmem:s15], $0x2780  }
0x3a: {  	_ =	swait.ge [sflag:s16], $0x2780  }
0x3b: {  	[sflag:s16] =	ssyncset.done $0x0  }
0x3c: {  	[sflag:s16] =	ssyncadd.s32 $0xFFFFD880  }
.LBB2_1:
0x3d: {  	[spmem:s15], [sflag:s7] =	dma.local [hbm:s5], $0x2780  }
.Ltmp2:
0x3e: {  	_ =	swait.ge [sflag:s16], $0x2780;
	(pc) =	sbr.rel @p0 .LBB2_7-.Ltmp2, $3  }
0x3f: {  	[sflag:s16] =	ssyncset.done $0x0  }
0x40: {  	[sflag:s16] =	ssyncadd.s32 $0xFFFFD880  }
0x41: {  	[bflag:$0x0] =	sbarrier.arrive $0xFFFF;
	_ =	sdelay $0x1  }
0x42: {  	s26 =	simm.s32 $0x0  }
0x43: {  	[tilespmem:s26], [sflag:$0x3] =	stream.strided.gather [hbm4b:s6+s17], $0x1400, s18, s17, $0x38;
	[tilespmem:$0x1E400] =	vst v63  }
0x44: {  	_ =	swait.ge [sflag:s16], $0x1400  }
0x45: {  	[sflag:s16] =	ssyncset.done $0x0  }
0x46: {  	[sflag:s16] =	ssyncadd.s32 $0xFFFFEC00  }
0x47: {  	[tilespmem:s19], [sflag:$0x3] =	stream.strided.gather [hbm4b:s8+s17], $0x1400, s18, s17, $0x38;
	[tilespmem:$0x1E400] =	vst v63  }
0x48: {  	_ =	swait.ge [sflag:s16], $0x1400  }
0x49: {  	[sflag:s16] =	ssyncset.done $0x0  }
0x4a: {  	[sflag:s16] =	ssyncadd.s32 $0xFFFFEC00  }
0x4b: {  	[tilespmem:s20], [sflag:$0x1] =	stream.indirect.gather [hbm4b:s1+s17], $0x80, s26, s17, $0xb8;
	[tilespmem:$0x1E400] =	vst v63  }
0x4c: {  	_ = 	snop  }
0x4d: {  	[tilespmem:s21], [sflag:$0x2] =	stream.indirect.gather [hbm4b:s1+s17], $0x80, s17, s17, $0xb8;
	[tilespmem:$0x1E400] =	vst v63  }
0x4e: {  	_ =	swait.ge [sflag:s22], $0x4000  }
0x4f: {  	[sflag:s22] =	ssyncset.done $0x0  }
0x50: {  	s29 =	simm.s32 $0x1400;
	[sflag:s22] =	ssyncadd.s32 $0xFFFFC000  }
0x51: {  	[spmem:s3] =	stream.indirect.scatter.add.f32 [tilespmem:s20], [sflag:$0x3], $0x80, s29, s17, $0xb8;
	[tilespmem:$0x1E400] =	vst v63  }
0x52: {  	_ =	swait.ge [sflag:s16], $0x4000  }
0x53: {  	[sflag:s16] =	ssyncset.done $0x0  }
0x54: {  	s30 =	simm.s32 $0x100;
	[sflag:s16] =	ssyncadd.s32 $0xFFFFC000  }
0x55: {  	[tilespmem:s20], [sflag:$0x1] =	stream.indirect.gather [hbm4b:s1+s17], $0x80, s30, s17, $0xb8;
	[tilespmem:$0x1E400] =	vst v63  }
0x56: {  	_ =	swait.ge [sflag:s23], $0x4000  }
0x57: {  	[sflag:s23] =	ssyncset.done $0x0  }
0x58: {  	s31 =	simm.s32 $0x1480;
	[sflag:s23] =	ssyncadd.s32 $0xFFFFC000  }
0x59: {  	[spmem:s3] =	stream.indirect.scatter.add.f32 [tilespmem:s21], [sflag:$0x3], $0x80, s31, s17, $0xb8;
	[tilespmem:$0x1E400] =	vst v63  }
0x5a: {  	_ =	swait.ge [sflag:s16], $0x4000  }
0x5b: {  	[sflag:s16] =	ssyncset.done $0x0  }
0x5c: {  	s28 =	simm.s32 $0x180;
	s26 =	simm.s32 $0x400;
	[sflag:s16] =	ssyncadd.s32 $0xFFFFC000  }
.LBB2_3:
0x5d: {  	[tilespmem:s21], [sflag:$0x2] =	stream.indirect.gather [hbm4b:s1+s17], $0x80, s28, s17, $0xb8;
	[tilespmem:$0x1E400] =	vst v63  }
0x5e: {  	s28 =	smov.u32 s26  }
0x5f: {  	p2 =	sne.s32 s26, $0x4800;
	s26 =	sadd.s32 $0x400, s26;
	_ =	swait.ge [sflag:s22], $0x4000  }
0x60: {  	s28 =	sshra.s32 s28, $0x2;
	[sflag:s22] =	ssyncset.done $0x0  }
0x61: {  	s29 =	sadd.s32 $0x1400, s28;
	[sflag:s22] =	ssyncadd.s32 $0xFFFFC000  }
0x62: {  	[spmem:s3] =	stream.indirect.scatter.add.f32 [tilespmem:s20], [sflag:$0x3], $0x80, s29, s17, $0xb8;
	[tilespmem:$0x1E400] =	vst v63  }
0x63: {  	_ =	swait.ge [sflag:s16], $0x4000  }
0x64: {  	[sflag:s16] =	ssyncset.done $0x0  }
0x65: {  	s29 =	sadd.s32 $0x100, s28;
	[sflag:s16] =	ssyncadd.s32 $0xFFFFC000  }
0x66: {  	[tilespmem:s20], [sflag:$0x1] =	stream.indirect.gather [hbm4b:s1+s17], $0x80, s29, s17, $0xb8;
	[tilespmem:$0x1E400] =	vst v63  }
0x67: {  	_ =	swait.ge [sflag:s23], $0x4000  }
0x68: {  	[sflag:s23] =	ssyncset.done $0x0  }
.Ltmp3:
0x69: {  	s29 =	sadd.s32 $0x1480, s28;
	[sflag:s23] =	ssyncadd.s32 $0xFFFFC000;
	(pc) =	sbr.rel @p2 .LBB2_3-.Ltmp3, $4  }
0x6a: {  	[spmem:s3] =	stream.indirect.scatter.add.f32 [tilespmem:s21], [sflag:$0x3], $0x80, s29, s17, $0xb8;
	[tilespmem:$0x1E400] =	vst v63  }
0x6b: {  	_ =	swait.ge [sflag:s16], $0x4000  }
0x6c: {  	[sflag:s16] =	ssyncset.done $0x0  }
0x6d: {  	s28 =	sadd.s32 $0x180, s28;
	[sflag:s16] =	ssyncadd.s32 $0xFFFFC000  }
0x6e: {  	[tilespmem:s21], [sflag:$0x2] =	stream.indirect.gather [hbm4b:s1+s17], $0x80, s28, s17, $0xb8;
	[tilespmem:$0x1E400] =	vst v63  }
0x6f: {  	_ =	swait.ge [sflag:s22], $0x4000  }
0x70: {  	[sflag:s22] =	ssyncset.done $0x0  }
0x71: {  	[sflag:s22] =	ssyncadd.s32 $0xFFFFC000  }
0x72: {  	[spmem:s3] =	stream.indirect.scatter.add.f32 [tilespmem:s20], [sflag:$0x3], $0x80, s24, s17, $0xb8;
	[tilespmem:$0x1E400] =	vst v63  }
0x73: {  	_ =	swait.ge [sflag:s16], $0x4000  }
0x74: {  	[sflag:s16] =	ssyncset.done $0x0  }
0x75: {  	[sflag:s16] =	ssyncadd.s32 $0xFFFFC000  }
0x76: {  	_ =	swait.ge [sflag:s23], $0x4000  }
0x77: {  	[sflag:s23] =	ssyncset.done $0x0  }
0x78: {  	[sflag:s23] =	ssyncadd.s32 $0xFFFFC000  }
0x79: {  	[spmem:s3] =	stream.indirect.scatter.add.f32 [tilespmem:s21], [sflag:$0x3], $0x80, s25, s17, $0xb8;
	[tilespmem:$0x1E400] =	vst v63  }
0x7a: {  	_ =	swait.ge [sflag:s16], $0x4000  }
0x7b: {  	[sflag:s16] =	ssyncset.done $0x0  }
0x7c: {  	s26 =	simm.s32 $0x0;
	[sflag:s16] =	ssyncadd.s32 $0xFFFFC000  }
0x7d: {  	[tilespmem:s26], [sflag:$0x3] =	stream.strided.gather [hbm4b:s9+s17], $0x1400, s18, s17, $0x38;
	[tilespmem:$0x1E400] =	vst v63  }
0x7e: {  	_ =	swait.ge [sflag:s16], $0x1400  }
0x7f: {  	[sflag:s16] =	ssyncset.done $0x0  }
0x80: {  	[sflag:s16] =	ssyncadd.s32 $0xFFFFEC00  }
0x81: {  	[tilespmem:s19], [sflag:$0x3] =	stream.strided.gather [hbm4b:s10+s17], $0x1400, s18, s17, $0x38;
	[tilespmem:$0x1E400] =	vst v63  }
0x82: {  	_ =	swait.ge [sflag:s16], $0x1400  }
0x83: {  	[sflag:s16] =	ssyncset.done $0x0  }
0x84: {  	[sflag:s16] =	ssyncadd.s32 $0xFFFFEC00  }
0x85: {  	[tilespmem:s20], [sflag:$0x1] =	stream.indirect.gather [hbm4b:s1+s17], $0x80, s26, s17, $0xb8;
	[tilespmem:$0x1E400] =	vst v63  }
0x86: {  	_ = 	snop  }
0x87: {  	[tilespmem:s21], [sflag:$0x2] =	stream.indirect.gather [hbm4b:s1+s17], $0x80, s17, s17, $0xb8;
	[tilespmem:$0x1E400] =	vst v63  }
0x88: {  	_ =	swait.ge [sflag:s22], $0x4000  }
0x89: {  	[sflag:s22] =	ssyncset.done $0x0  }
0x8a: {  	s29 =	simm.s32 $0x1400;
	[sflag:s22] =	ssyncadd.s32 $0xFFFFC000  }
0x8b: {  	[spmem:s3] =	stream.indirect.scatter.add.f32 [tilespmem:s20], [sflag:$0x3], $0x80, s29, s17, $0xb8;
	[tilespmem:$0x1E400] =	vst v63  }
0x8c: {  	_ =	swait.ge [sflag:s16], $0x4000  }
0x8d: {  	[sflag:s16] =	ssyncset.done $0x0  }
0x8e: {  	s30 =	simm.s32 $0x100;
	[sflag:s16] =	ssyncadd.s32 $0xFFFFC000  }
0x8f: {  	[tilespmem:s20], [sflag:$0x1] =	stream.indirect.gather [hbm4b:s1+s17], $0x80, s30, s17, $0xb8;
	[tilespmem:$0x1E400] =	vst v63  }
0x90: {  	_ =	swait.ge [sflag:s23], $0x4000  }
0x91: {  	[sflag:s23] =	ssyncset.done $0x0  }
0x92: {  	s31 =	simm.s32 $0x1480;
	[sflag:s23] =	ssyncadd.s32 $0xFFFFC000  }
0x93: {  	[spmem:s3] =	stream.indirect.scatter.add.f32 [tilespmem:s21], [sflag:$0x3], $0x80, s31, s17, $0xb8;
	[tilespmem:$0x1E400] =	vst v63  }
0x94: {  	_ =	swait.ge [sflag:s16], $0x4000  }
0x95: {  	[sflag:s16] =	ssyncset.done $0x0  }
0x96: {  	s28 =	simm.s32 $0x180;
	s26 =	simm.s32 $0x400;
	[sflag:s16] =	ssyncadd.s32 $0xFFFFC000  }
.LBB2_5:
0x97: {  	[tilespmem:s21], [sflag:$0x2] =	stream.indirect.gather [hbm4b:s1+s17], $0x80, s28, s17, $0xb8;
	[tilespmem:$0x1E400] =	vst v63  }
0x98: {  	s28 =	smov.u32 s26  }
0x99: {  	p2 =	sne.s32 s26, $0x4800;
	s26 =	sadd.s32 $0x400, s26;
	_ =	swait.ge [sflag:s22], $0x4000  }
0x9a: {  	s28 =	sshra.s32 s28, $0x2;
	[sflag:s22] =	ssyncset.done $0x0  }
0x9b: {  	s29 =	sadd.s32 $0x1400, s28;
	[sflag:s22] =	ssyncadd.s32 $0xFFFFC000  }
0x9c: {  	[spmem:s3] =	stream.indirect.scatter.add.f32 [tilespmem:s20], [sflag:$0x3], $0x80, s29, s17, $0xb8;
	[tilespmem:$0x1E400] =	vst v63  }
0x9d: {  	_ =	swait.ge [sflag:s16], $0x4000  }
0x9e: {  	[sflag:s16] =	ssyncset.done $0x0  }
0x9f: {  	s29 =	sadd.s32 $0x100, s28;
	[sflag:s16] =	ssyncadd.s32 $0xFFFFC000  }
0xa0: {  	[tilespmem:s20], [sflag:$0x1] =	stream.indirect.gather [hbm4b:s1+s17], $0x80, s29, s17, $0xb8;
	[tilespmem:$0x1E400] =	vst v63  }
0xa1: {  	_ =	swait.ge [sflag:s23], $0x4000  }
0xa2: {  	[sflag:s23] =	ssyncset.done $0x0  }
.Ltmp4:
0xa3: {  	s29 =	sadd.s32 $0x1480, s28;
	[sflag:s23] =	ssyncadd.s32 $0xFFFFC000;
	(pc) =	sbr.rel @p2 .LBB2_5-.Ltmp4, $4  }
0xa4: {  	[spmem:s3] =	stream.indirect.scatter.add.f32 [tilespmem:s21], [sflag:$0x3], $0x80, s29, s17, $0xb8;
	[tilespmem:$0x1E400] =	vst v63  }
0xa5: {  	_ =	swait.ge [sflag:s16], $0x4000  }
0xa6: {  	[sflag:s16] =	ssyncset.done $0x0  }
0xa7: {  	s28 =	sadd.s32 $0x180, s28;
	[sflag:s16] =	ssyncadd.s32 $0xFFFFC000  }
.Ltmp5:
0xa8: {  	_ = 	snop;
	(pc) =	sbr.rel .LBB2_6-.Ltmp5, $1  }
0xa9: {  	_ =	sdelay $0x3  }
.LBB2_8:
0xaa: {  	_ =	sfence.sel $0x180000  }
0xab: {  	[bflag:$0x0] =	sbarrier.arrive $0xFFFF  }
0xac: {  	p0 =	sne.s32 s0, $0x0;
	_ =	strace $0x9000004D  }
0xad: {  	s0 =	sadd.s32 @!p0 $0x100000, s2;
	[bflag:$0x2] =	sbarrier.arrive $0xFFFF  }
0xae: {  	[sflag:s0] =	ssyncadd.tile.s32 @!p0 $0x1;
	_ =	shalt  }
.Lfunc_end2:
_tile_overlayer_lowered:
.L_overlay_start_2:
0xaf: {  	(tag) =	ssettag $0x2  }
0xb0: {  	s0 =	rddreg [dreg:$0x0];
	s2 =	stileid.u32  }
0xb1: {  	s1 =	rddreg [dreg:$0x1];
	p0 =	sne.s32 s2, $0x0  }
0xb2: {  	s3 =	rddreg [dreg:$0x2];
	[bflag:$0x3] =	sbarrier.arrive $0xFFFF;
	s2 =	simm.s32 @!p0 $0x1C03  }
0xb3: {  	[timem:s3], [sflag:s2] =	dma.local @!p0 [hbm:s0], s1  }
0xb4: {  	s0 =	simm.s32 @!p0 $0x3  }
0xb5: {  	_ =	swait.ge @!p0 [sflag:s0], s1  }
0xb6: {  	s1 =	ssub.s32 @!p0 $0x0, s1;
	[sflag:s0] =	ssyncset.done @!p0 $0x0  }
0xb7: {  	[sflag:s0] =	ssyncadd.s32 @!p0 s1  }
0xb8: {  	[bflag:$0x3] =	sbarrier.arrive $0xFFFF  }
0xb9: {  	_ =	shalt  }

// kernel: kernel.8.cloned.1.call-start
scs
__scs_entry_jumppad:
0x0: {  	(pc) =	sbr.rel $0x88, $3  }
0x1: {  	(tag) =	ssettag $0x0;
	lr =	simm.s32 $0x1  }
0x2: {  	[smem:$0x3F9B] =	sst lr;
	_ =	strace $0xD0000000  }
0x3: {  	_ = 	snop  }
0x4: {  	_ = 	snop  }
0x5: {  	_ = 	snop  }
0x6: {  	_ = 	snop  }
0x7: {  	_ = 	snop  }
__scs_overlays_trampoline_lowered:
0x8: {  	[smem:$0x3FAA] =	sst s0  }
0x9: {  	[smem:$0x3FAB] =	sst s1  }
0xa: {  	[smem:$0x3FAC] =	sst s2  }
0xb: {  	[smem:$0x3FAD] =	sst s3  }
0xc: {  	[smem:$0x3FAE] =	sst s4  }
0xd: {  	[smem:$0x3FAF] =	sst s5  }
0xe: {  	[smem:$0x3FB0] =	sst s6  }
0xf: {  	[smem:$0x3FB1] =	sst s7  }
0x10: {  	[smem:$0x3FB2] =	sst s8  }
0x11: {  	[smem:$0x3FB3] =	sst s9;
	s0 =	simm.s32 @!p0 $0x0  }
0x12: {  	s1 =	sld [smem:$0x3F99];
	s0 =	simm.s32 @p0 $0x1  }
0x13: {  	[smem:$0x3FB4] =	sst s0;
	s0 =	simm.s32 @!p1 $0x0  }
0x14: {  	s2 =	sld [smem:$0x3F98];
	s0 =	simm.s32 @p1 $0x1  }
0x15: {  	[smem:$0x3FB5] =	sst s0;
	s0 =	simm.s32 @!p2 $0x0  }
0x16: {  	s3 =	sld [smem:$0x3FDB];
	s0 =	simm.s32 @p2 $0x1  }
0x17: {  	s4 =	simm.s32 $0x1BF5;
	[smem:$0x3FB7] =	sst s0  }
0x18: {  	s0 =	sld [smem:$0x3F9A];
	_ =	swait.ge [sflag:s4], $0x0  }
0x19: {  	s7 =	sld [smem:$0x3F9B]  }
0x1a: {  	s8 =	sadd.s32 $0xFFFFE003, lr  }
0x1b: {  	s9 =	sadd.s32 $0xFFFFFEF7, lr;
	s5 =	simm.s32 $0xFFFFFFFF;
	p2 =	slt.u32 s8, $0xFFFFF086  }
0x1c: {  	p1 =	slt.u32 s9, $0xF7A;
	s5 =	simm.s32 @!p2 $0x0  }
0x1d: {  	s5 =	simm.s32 @p1 $0x1;
	p0 =	seq.s32 s7, s2  }
0x1e: {  	s7 =	smul.u32 @!p0 $0xF7A, s2;
	p2 =	seq.s32 @!p0 s5, $0x0  }
0x1f: {  	s9 =	smul.u32 $0xF7A, s1;
	s8 =	simm.s32 @!p0 $0x1BF5;
	p2 =	por !p2, p0  }
0x20: {  	[sflag:s8] =	ssyncset.s32 @!p0 $0xFFFFF086;
	s6 =	sadd.s32 @!p0 s3, s7;
	s7 =	simm.s32 @!p0 $0x108  }
0x21: {  	s3 =	sadd.s32 s3, s9;
	s6 =	sadd.s32 @!p0 $0x88, s6;
	s7 =	simm.s32 @p2 $0x1082  }
0x22: {  	[simem:s7], [sflag:s8] =	dma.local @!p0 [hbm:s6], $0xF7A  }
0x23: {  	s9 =	sor.u32 $0xD0000000, s2;
	s6 =	simm.s32 $0x108;
	_ =	swait.ge @!p0 [sflag:s8], $0x0  }
0x24: {  	s3 =	sadd.s32 $0x88, s3;
	s6 =	simm.s32 @!p1 $0x1082;
	[sflag:s4] =	ssyncset.s32 $0xFFFFF086  }
0x25: {  	[simem:s6], [sflag:s4] =	dma.local [hbm:s3], $0xF7A  }
0x26: {  	[smem:$0x3F9B] =	sst s1;
	(tag) =	ssettag s2;
	_ =	strace s9  }
0x27: {  	s1 =	sld [smem:$0x3FAB]  }
0x28: {  	s2 =	sld [smem:$0x3FAC]  }
0x29: {  	s4 =	sld [smem:$0x3FAE]  }
0x2a: {  	p0 =	seq.s32 s5, $0x0;
	s5 =	sld [smem:$0x3FAF]  }
0x2b: {  	s6 =	sld [smem:$0x3FB0]  }
0x2c: {  	s7 =	sld [smem:$0x3FB1]  }
0x2d: {  	s3 =	simm.s32 $0x108;
	s8 =	sld [smem:$0x3FB2]  }
0x2e: {  	s3 =	simm.s32 @!p0 $0x1082;
	s9 =	sld [smem:$0x3FB3]  }
0x2f: {  	lr =	sadd.s32 s0, s3;
	s0 =	sld [smem:$0x3FAA]  }
0x30: {  	s3 =	sld [smem:$0x3FAD]  }
0x31: {  	[smem:$0x3FB6] =	sst s10  }
0x32: {  	s10 =	sld [smem:$0x3FB4];
	_ =	sdelay $0x3  }
0x33: {  	p0 =	seq.s32 s10, $0x1;
	s10 =	sld [smem:$0x3FB6];
	_ =	sdelay $0x3  }
0x34: {  	[smem:$0x3FB6] =	sst s10  }
0x35: {  	s10 =	sld [smem:$0x3FB5];
	_ =	sdelay $0x3  }
0x36: {  	p1 =	seq.s32 s10, $0x1;
	s10 =	sld [smem:$0x3FB6];
	_ =	sdelay $0x3  }
0x37: {  	[smem:$0x3FB6] =	sst s10  }
0x38: {  	s10 =	sld [smem:$0x3FB7]  }
0x39: {  	_ = 	snop;
	(pc) =	sbr.ind lr, $3  }
0x3a: {  	_ = 	snop  }
0x3b: {  	_ = 	snop  }
0x3c: {  	p2 =	seq.s32 s10, $0x1;
	s10 =	sld [smem:$0x3FB6]  }
0x3d: {  	_ =	shalt  }
0x3e: {  	_ =	shalt  }
0x3f: {  	_ =	shalt  }
0x40: {  	_ =	shalt  }
0x41: {  	_ =	shalt  }
0x42: {  	_ =	shalt  }
0x43: {  	_ =	shalt  }
0x44: {  	_ =	shalt  }
0x45: {  	_ =	shalt  }
0x46: {  	_ =	shalt  }
0x47: {  	_ =	shalt  }
0x48: {  	_ =	shalt  }
0x49: {  	_ =	shalt  }
0x4a: {  	_ =	shalt  }
0x4b: {  	_ =	shalt  }
0x4c: {  	_ =	shalt  }
0x4d: {  	_ =	shalt  }
0x4e: {  	_ =	shalt  }
0x4f: {  	_ =	shalt  }
0x50: {  	_ =	shalt  }
0x51: {  	_ =	shalt  }
0x52: {  	_ =	shalt  }
0x53: {  	_ =	shalt  }
0x54: {  	_ =	shalt  }
0x55: {  	_ =	shalt  }
0x56: {  	_ =	shalt  }
0x57: {  	_ =	shalt  }
0x58: {  	_ =	shalt  }
0x59: {  	_ =	shalt  }
0x5a: {  	_ =	shalt  }
0x5b: {  	_ =	shalt  }
0x5c: {  	_ =	shalt  }
0x5d: {  	_ =	shalt  }
0x5e: {  	_ =	shalt  }
0x5f: {  	_ =	shalt  }
0x60: {  	_ =	shalt  }
0x61: {  	_ =	shalt  }
0x62: {  	_ =	shalt  }
0x63: {  	_ =	shalt  }
0x64: {  	_ =	shalt  }
0x65: {  	_ =	shalt  }
0x66: {  	_ =	shalt  }
0x67: {  	_ =	shalt  }
0x68: {  	_ =	shalt  }
0x69: {  	_ =	shalt  }
0x6a: {  	_ =	shalt  }
0x6b: {  	_ =	shalt  }
0x6c: {  	_ =	shalt  }
0x6d: {  	_ =	shalt  }
0x6e: {  	_ =	shalt  }
0x6f: {  	_ =	shalt  }
0x70: {  	_ =	shalt  }
0x71: {  	_ =	shalt  }
0x72: {  	_ =	shalt  }
0x73: {  	_ =	shalt  }
0x74: {  	_ =	shalt  }
0x75: {  	_ =	shalt  }
0x76: {  	_ =	shalt  }
0x77: {  	_ =	shalt  }
0x78: {  	_ =	shalt  }
0x79: {  	_ =	shalt  }
0x7a: {  	_ =	shalt  }
0x7b: {  	_ =	shalt  }
0x7c: {  	_ =	shalt  }
0x7d: {  	_ =	shalt  }
0x7e: {  	_ =	shalt  }
0x7f: {  	_ =	shalt  }
0x80: {  	_ =	shalt  }
0x81: {  	_ =	shalt  }
0x82: {  	_ =	shalt  }
0x83: {  	_ =	shalt  }
0x84: {  	_ =	shalt  }
0x85: {  	_ =	shalt  }
0x86: {  	_ =	shalt  }
0x87: {  	_ =	shalt  }
.Lfunc_end0:
.L_simem_size_0:
called_computation_lowered:
.L_overlay_start_0:
0x88: {  	s2 =	sld [smem:$0x3FD9]  }
0x89: {  	s3 =	sld [smem:$0x3FFE];
	_ =	sdelay $0x1  }
0x8a: {  	s1 =	srdreg.scid  }
0x8b: {  	s0 =	sand.u32 $0x1, s1  }
0x8c: {  	s14 =	sshll.u32 s0, $0xA;
	s2 =	sadd.s32 s3, s2  }
0x8d: {  	s2 =	sadd.s32 s2, s14  }
0x8e: {  	[smem:$0x3FC2] =	sst s2  }
0x8f: {  	_ = 	snop  }
0x90: {  	s2 =	sld [smem:$0x3FD0];
	_ =	sdelay $0x2  }
0x91: {  	s4 =	simm.s32 $0xA;
	s5 =	simm.s32 $0x10;
	s15 =	sld [smem:$0x3FC8]  }
0x92: {  	[smem:s5], [sflag:s4] =	dma.local [hbm:s2], $0x1  }
0x93: {  	_ =	swait.eq [sflag:s4], $0x1  }
0x94: {  	[sflag:s4] =	ssyncset.done $0x0  }
0x95: {  	[sflag:s4] =	ssyncadd.s32 $0xFFFFFFFF  }
0x96: {  	s16 =	sld [smem:$0x10];
	(tm) =	ssettm $0x1  }
0x97: {  	s17 =	sld [smem:$0x3FFB];
	_ =	sdelay $0x3  }
0x98: {  	_ =	strace s17  }
0x99: {  	s4 =	sld [smem:$0x3FFC];
	_ =	sdelay $0x3  }
0x9a: {  	_ =	strace s4  }
0x9b: {  	s4 =	sld [smem:$0x3FFD];
	_ =	sdelay $0x3  }
0x9c: {  	_ =	strace s4  }
0x9d: {  	_ =	strace $0x8FFFFFFF  }
0x9e: {  	s18 =	sld [smem:$0x3FDB];
	_ =	sdelay $0x1  }
0x9f: {  	s19 =	simm.s32 $_scs_section_size  }
0xa0: {  	s6 =	simm.s32 $_size__tile_overlayer_lowered;
	s7 =	simm.s32 $_tile_overlayer_lowered  }
0xa1: {  	s22 =	simm.s32 $0x1BFF;
	s21 =	sshll.u32 s7, $0x1;
	s4 =	sadd.s32 s19, s18  }
0xa2: {  	s8 =	simm.s32 $0x0;
	s20 =	sshll.u32 s6, $0x1;
	s6 =	sadd.s32 s21, s4  }
0xa3: {  	[timem:s8], [sflag:s22] =	dma.local [hbm:s6], s20  }
0xa4: {  	_ =	swait.ge [sflag:s22], s20  }
0xa5: {  	s5 =	ssub.s32 $0x0, s20;
	[sflag:s22] =	ssyncset.done $0x0  }
0xa6: {  	[sflag:s22] =	ssyncadd.s32 s5;
	_ =	sdelay $0x1  }
0xa7: {  	s23 =	simm.s32 $0x1B8B  }
0xa8: {  	_ =	swait.ge [sflag:s23], $0x1  }
0xa9: {  	[sflag:s23] =	ssyncset.done $0x0  }
0xaa: {  	s25 =	simm.s32 $0x1B8E;
	s24 =	sld [smem:$0x3FFE];
	[sflag:s23] =	ssyncadd.s32 $0xFFFFFFFF  }
0xab: {  	s26 =	simm.s32 $execute0_lowered;
	[smem:$0x3FD2] =	sst s25  }
0xac: {  	s6 =	sshll.u32 s26, $0x1;
	_ =	strace $0x80000046;
	[dreg:$0x1] =	wrdreg $0xFFFFFFFF  }
0xad: {  	s28 =	simm.s32 $_size_execute0_lowered;
	s4 =	sadd.s32 s4, s6;
	[dreg:$0x0] =	wrdreg $0x0  }
0xae: {  	s6 =	sshll.u32 s28, $0x1;
	[dreg:$0x2] =	wrdreg s4  }
0xaf: {  	[dreg:$0x3] =	wrdreg s6  }
0xb0: {  	[dreg:$0x4] =	wrdreg $0xC0  }
0xb1: {  	_ =	task [dreg:s8], $0x5FFFF  }
0xb2: {  	[dreg:$0x1] =	wrdreg $0xFFFFFFFF  }
0xb3: {  	[dreg:$0x0] =	wrdreg $0x60  }
0xb4: {  	[dreg:$0x2] =	wrdreg s15  }
0xb5: {  	[dreg:$0x3] =	wrdreg s24  }
0xb6: {  	[dreg:$0x4] =	wrdreg s16  }
0xb7: {  	[dreg:$0x5] =	wrdreg $0x9  }
0xb8: {  	_ =	task.clear_ibuf [dreg:s8], $0x6FFFF;
	_ =	strace $0x90000046  }
0xb9: {  	s29 =	simm.s32 $0x9;
	_ =	strace $0x80000048  }
0xba: {  	_ =	swait.ge [sflag:s29], $0x1  }
0xbb: {  	[sflag:s29] =	ssyncadd.s32 $0xFFFFFFFF  }
0xbc: {  	_ =	strace $0x90000048  }
0xbd: {  	_ =	sfence  }
0xbe: {  	s30 =	sld [smem:$0x0];
	_ =	sdelay $0x2  }
0xbf: {  	s31 =	sshll.u32 s1, $0xD;
	s1 =	sshrl.u32 s1, $0x2  }
0xc0: {  	s3 =	sand.u32 $0x4000, s31;
	s1 =	sadd.s32 s1, s30  }
0xc1: {  	s0 =	sor.u32 s3, s0;
	s1 =	sshll.u32 s1, $0x11  }
0xc2: {  	s0 =	sor.u32 s1, s0  }
0xc3: {  	s0 =	sadd.s32 $0x8F2B, s0  }
0xc4: {  	[sflag:s0] =	ssyncadd.remote.s32 $0x1  }
0xc5: {  	_ =	sfence.sel $0xFFFF  }
0xc6: {  	[dreg:$0x0] =	wrdreg $0xFFFFFFFF;
	(pc) =	sbr.abs _section_cstart, $3  }
0xc7: {  	[dreg:$0x1] =	wrdreg $0xFFFFFFFF  }
0xc8: {  	_ =	task.clear_ibuf [dreg:s8], $0x2FFFF;
	_ =	strace $0x9FFFFFFF  }
0xc9: {  	(tm) =	ssettm $0x7FFFFFFF  }
tec
execute0_lowered:
.L_overlay_start_1:
0x0: {  	(tag) =	ssettag $0x1  }
0x1: {  	s4 =	rddreg [dreg:$0x0]  }
0x2: {  	s3 =	rddreg [dreg:$0x1]  }
0x3: {  	s6 =	rddreg [dreg:$0x2];
	s1 =	srdreg.scid  }
0x4: {  	s0 =	rddreg [dreg:$0x3];
	s2 =	simm.s32 $0x0;
	s5 =	sand.u32 $0x1, s1  }
0x5: {  	s11 =	simm.s32 $0x100;
	s1 =	stileid.u32;
	s7 =	sshll.u32 s5, $0x4  }
0x6: {  	[smem:$0x7FF] =	sst s2;
	s5 =	ssub.s32 $0x2, s5;
	s8 =	sor.u32 s1, s7  }
0x7: {  	s3 =	sadd.s32 $0x2400, s3;
	s30 =	sshrl.u32 s5, $0x1;
	s9 =	smul.u32 $0xA00, s8  }
0x8: {  	_ =	strace $0x80000047;
	s7 =	ssub.s32 s5, s30;
	s10 =	smul.u32 $0x500, s8  }
.Ltmp0:
0x9: {  	s31 =	sshll.u32 s8, $0x5;
	s12 =	sadd.s32 $0xFFFFFFFA, s8;
	(pc) =	sbr.rel .LBB2_1-.Ltmp0, $4  }
0xa: {  	p0 =	seq.s32 s8, $0x1F;
	s8 =	simm.s32 $0x2880;
	s5 =	sadd.s32 s31, s4  }
0xb: {  	s7 =	smax.u32 s7, $0x1;
	p1 =	sgt.u32 s12, $0x13;
	s12 =	simm.s32 $0x0  }
0xc: {  	s9 =	sadd.s32 s9, s4;
	s5 =	sadd.s32 $0x13550, s5;
	s6 =	sadd.s32 s6, s10  }
0xd: {  	v0 =	vimm.f32 $1.000000000e+00;
	s10 =	simm.s32 $0x80;
	s4 =	sadd.s32 $0x10, s9;
	s9 =	simm.s32 $0x1  }
.LBB2_4:
0xe: {  	v1 =	vld [tilespmem:s14+$0x0];
	_ =	sdelay $0x7  }
0xf: {  	s13 =	simm.s32 @!p1 $0x0;
	s14 =	simm.s32 @!p1 $0x2800;
	[tilespmem:v1+s8+$0x0] =	vst.idx.add.f32.msk $0xffff, v0  }
0x10: {  	[tilespmem:s14], [sflag:$0x1] =	stream.linear.gather @!p1 [hbm4b:s5+s13], $0x80, $0x38;
	[tilespmem:$0x5080] =	vst v63  }
0x11: {  	s13 =	simm.s32 @!p1 $0x1  }
0x12: {  	_ =	swait.ge @!p1 [sflag:s13], $0x80  }
0x13: {  	[sflag:s13] =	ssyncset.done @!p1 $0x0  }
0x14: {  	[sflag:s13] =	ssyncadd.s32 @!p1 $0xFFFFFF80  }
0x15: {  	v1 =	vld @!p1 [tilespmem:$0x2800];
	_ =	sdelay $0x6  }
0x16: {  	v2 =	vimm.f32 @!p1 $1.000000000e+00;
	s13 =	simm.s32 @!p1 $0x2880  }
0x17: {  	[tilespmem:v1+s13+$0x0] =	vst.idx.add.f32.msk @!p1 $0xffff, v2  }
0x18: {  	v1 =	vld @!p1 [tilespmem:$0x2810];
	_ =	sdelay $0x7  }
0x19: {  	[tilespmem:v1+s13+$0x0] =	vst.idx.add.f32.msk @!p1 $0xffff, v2  }
0x1a: {  	v1 =	vld @!p1 [tilespmem:$0x2820];
	_ =	sdelay $0x7  }
0x1b: {  	[tilespmem:v1+s13+$0x0] =	vst.idx.add.f32.msk @!p1 $0xffff, v2  }
0x1c: {  	v1 =	vld @!p1 [tilespmem:$0x2830];
	_ =	sdelay $0x7  }
0x1d: {  	[tilespmem:v1+s13+$0x0] =	vst.idx.add.f32.msk @!p1 $0xffff, v2  }
0x1e: {  	v1 =	vld @!p1 [tilespmem:$0x2840];
	_ =	sdelay $0x7  }
0x1f: {  	[tilespmem:v1+s13+$0x0] =	vst.idx.add.f32.msk @!p1 $0xffff, v2  }
0x20: {  	v1 =	vld @!p1 [tilespmem:$0x2850];
	_ =	sdelay $0x7  }
0x21: {  	[tilespmem:v1+s13+$0x0] =	vst.idx.add.f32.msk @!p1 $0xffff, v2  }
0x22: {  	v1 =	vld @!p1 [tilespmem:$0x2860];
	_ =	sdelay $0x7  }
0x23: {  	[tilespmem:v1+s13+$0x0] =	vst.idx.add.f32.msk @!p1 $0xffff, v2  }
0x24: {  	v1 =	vld @!p1 [tilespmem:$0x2870];
	_ =	sdelay $0x7  }
0x25: {  	[tilespmem:v1+s13+$0x0] =	vst.idx.add.f32.msk @!p1 $0xffff, v2  }
.LBB2_5:
0x26: {  	s12 =	sadd.s32 $0x1, s12  }
0x27: {  	p2 =	sne.s32 s12, s7  }
.Ltmp1:
0x28: {  	_ = 	snop;
	(pc) =	sbr.rel @!p2 .LBB2_6-.Ltmp1, $4  }
0x29: {  	[hbm4b:s6+s2] =	stream.linear.scatter [tilespmem:s8], [sflag:$0x1], $0x2780, $0x38;
	[tilespmem:$0x5080] =	vst v63  }
0x2a: {  	_ =	swait.ge [sflag:s9], $0x2780  }
0x2b: {  	[sflag:s9] =	ssyncset.done $0x0  }
0x2c: {  	[sflag:s9] =	ssyncadd.s32 $0xFFFFD880  }
.LBB2_1:
.Ltmp2:
0x2d: {  	(pc) =	sbr.rel @p0 .LBB2_5-.Ltmp2, $4  }
0x2e: {  	[tilespmem:s8], [sflag:$0x1] =	stream.linear.gather [hbm4b:s3+s2], $0x2780, $0x38;
	[tilespmem:$0x5080] =	vst v63  }
0x2f: {  	_ =	swait.ge [sflag:s9], $0x2780  }
0x30: {  	[sflag:s9] =	ssyncset.done $0x0  }
0x31: {  	[sflag:s9] =	ssyncadd.s32 $0xFFFFD880  }
0x32: {  	s13 =	simm.s32 $0x0  }
0x33: {  	[tilespmem:s13], [sflag:$0x1] =	stream.strided.gather [hbm4b:s4+s10], $0x2800, s11, s10, $0x38;
	[tilespmem:$0x5080] =	vst v63  }
0x34: {  	_ =	swait.ge [sflag:s9], $0x2800  }
0x35: {  	[sflag:s9] =	ssyncset.done $0x0  }
0x36: {  	s14 =	simm.s32 $0x0;
	s13 =	simm.s32 $0x40;
	[sflag:s9] =	ssyncadd.s32 $0xFFFFD800  }
.LBB2_3:
0x37: {  	p2 =	sne.s32 s13, $0x9FC0;
	v1 =	vld [tilespmem:s14+$0x0];
	_ =	sdelay $0x3  }
.Ltmp3:
0x38: {  	(pc) =	sbr.rel @p2 .LBB2_3-.Ltmp3, $2  }
0x39: {  	_ =	sdelay $0x2  }
0x3a: {  	s14 =	sshra.s32 s13, $0x2;
	s13 =	sadd.s32 $0x40, s13;
	[tilespmem:v1+s8+$0x0] =	vst.idx.add.f32.msk $0xffff, v0  }
.Ltmp4:
0x3b: {  	_ = 	snop;
	(pc) =	sbr.rel .LBB2_4-.Ltmp4, $1  }
0x3c: {  	_ =	sdelay $0x3  }
.LBB2_6:
0x3d: {  	_ =	sfence.sel $0x180000  }
0x3e: {  	[bflag:$0x0] =	sbarrier.arrive $0xFFFF  }
0x3f: {  	p0 =	sne.s32 s1, $0x0;
	_ =	strace $0x90000047  }
0x40: {  	s0 =	sadd.s32 @!p0 $0x100000, s0;
	[bflag:$0x2] =	sbarrier.arrive $0xFFFF  }
0x41: {  	[sflag:s0] =	ssyncadd.tile.s32 @!p0 $0x1;
	_ =	shalt  }
.Lfunc_end2:
_tile_overlayer_lowered:
.L_overlay_start_2:
0x42: {  	(tag) =	ssettag $0x2  }
0x43: {  	s0 =	rddreg [dreg:$0x0];
	s2 =	stileid.u32  }
0x44: {  	s1 =	rddreg [dreg:$0x1];
	p0 =	sne.s32 s2, $0x0  }
0x45: {  	s3 =	rddreg [dreg:$0x2];
	[bflag:$0x3] =	sbarrier.arrive $0xFFFF;
	s2 =	simm.s32 @!p0 $0x1C01  }
0x46: {  	[timem:s3], [sflag:s2] =	dma.local @!p0 [hbm:s0], s1  }
0x47: {  	s0 =	simm.s32 @!p0 $0x1  }
0x48: {  	_ =	swait.ge @!p0 [sflag:s0], s1  }
0x49: {  	s1 =	ssub.s32 @!p0 $0x0, s1;
	[sflag:s0] =	ssyncset.done @!p0 $0x0  }
0x4a: {  	[sflag:s0] =	ssyncadd.s32 @!p0 s1  }
0x4b: {  	[bflag:$0x3] =	sbarrier.arrive $0xFFFF  }
0x4c: {  	_ =	shalt  }

</sc_bundles>
